<compile_context>
chip_gen: v7x
topology: tpu7x:2x2x1
jax: 0.10.2.dev20260603
libtpu: 0.0.44.dev20260713+nightly
codegen_flags: <defaults>
</compile_context>

<pallas_src>
import functools

import jax
import jax.numpy as jnp
from jax import lax
from jax.experimental import pallas as pl
from jax.experimental.pallas import tpu as pltpu
from jax.experimental.pallas import tpu_sc as plsc

B = 16
MAX_LEN = 2048
D = 768
K = 1536
NW = 32
NS = 16
CHUNK = (MAX_LEN - K) // NW
L = 16
BR = 256


def _sc_body(table_hbm, tshift_hbm, len_hbm, out_hbm,
             len_v, idx_v, tbuf, sh_t, sh_z, sem_g, sem_w):
    cid = lax.axis_index("c")
    sid = lax.axis_index("s")
    wid = sid * 2 + cid
    s = K + wid * CHUNK

    pltpu.sync_copy(len_hbm, len_v)
    lens = len_v[...]
    iota = lax.iota(jnp.int32, L)

    @pl.when(sid == 0)
    def _():
        for j in range(CHUNK // L):
            idx_v[pl.ds(j * L, L)] = jnp.zeros((L,), jnp.int32)
        pltpu.async_copy(table_hbm.at[idx_v], tbuf, sem_g).wait()
        pltpu.sync_copy(tbuf, sh_z)

    pltpu.sync_copy(tshift_hbm.at[pl.ds(s, CHUNK)], sh_t.at[sid])

    plsc.subcore_barrier()

    n_async = jnp.int32(0)
    for b in range(B):
        lb = lens[b]

        @pl.when(s + CHUNK <= lb)
        def _():
            pltpu.async_copy(sh_t.at[sid], out_hbm.at[b, pl.ds(s, CHUNK)],
                             sem_w)

        @pl.when(lb <= s)
        def _():
            pltpu.async_copy(sh_z, out_hbm.at[b, pl.ds(s, CHUNK)], sem_w)

        outside = (s + CHUNK <= lb) | (lb <= s)
        n_async = n_async + jnp.where(outside, 1, 0).astype(jnp.int32)

    def drain(i, carry):
        @pl.when(i < n_async)
        def _():
            pltpu.make_async_copy(sh_z, out_hbm.at[0, pl.ds(0, CHUNK)],
                                  sem_w).wait()
        return carry

    lax.fori_loop(0, B, drain, 0)

    for b in range(B):
        lb = lens[b]

        @pl.when((s < lb) & (lb < s + CHUNK))
        def _():
            for j in range(CHUNK // L):
                vec = s + j * L + iota + 1
                idx_v[pl.ds(j * L, L)] = jnp.where(vec <= lb, vec, 0)
            pltpu.async_copy(table_hbm.at[idx_v], tbuf, sem_g).wait()
            pltpu.sync_copy(tbuf, out_hbm.at[b, pl.ds(s, CHUNK)])


def _tc_body(_, tab_ref, len_ref, out_ref):
    i = pl.program_id(0)
    b = pl.program_id(1)
    lb = len_ref[b]
    rows = i * BR + lax.broadcasted_iota(jnp.int32, (BR, 1), 0)
    out_ref[...] = jnp.where(rows < lb, tab_ref[...], 0.0)[None]


def kernel(input_len, table):
    len_i32 = input_len.astype(jnp.int32)
    tshift = lax.slice(table, (1, 0), (MAX_LEN + 1, D))

    mesh = plsc.VectorSubcoreMesh(core_axis_name="c", subcore_axis_name="s")
    sc_run = functools.partial(
        pl.kernel,
        mesh=mesh,
        out_type=jax.ShapeDtypeStruct((B, MAX_LEN, D), jnp.float32),
        scratch_types=[
            pltpu.VMEM((L,), jnp.int32),
            pltpu.VMEM((CHUNK,), jnp.int32),
            pltpu.VMEM((CHUNK, D), jnp.float32),
            pltpu.VMEM_SHARED((NS, CHUNK, D), jnp.float32),
            pltpu.VMEM_SHARED((CHUNK, D), jnp.float32),
            pltpu.SemaphoreType.DMA,
            pltpu.SemaphoreType.DMA,
        ],
    )(_sc_body)
    out_sc = sc_run(table, tshift, len_i32)

    tc_run = pl.pallas_call(
        _tc_body,
        grid=(K // BR, B),
        in_specs=[
            pl.BlockSpec(memory_space=pl.ANY),
            pl.BlockSpec((BR, D), lambda i, b: (i, 0)),
            pl.BlockSpec(memory_space=pltpu.SMEM),
        ],
        out_specs=pl.BlockSpec((1, BR, D), lambda i, b: (b, i, 0)),
        out_shape=jax.ShapeDtypeStruct((B, MAX_LEN, D), jnp.float32),
        input_output_aliases={0: 0},
    )
    return tc_run(out_sc, tshift, len_i32)

# --- scband reference (transcript-rebuilt; emitter-appended) ---
"""Pipeline reference for scband-pos-encoding-2207613190393 (READ-ONLY COPY).

The authoritative reference and input builder live on the scoring server;
editing this copy changes nothing except your own understanding.
"""

import jax, jax.numpy as jnp
import numpy as np

MAX_SEQ_LEN = 20480
D = 768
MAX_LEN = MAX_SEQ_LEN // 10  # 2048
BATCH = 16


def _build_pos_enc_table():
    j = np.arange(D)
    pos = np.arange(MAX_SEQ_LEN)[:, None].astype(np.float64)
    pe = pos / np.power(10000.0, 2.0 * (j // 2) / D)
    pe[:, 0::2] = np.sin(pe[:, 0::2])
    pe[:, 1::2] = np.cos(pe[:, 1::2])
    pad_row = np.zeros((1, D))
    pe = np.concatenate([pad_row, pe], axis=0).astype(np.float32)
    return jnp.asarray(pe)  # [MAX_SEQ_LEN + 1, D]


def setup_inputs(seed: int = 0) -> dict:
    key = jax.random.key(seed)
    input_len = jax.random.randint(key, (BATCH,), 0, MAX_LEN).astype(jnp.int64)
    table = _build_pos_enc_table()
    return {"input_len": input_len, "table": table}


def reference(input_len, table):
    # Build input_pos: for each sequence, positions 1..len then 0-padding up to MAX_LEN
    pos = jnp.arange(1, MAX_LEN + 1, dtype=jnp.int32)  # [MAX_LEN]
    input_pos = jnp.where(pos[None, :] <= input_len[:, None].astype(jnp.int32), pos[None, :], 0)  # [B, MAX_LEN]
    # Embedding lookup (gather) into the fixed sinusoidal table
    out = jnp.take(table, input_pos, axis=0)  # [B, MAX_LEN, D]
    return out

if __name__ == "__main__":
    import jax
    _d = setup_inputs()
    print(jax.jit(kernel)(*tuple(_d.values())))

</pallas_src>

<mosaic_0001>
#map = affine_map<(d0, d1) -> (0, 0)>
#map1 = affine_map<(d0, d1) -> (0)>
#map2 = affine_map<(d0, d1) -> (0, 0, 0)>
module attributes {stable_mosaic.version = 14 : i64} {
  func.func @_sc_body(%arg0: i32, %arg1: i32, %arg2: memref<20481x768xf32, #tpu.memory_space<hbm>>, %arg3: memref<2048x768xf32, #tpu.memory_space<hbm>>, %arg4: memref<16xi32, #tpu.memory_space<hbm>>, %arg5: memref<16x2048x768xf32, #tpu.memory_space<hbm>>, %arg6: memref<16xi32, #tpu.memory_space<vmem>>, %arg7: memref<16xi32, #tpu.memory_space<vmem>>, %arg8: memref<16x768xf32, #tpu.memory_space<vmem>>, %arg9: memref<16x16x768xf32, #tpu.memory_space<vmem_shared>>, %arg10: memref<16x768xf32, #tpu.memory_space<vmem_shared>>, %arg11: memref<!tpu.dma_semaphore, #tpu.memory_space<semaphore_mem>>, %arg12: memref<!tpu.dma_semaphore, #tpu.memory_space<semaphore_mem>>) attributes {dimension_semantics = [#tpu.dimension_semantics<core_parallel>, #tpu.dimension_semantics<subcore_parallel>], iteration_bounds = array<i64: 2, 16>, scalar_prefetch = 0 : i64, scratch_operands = 7 : i64, tpu.core_type = #tpu.core_type<sc_vector_subcore>, window_params = [{transform_indices = #map}, {transform_indices = #map}, {transform_indices = #map1}, {transform_indices = #map2}]} {
    %mul3A = arith.constant 2 : i32
    %mul3A_0 = arith.muli %arg1, %mul3A : i32
    %add3A = arith.addi %mul3A_0, %arg0 : i32
    %mul3A_1 = arith.constant 16 : i32
    %mul3A_2 = arith.muli %add3A, %mul3A_1 : i32
    %add3A_3 = arith.constant 1536 : i32
    %add3A_4 = arith.addi %add3A_3, %mul3A_2 : i32
    "tpu.region"() ({
      %run_scoped3A = tpu.sem_alloc : memref<!tpu.dma_semaphore, #tpu.memory_space<semaphore_mem>>
      tpu.enqueue_dma source(%arg4 : memref<16xi32, #tpu.memory_space<hbm>>) target(%arg6 : memref<16xi32, #tpu.memory_space<vmem>>) target_semaphore(%run_scoped3A : memref<!tpu.dma_semaphore, #tpu.memory_space<semaphore_mem>>)
      tpu.wait_dma2 semaphore(%run_scoped3A : memref<!tpu.dma_semaphore, #tpu.memory_space<semaphore_mem>>) src(%arg4 : memref<16xi32, #tpu.memory_space<hbm>>) dst(%arg6 : memref<16xi32, #tpu.memory_space<vmem>>)
      tpu.yield
    }) : () -> ()
    %get3A = arith.constant 0 : index
    %get3A_5 = tpu.vector_load %arg6[%get3A] {strides = array<i32>} : memref<16xi32, #tpu.memory_space<vmem>>, vector<16xi32>,
    %get3A_6 = vector.shape_cast %get3A_5 : vector<16xi32> to vector<16xi32>
    %iota3A = tpu.iota {dimensions = array<i32: 0>} : vector<16xi32>
    %eq3A = arith.constant 0 : i32
    %eq3A_7 = arith.cmpi eq, %arg1, %eq3A : i32
    %convert_element_type3A = arith.extui %eq3A_7 : i1 to i32
    %cond3A = arith.constant 0 : i32
    %cond3A_8 = arith.cmpi ne, %convert_element_type3A, %cond3A : i32
    scf.if %cond3A_8 {
      %broadcast_in_dim3A = arith.constant 0 : i32
      %broadcast_in_dim3A_503 = vector.broadcast %broadcast_in_dim3A : i32 to vector<16xi32>
      %swap3A = arith.constant 0 : index
      %swap3A_504 = tpu.vector_load %arg7[%swap3A] {strides = array<i32>} : memref<16xi32, #tpu.memory_space<vmem>>, vector<16xi32>,
      %swap3A_505 = vector.shape_cast %swap3A_504 : vector<16xi32> to vector<16xi32>
      %swap3A_506 = vector.shape_cast %broadcast_in_dim3A_503 : vector<16xi32> to vector<16xi32>
      tpu.vector_store %arg7[%swap3A], %swap3A_506 {strides = array<i32>} : memref<16xi32, #tpu.memory_space<vmem>>, vector<16xi32>,
      %dma_start3A = arith.constant 0 : i32
      %dma_start3A_507 = arith.constant 0 : i32
      %dma_start3A_508 = tpu.memref_slice %arg2[%dma_start3A, %dma_start3A_507] : memref<20481x768xf32, #tpu.memory_space<hbm>> -> memref<20481x768xf32, #tpu.memory_space<hbm>>
      tpu.enqueue_indirect_dma source(%dma_start3A_508 : memref<20481x768xf32, #tpu.memory_space<hbm>>) target(%arg8 : memref<16x768xf32, #tpu.memory_space<vmem>>) offsets(%arg7 : memref<16xi32, #tpu.memory_space<vmem>>) semaphore(%arg11 : memref<!tpu.dma_semaphore, #tpu.memory_space<semaphore_mem>>)
      %dma_wait3A = arith.constant 0 : i32
      %dma_wait3A_509 = arith.constant 0 : i32
      %dma_wait3A_510 = tpu.memref_slice %arg2[%dma_wait3A, %dma_wait3A_509] : memref<20481x768xf32, #tpu.memory_space<hbm>> -> memref<20481x768xf32, #tpu.memory_space<hbm>>
      tpu.wait_indirect_dma semaphore(%arg11 : memref<!tpu.dma_semaphore, #tpu.memory_space<semaphore_mem>>) src(%dma_wait3A_510 : memref<20481x768xf32, #tpu.memory_space<hbm>>) dst(%arg8 : memref<16x768xf32, #tpu.memory_space<vmem>>)
      "tpu.region"() ({
        %run_scoped3A = tpu.sem_alloc : memref<!tpu.dma_semaphore, #tpu.memory_space<semaphore_mem>>
        tpu.enqueue_dma source(%arg8 : memref<16x768xf32, #tpu.memory_space<vmem>>) target(%arg10 : memref<16x768xf32, #tpu.memory_space<vmem_shared>>) target_semaphore(%run_scoped3A : memref<!tpu.dma_semaphore, #tpu.memory_space<semaphore_mem>>)
        tpu.wait_dma2 semaphore(%run_scoped3A : memref<!tpu.dma_semaphore, #tpu.memory_space<semaphore_mem>>) src(%arg8 : memref<16x768xf32, #tpu.memory_space<vmem>>) dst(%arg10 : memref<16x768xf32, #tpu.memory_space<vmem_shared>>)
        tpu.yield
      }) : () -> ()
    } else {
    }
    "tpu.region"() ({
      %run_scoped3A = tpu.sem_alloc : memref<!tpu.dma_semaphore, #tpu.memory_space<semaphore_mem>>
      %dma_start3A = arith.constant 0 : i32
      %dma_start3A_503 = arith.constant 0 : i32
      %dma_start3A_504 = tpu.memref_slice %arg9[%arg1, %dma_start3A, %dma_start3A_503] : memref<16x16x768xf32, #tpu.memory_space<vmem_shared>> -> memref<1x16x768xf32, #tpu.memory_space<vmem_shared>>
      %dma_start3A_505 = tpu.memref_squeeze %dma_start3A_504 : memref<1x16x768xf32, #tpu.memory_space<vmem_shared>> -> memref<16x768xf32, #tpu.memory_space<vmem_shared>>
      %dma_start3A_506 = arith.constant 0 : i32
      %dma_start3A_507 = tpu.memref_slice %arg3[%add3A_4, %dma_start3A_506] : memref<2048x768xf32, #tpu.memory_space<hbm>> -> memref<16x768xf32, #tpu.memory_space<hbm>>
      tpu.enqueue_dma source(%dma_start3A_507 : memref<16x768xf32, #tpu.memory_space<hbm>>) target(%dma_start3A_505 : memref<16x768xf32, #tpu.memory_space<vmem_shared>>) target_semaphore(%run_scoped3A : memref<!tpu.dma_semaphore, #tpu.memory_space<semaphore_mem>>)
      %dma_wait3A = arith.constant 0 : i32
      %dma_wait3A_508 = arith.constant 0 : i32
      %dma_wait3A_509 = tpu.memref_slice %arg9[%arg1, %dma_wait3A, %dma_wait3A_508] : memref<16x16x768xf32, #tpu.memory_space<vmem_shared>> -> memref<1x16x768xf32, #tpu.memory_space<vmem_shared>>
      %dma_wait3A_510 = tpu.memref_squeeze %dma_wait3A_509 : memref<1x16x768xf32, #tpu.memory_space<vmem_shared>> -> memref<16x768xf32, #tpu.memory_space<vmem_shared>>
      %dma_wait3A_511 = arith.constant 0 : i32
      %dma_wait3A_512 = tpu.memref_slice %arg3[%add3A_4, %dma_wait3A_511] : memref<2048x768xf32, #tpu.memory_space<hbm>> -> memref<16x768xf32, #tpu.memory_space<hbm>>
      tpu.wait_dma2 semaphore(%run_scoped3A : memref<!tpu.dma_semaphore, #tpu.memory_space<semaphore_mem>>) src(%dma_wait3A_512 : memref<16x768xf32, #tpu.memory_space<hbm>>) dst(%dma_wait3A_510 : memref<16x768xf32, #tpu.memory_space<vmem_shared>>)
      tpu.yield
    }) : () -> ()
    %barrier3A = arith.constant 0 : index
    tpu.barrier barrier_id(%barrier3A)
    %slice3A = vector.extract_strided_slice %get3A_6 {offsets = [0], sizes = [1], strides = [1]} : vector<16xi32> to vector<1xi32>
    %squeeze3A = vector.extract %slice3A[0] : i32 from vector<1xi32>
    %add3A_9 = arith.constant 16 : i32
    %add3A_10 = arith.addi %add3A_4, %add3A_9 : i32
    %le3A = arith.cmpi sle, %add3A_10, %squeeze3A : i32
    %convert_element_type3A_11 = arith.extui %le3A : i1 to i32
    %cond3A_12 = arith.constant 0 : i32
    %cond3A_13 = arith.cmpi ne, %convert_element_type3A_11, %cond3A_12 : i32
    scf.if %cond3A_13 {
      %dma_start3A = arith.constant 0 : i32
      %dma_start3A_503 = arith.constant 0 : i32
      %dma_start3A_504 = tpu.memref_slice %arg5[%dma_start3A, %add3A_4, %dma_start3A_503] : memref<16x2048x768xf32, #tpu.memory_space<hbm>> -> memref<1x16x768xf32, #tpu.memory_space<hbm>>
      %dma_start3A_505 = tpu.memref_squeeze %dma_start3A_504 : memref<1x16x768xf32, #tpu.memory_space<hbm>> -> memref<16x768xf32, #tpu.memory_space<hbm>>
      %dma_start3A_506 = arith.constant 0 : i32
      %dma_start3A_507 = arith.constant 0 : i32
      %dma_start3A_508 = tpu.memref_slice %arg9[%arg1, %dma_start3A_506, %dma_start3A_507] : memref<16x16x768xf32, #tpu.memory_space<vmem_shared>> -> memref<1x16x768xf32, #tpu.memory_space<vmem_shared>>
      %dma_start3A_509 = tpu.memref_squeeze %dma_start3A_508 : memref<1x16x768xf32, #tpu.memory_space<vmem_shared>> -> memref<16x768xf32, #tpu.memory_space<vmem_shared>>
      tpu.enqueue_dma source(%dma_start3A_509 : memref<16x768xf32, #tpu.memory_space<vmem_shared>>) target(%dma_start3A_505 : memref<16x768xf32, #tpu.memory_space<hbm>>) target_semaphore(%arg12 : memref<!tpu.dma_semaphore, #tpu.memory_space<semaphore_mem>>)
    } else {
    }
    %le3A_14 = arith.cmpi sle, %squeeze3A, %add3A_4 : i32
    %convert_element_type3A_15 = arith.extui %le3A_14 : i1 to i32
    %cond3A_16 = arith.constant 0 : i32
    %cond3A_17 = arith.cmpi ne, %convert_element_type3A_15, %cond3A_16 : i32
    scf.if %cond3A_17 {
      %dma_start3A = arith.constant 0 : i32
      %dma_start3A_503 = arith.constant 0 : i32
      %dma_start3A_504 = tpu.memref_slice %arg5[%dma_start3A, %add3A_4, %dma_start3A_503] : memref<16x2048x768xf32, #tpu.memory_space<hbm>> -> memref<1x16x768xf32, #tpu.memory_space<hbm>>
      %dma_start3A_505 = tpu.memref_squeeze %dma_start3A_504 : memref<1x16x768xf32, #tpu.memory_space<hbm>> -> memref<16x768xf32, #tpu.memory_space<hbm>>
      tpu.enqueue_dma source(%arg10 : memref<16x768xf32, #tpu.memory_space<vmem_shared>>) target(%dma_start3A_505 : memref<16x768xf32, #tpu.memory_space<hbm>>) target_semaphore(%arg12 : memref<!tpu.dma_semaphore, #tpu.memory_space<semaphore_mem>>)
    } else {
    }
    %add3A_18 = arith.constant 16 : i32
    %add3A_19 = arith.addi %add3A_4, %add3A_18 : i32
    %le3A_20 = arith.cmpi sle, %add3A_19, %squeeze3A : i32
    %le3A_21 = arith.cmpi sle, %squeeze3A, %add3A_4 : i32
    %or3A = arith.ori %le3A_20, %le3A_21 : i1
    %jit3A = arith.constant 1 : i32
    %jit3A_22 = arith.constant 0 : i32
    %select_n3A = arith.select %or3A, %jit3A, %jit3A_22 : i32
    %add3A_23 = arith.constant 0 : i32
    %add3A_24 = arith.addi %add3A_23, %select_n3A : i32
    %slice3A_25 = vector.extract_strided_slice %get3A_6 {offsets = [1], sizes = [1], strides = [1]} : vector<16xi32> to vector<1xi32>
    %squeeze3A_26 = vector.extract %slice3A_25[0] : i32 from vector<1xi32>
    %add3A_27 = arith.constant 16 : i32
    %add3A_28 = arith.addi %add3A_4, %add3A_27 : i32
    %le3A_29 = arith.cmpi sle, %add3A_28, %squeeze3A_26 : i32
    %convert_element_type3A_30 = arith.extui %le3A_29 : i1 to i32
    %cond3A_31 = arith.constant 0 : i32
    %cond3A_32 = arith.cmpi ne, %convert_element_type3A_30, %cond3A_31 : i32
    scf.if %cond3A_32 {
      %dma_start3A = arith.constant 1 : i32
      %dma_start3A_503 = arith.constant 0 : i32
      %dma_start3A_504 = tpu.memref_slice %arg5[%dma_start3A, %add3A_4, %dma_start3A_503] : memref<16x2048x768xf32, #tpu.memory_space<hbm>> -> memref<1x16x768xf32, #tpu.memory_space<hbm>>
      %dma_start3A_505 = tpu.memref_squeeze %dma_start3A_504 : memref<1x16x768xf32, #tpu.memory_space<hbm>> -> memref<16x768xf32, #tpu.memory_space<hbm>>
      %dma_start3A_506 = arith.constant 0 : i32
      %dma_start3A_507 = arith.constant 0 : i32
      %dma_start3A_508 = tpu.memref_slice %arg9[%arg1, %dma_start3A_506, %dma_start3A_507] : memref<16x16x768xf32, #tpu.memory_space<vmem_shared>> -> memref<1x16x768xf32, #tpu.memory_space<vmem_shared>>
      %dma_start3A_509 = tpu.memref_squeeze %dma_start3A_508 : memref<1x16x768xf32, #tpu.memory_space<vmem_shared>> -> memref<16x768xf32, #tpu.memory_space<vmem_shared>>
      tpu.enqueue_dma source(%dma_start3A_509 : memref<16x768xf32, #tpu.memory_space<vmem_shared>>) target(%dma_start3A_505 : memref<16x768xf32, #tpu.memory_space<hbm>>) target_semaphore(%arg12 : memref<!tpu.dma_semaphore, #tpu.memory_space<semaphore_mem>>)
    } else {
    }
    %le3A_33 = arith.cmpi sle, %squeeze3A_26, %add3A_4 : i32
    %convert_element_type3A_34 = arith.extui %le3A_33 : i1 to i32
    %cond3A_35 = arith.constant 0 : i32
    %cond3A_36 = arith.cmpi ne, %convert_element_type3A_34, %cond3A_35 : i32
    scf.if %cond3A_36 {
      %dma_start3A = arith.constant 1 : i32
      %dma_start3A_503 = arith.constant 0 : i32
      %dma_start3A_504 = tpu.memref_slice %arg5[%dma_start3A, %add3A_4, %dma_start3A_503] : memref<16x2048x768xf32, #tpu.memory_space<hbm>> -> memref<1x16x768xf32, #tpu.memory_space<hbm>>
      %dma_start3A_505 = tpu.memref_squeeze %dma_start3A_504 : memref<1x16x768xf32, #tpu.memory_space<hbm>> -> memref<16x768xf32, #tpu.memory_space<hbm>>
      tpu.enqueue_dma source(%arg10 : memref<16x768xf32, #tpu.memory_space<vmem_shared>>) target(%dma_start3A_505 : memref<16x768xf32, #tpu.memory_space<hbm>>) target_semaphore(%arg12 : memref<!tpu.dma_semaphore, #tpu.memory_space<semaphore_mem>>)
    } else {
    }
    %add3A_37 = arith.constant 16 : i32
    %add3A_38 = arith.addi %add3A_4, %add3A_37 : i32
    %le3A_39 = arith.cmpi sle, %add3A_38, %squeeze3A_26 : i32
    %le3A_40 = arith.cmpi sle, %squeeze3A_26, %add3A_4 : i32
    %or3A_41 = arith.ori %le3A_39, %le3A_40 : i1
    %jit3A_42 = arith.constant 1 : i32
    %jit3A_43 = arith.constant 0 : i32
    %select_n3A_44 = arith.select %or3A_41, %jit3A_42, %jit3A_43 : i32
    %add3A_45 = arith.addi %add3A_24, %select_n3A_44 : i32
    %slice3A_46 = vector.extract_strided_slice %get3A_6 {offsets = [2], sizes = [1], strides = [1]} : vector<16xi32> to vector<1xi32>
    %squeeze3A_47 = vector.extract %slice3A_46[0] : i32 from vector<1xi32>
    %add3A_48 = arith.constant 16 : i32
    %add3A_49 = arith.addi %add3A_4, %add3A_48 : i32
    %le3A_50 = arith.cmpi sle, %add3A_49, %squeeze3A_47 : i32
    %convert_element_type3A_51 = arith.extui %le3A_50 : i1 to i32
    %cond3A_52 = arith.constant 0 : i32
    %cond3A_53 = arith.cmpi ne, %convert_element_type3A_51, %cond3A_52 : i32
    scf.if %cond3A_53 {
      %dma_start3A = arith.constant 2 : i32
      %dma_start3A_503 = arith.constant 0 : i32
      %dma_start3A_504 = tpu.memref_slice %arg5[%dma_start3A, %add3A_4, %dma_start3A_503] : memref<16x2048x768xf32, #tpu.memory_space<hbm>> -> memref<1x16x768xf32, #tpu.memory_space<hbm>>
      %dma_start3A_505 = tpu.memref_squeeze %dma_start3A_504 : memref<1x16x768xf32, #tpu.memory_space<hbm>> -> memref<16x768xf32, #tpu.memory_space<hbm>>
      %dma_start3A_506 = arith.constant 0 : i32
      %dma_start3A_507 = arith.constant 0 : i32
      %dma_start3A_508 = tpu.memref_slice %arg9[%arg1, %dma_start3A_506, %dma_start3A_507] : memref<16x16x768xf32, #tpu.memory_space<vmem_shared>> -> memref<1x16x768xf32, #tpu.memory_space<vmem_shared>>
      %dma_start3A_509 = tpu.memref_squeeze %dma_start3A_508 : memref<1x16x768xf32, #tpu.memory_space<vmem_shared>> -> memref<16x768xf32, #tpu.memory_space<vmem_shared>>
      tpu.enqueue_dma source(%dma_start3A_509 : memref<16x768xf32, #tpu.memory_space<vmem_shared>>) target(%dma_start3A_505 : memref<16x768xf32, #tpu.memory_space<hbm>>) target_semaphore(%arg12 : memref<!tpu.dma_semaphore, #tpu.memory_space<semaphore_mem>>)
    } else {
    }
    %le3A_54 = arith.cmpi sle, %squeeze3A_47, %add3A_4 : i32
    %convert_element_type3A_55 = arith.extui %le3A_54 : i1 to i32
    %cond3A_56 = arith.constant 0 : i32
    %cond3A_57 = arith.cmpi ne, %convert_element_type3A_55, %cond3A_56 : i32
    scf.if %cond3A_57 {
      %dma_start3A = arith.constant 2 : i32
      %dma_start3A_503 = arith.constant 0 : i32
      %dma_start3A_504 = tpu.memref_slice %arg5[%dma_start3A, %add3A_4, %dma_start3A_503] : memref<16x2048x768xf32, #tpu.memory_space<hbm>> -> memref<1x16x768xf32, #tpu.memory_space<hbm>>
      %dma_start3A_505 = tpu.memref_squeeze %dma_start3A_504 : memref<1x16x768xf32, #tpu.memory_space<hbm>> -> memref<16x768xf32, #tpu.memory_space<hbm>>
      tpu.enqueue_dma source(%arg10 : memref<16x768xf32, #tpu.memory_space<vmem_shared>>) target(%dma_start3A_505 : memref<16x768xf32, #tpu.memory_space<hbm>>) target_semaphore(%arg12 : memref<!tpu.dma_semaphore, #tpu.memory_space<semaphore_mem>>)
    } else {
    }
    %add3A_58 = arith.constant 16 : i32
    %add3A_59 = arith.addi %add3A_4, %add3A_58 : i32
    %le3A_60 = arith.cmpi sle, %add3A_59, %squeeze3A_47 : i32
    %le3A_61 = arith.cmpi sle, %squeeze3A_47, %add3A_4 : i32
    %or3A_62 = arith.ori %le3A_60, %le3A_61 : i1
    %jit3A_63 = arith.constant 1 : i32
    %jit3A_64 = arith.constant 0 : i32
    %select_n3A_65 = arith.select %or3A_62, %jit3A_63, %jit3A_64 : i32
    %add3A_66 = arith.addi %add3A_45, %select_n3A_65 : i32
    %slice3A_67 = vector.extract_strided_slice %get3A_6 {offsets = [3], sizes = [1], strides = [1]} : vector<16xi32> to vector<1xi32>
    %squeeze3A_68 = vector.extract %slice3A_67[0] : i32 from vector<1xi32>
    %add3A_69 = arith.constant 16 : i32
    %add3A_70 = arith.addi %add3A_4, %add3A_69 : i32
    %le3A_71 = arith.cmpi sle, %add3A_70, %squeeze3A_68 : i32
    %convert_element_type3A_72 = arith.extui %le3A_71 : i1 to i32
    %cond3A_73 = arith.constant 0 : i32
    %cond3A_74 = arith.cmpi ne, %convert_element_type3A_72, %cond3A_73 : i32
    scf.if %cond3A_74 {
      %dma_start3A = arith.constant 3 : i32
      %dma_start3A_503 = arith.constant 0 : i32
      %dma_start3A_504 = tpu.memref_slice %arg5[%dma_start3A, %add3A_4, %dma_start3A_503] : memref<16x2048x768xf32, #tpu.memory_space<hbm>> -> memref<1x16x768xf32, #tpu.memory_space<hbm>>
      %dma_start3A_505 = tpu.memref_squeeze %dma_start3A_504 : memref<1x16x768xf32, #tpu.memory_space<hbm>> -> memref<16x768xf32, #tpu.memory_space<hbm>>
      %dma_start3A_506 = arith.constant 0 : i32
      %dma_start3A_507 = arith.constant 0 : i32
      %dma_start3A_508 = tpu.memref_slice %arg9[%arg1, %dma_start3A_506, %dma_start3A_507] : memref<16x16x768xf32, #tpu.memory_space<vmem_shared>> -> memref<1x16x768xf32, #tpu.memory_space<vmem_shared>>
      %dma_start3A_509 = tpu.memref_squeeze %dma_start3A_508 : memref<1x16x768xf32, #tpu.memory_space<vmem_shared>> -> memref<16x768xf32, #tpu.memory_space<vmem_shared>>
      tpu.enqueue_dma source(%dma_start3A_509 : memref<16x768xf32, #tpu.memory_space<vmem_shared>>) target(%dma_start3A_505 : memref<16x768xf32, #tpu.memory_space<hbm>>) target_semaphore(%arg12 : memref<!tpu.dma_semaphore, #tpu.memory_space<semaphore_mem>>)
    } else {
    }
    %le3A_75 = arith.cmpi sle, %squeeze3A_68, %add3A_4 : i32
    %convert_element_type3A_76 = arith.extui %le3A_75 : i1 to i32
    %cond3A_77 = arith.constant 0 : i32
    %cond3A_78 = arith.cmpi ne, %convert_element_type3A_76, %cond3A_77 : i32
    scf.if %cond3A_78 {
      %dma_start3A = arith.constant 3 : i32
      %dma_start3A_503 = arith.constant 0 : i32
      %dma_start3A_504 = tpu.memref_slice %arg5[%dma_start3A, %add3A_4, %dma_start3A_503] : memref<16x2048x768xf32, #tpu.memory_space<hbm>> -> memref<1x16x768xf32, #tpu.memory_space<hbm>>
      %dma_start3A_505 = tpu.memref_squeeze %dma_start3A_504 : memref<1x16x768xf32, #tpu.memory_space<hbm>> -> memref<16x768xf32, #tpu.memory_space<hbm>>
      tpu.enqueue_dma source(%arg10 : memref<16x768xf32, #tpu.memory_space<vmem_shared>>) target(%dma_start3A_505 : memref<16x768xf32, #tpu.memory_space<hbm>>) target_semaphore(%arg12 : memref<!tpu.dma_semaphore, #tpu.memory_space<semaphore_mem>>)
    } else {
    }
    %add3A_79 = arith.constant 16 : i32
    %add3A_80 = arith.addi %add3A_4, %add3A_79 : i32
    %le3A_81 = arith.cmpi sle, %add3A_80, %squeeze3A_68 : i32
    %le3A_82 = arith.cmpi sle, %squeeze3A_68, %add3A_4 : i32
    %or3A_83 = arith.ori %le3A_81, %le3A_82 : i1
    %jit3A_84 = arith.constant 1 : i32
    %jit3A_85 = arith.constant 0 : i32
    %select_n3A_86 = arith.select %or3A_83, %jit3A_84, %jit3A_85 : i32
    %add3A_87 = arith.addi %add3A_66, %select_n3A_86 : i32
    %slice3A_88 = vector.extract_strided_slice %get3A_6 {offsets = [4], sizes = [1], strides = [1]} : vector<16xi32> to vector<1xi32>
    %squeeze3A_89 = vector.extract %slice3A_88[0] : i32 from vector<1xi32>
    %add3A_90 = arith.constant 16 : i32
    %add3A_91 = arith.addi %add3A_4, %add3A_90 : i32
    %le3A_92 = arith.cmpi sle, %add3A_91, %squeeze3A_89 : i32
    %convert_element_type3A_93 = arith.extui %le3A_92 : i1 to i32
    %cond3A_94 = arith.constant 0 : i32
    %cond3A_95 = arith.cmpi ne, %convert_element_type3A_93, %cond3A_94 : i32
    scf.if %cond3A_95 {
      %dma_start3A = arith.constant 4 : i32
      %dma_start3A_503 = arith.constant 0 : i32
      %dma_start3A_504 = tpu.memref_slice %arg5[%dma_start3A, %add3A_4, %dma_start3A_503] : memref<16x2048x768xf32, #tpu.memory_space<hbm>> -> memref<1x16x768xf32, #tpu.memory_space<hbm>>
      %dma_start3A_505 = tpu.memref_squeeze %dma_start3A_504 : memref<1x16x768xf32, #tpu.memory_space<hbm>> -> memref<16x768xf32, #tpu.memory_space<hbm>>
      %dma_start3A_506 = arith.constant 0 : i32
      %dma_start3A_507 = arith.constant 0 : i32
      %dma_start3A_508 = tpu.memref_slice %arg9[%arg1, %dma_start3A_506, %dma_start3A_507] : memref<16x16x768xf32, #tpu.memory_space<vmem_shared>> -> memref<1x16x768xf32, #tpu.memory_space<vmem_shared>>
      %dma_start3A_509 = tpu.memref_squeeze %dma_start3A_508 : memref<1x16x768xf32, #tpu.memory_space<vmem_shared>> -> memref<16x768xf32, #tpu.memory_space<vmem_shared>>
      tpu.enqueue_dma source(%dma_start3A_509 : memref<16x768xf32, #tpu.memory_space<vmem_shared>>) target(%dma_start3A_505 : memref<16x768xf32, #tpu.memory_space<hbm>>) target_semaphore(%arg12 : memref<!tpu.dma_semaphore, #tpu.memory_space<semaphore_mem>>)
    } else {
    }
    %le3A_96 = arith.cmpi sle, %squeeze3A_89, %add3A_4 : i32
    %convert_element_type3A_97 = arith.extui %le3A_96 : i1 to i32
    %cond3A_98 = arith.constant 0 : i32
    %cond3A_99 = arith.cmpi ne, %convert_element_type3A_97, %cond3A_98 : i32
    scf.if %cond3A_99 {
      %dma_start3A = arith.constant 4 : i32
      %dma_start3A_503 = arith.constant 0 : i32
      %dma_start3A_504 = tpu.memref_slice %arg5[%dma_start3A, %add3A_4, %dma_start3A_503] : memref<16x2048x768xf32, #tpu.memory_space<hbm>> -> memref<1x16x768xf32, #tpu.memory_space<hbm>>
      %dma_start3A_505 = tpu.memref_squeeze %dma_start3A_504 : memref<1x16x768xf32, #tpu.memory_space<hbm>> -> memref<16x768xf32, #tpu.memory_space<hbm>>
      tpu.enqueue_dma source(%arg10 : memref<16x768xf32, #tpu.memory_space<vmem_shared>>) target(%dma_start3A_505 : memref<16x768xf32, #tpu.memory_space<hbm>>) target_semaphore(%arg12 : memref<!tpu.dma_semaphore, #tpu.memory_space<semaphore_mem>>)
    } else {
    }
    %add3A_100 = arith.constant 16 : i32
    %add3A_101 = arith.addi %add3A_4, %add3A_100 : i32
    %le3A_102 = arith.cmpi sle, %add3A_101, %squeeze3A_89 : i32
    %le3A_103 = arith.cmpi sle, %squeeze3A_89, %add3A_4 : i32
    %or3A_104 = arith.ori %le3A_102, %le3A_103 : i1
    %jit3A_105 = arith.constant 1 : i32
    %jit3A_106 = arith.constant 0 : i32
    %select_n3A_107 = arith.select %or3A_104, %jit3A_105, %jit3A_106 : i32
    %add3A_108 = arith.addi %add3A_87, %select_n3A_107 : i32
    %slice3A_109 = vector.extract_strided_slice %get3A_6 {offsets = [5], sizes = [1], strides = [1]} : vector<16xi32> to vector<1xi32>
    %squeeze3A_110 = vector.extract %slice3A_109[0] : i32 from vector<1xi32>
    %add3A_111 = arith.constant 16 : i32
    %add3A_112 = arith.addi %add3A_4, %add3A_111 : i32
    %le3A_113 = arith.cmpi sle, %add3A_112, %squeeze3A_110 : i32
    %convert_element_type3A_114 = arith.extui %le3A_113 : i1 to i32
    %cond3A_115 = arith.constant 0 : i32
    %cond3A_116 = arith.cmpi ne, %convert_element_type3A_114, %cond3A_115 : i32
    scf.if %cond3A_116 {
      %dma_start3A = arith.constant 5 : i32
      %dma_start3A_503 = arith.constant 0 : i32
      %dma_start3A_504 = tpu.memref_slice %arg5[%dma_start3A, %add3A_4, %dma_start3A_503] : memref<16x2048x768xf32, #tpu.memory_space<hbm>> -> memref<1x16x768xf32, #tpu.memory_space<hbm>>
      %dma_start3A_505 = tpu.memref_squeeze %dma_start3A_504 : memref<1x16x768xf32, #tpu.memory_space<hbm>> -> memref<16x768xf32, #tpu.memory_space<hbm>>
      %dma_start3A_506 = arith.constant 0 : i32
      %dma_start3A_507 = arith.constant 0 : i32
      %dma_start3A_508 = tpu.memref_slice %arg9[%arg1, %dma_start3A_506, %dma_start3A_507] : memref<16x16x768xf32, #tpu.memory_space<vmem_shared>> -> memref<1x16x768xf32, #tpu.memory_space<vmem_shared>>
      %dma_start3A_509 = tpu.memref_squeeze %dma_start3A_508 : memref<1x16x768xf32, #tpu.memory_space<vmem_shared>> -> memref<16x768xf32, #tpu.memory_space<vmem_shared>>
      tpu.enqueue_dma source(%dma_start3A_509 : memref<16x768xf32, #tpu.memory_space<vmem_shared>>) target(%dma_start3A_505 : memref<16x768xf32, #tpu.memory_space<hbm>>) target_semaphore(%arg12 : memref<!tpu.dma_semaphore, #tpu.memory_space<semaphore_mem>>)
    } else {
    }
    %le3A_117 = arith.cmpi sle, %squeeze3A_110, %add3A_4 : i32
    %convert_element_type3A_118 = arith.extui %le3A_117 : i1 to i32
    %cond3A_119 = arith.constant 0 : i32
    %cond3A_120 = arith.cmpi ne, %convert_element_type3A_118, %cond3A_119 : i32
    scf.if %cond3A_120 {
      %dma_start3A = arith.constant 5 : i32
      %dma_start3A_503 = arith.constant 0 : i32
      %dma_start3A_504 = tpu.memref_slice %arg5[%dma_start3A, %add3A_4, %dma_start3A_503] : memref<16x2048x768xf32, #tpu.memory_space<hbm>> -> memref<1x16x768xf32, #tpu.memory_space<hbm>>
      %dma_start3A_505 = tpu.memref_squeeze %dma_start3A_504 : memref<1x16x768xf32, #tpu.memory_space<hbm>> -> memref<16x768xf32, #tpu.memory_space<hbm>>
      tpu.enqueue_dma source(%arg10 : memref<16x768xf32, #tpu.memory_space<vmem_shared>>) target(%dma_start3A_505 : memref<16x768xf32, #tpu.memory_space<hbm>>) target_semaphore(%arg12 : memref<!tpu.dma_semaphore, #tpu.memory_space<semaphore_mem>>)
    } else {
    }
    %add3A_121 = arith.constant 16 : i32
    %add3A_122 = arith.addi %add3A_4, %add3A_121 : i32
    %le3A_123 = arith.cmpi sle, %add3A_122, %squeeze3A_110 : i32
    %le3A_124 = arith.cmpi sle, %squeeze3A_110, %add3A_4 : i32
    %or3A_125 = arith.ori %le3A_123, %le3A_124 : i1
    %jit3A_126 = arith.constant 1 : i32
    %jit3A_127 = arith.constant 0 : i32
    %select_n3A_128 = arith.select %or3A_125, %jit3A_126, %jit3A_127 : i32
    %add3A_129 = arith.addi %add3A_108, %select_n3A_128 : i32
    %slice3A_130 = vector.extract_strided_slice %get3A_6 {offsets = [6], sizes = [1], strides = [1]} : vector<16xi32> to vector<1xi32>
    %squeeze3A_131 = vector.extract %slice3A_130[0] : i32 from vector<1xi32>
    %add3A_132 = arith.constant 16 : i32
    %add3A_133 = arith.addi %add3A_4, %add3A_132 : i32
    %le3A_134 = arith.cmpi sle, %add3A_133, %squeeze3A_131 : i32
    %convert_element_type3A_135 = arith.extui %le3A_134 : i1 to i32
    %cond3A_136 = arith.constant 0 : i32
    %cond3A_137 = arith.cmpi ne, %convert_element_type3A_135, %cond3A_136 : i32
    scf.if %cond3A_137 {
      %dma_start3A = arith.constant 6 : i32
      %dma_start3A_503 = arith.constant 0 : i32
      %dma_start3A_504 = tpu.memref_slice %arg5[%dma_start3A, %add3A_4, %dma_start3A_503] : memref<16x2048x768xf32, #tpu.memory_space<hbm>> -> memref<1x16x768xf32, #tpu.memory_space<hbm>>
      %dma_start3A_505 = tpu.memref_squeeze %dma_start3A_504 : memref<1x16x768xf32, #tpu.memory_space<hbm>> -> memref<16x768xf32, #tpu.memory_space<hbm>>
      %dma_start3A_506 = arith.constant 0 : i32
      %dma_start3A_507 = arith.constant 0 : i32
      %dma_start3A_508 = tpu.memref_slice %arg9[%arg1, %dma_start3A_506, %dma_start3A_507] : memref<16x16x768xf32, #tpu.memory_space<vmem_shared>> -> memref<1x16x768xf32, #tpu.memory_space<vmem_shared>>
      %dma_start3A_509 = tpu.memref_squeeze %dma_start3A_508 : memref<1x16x768xf32, #tpu.memory_space<vmem_shared>> -> memref<16x768xf32, #tpu.memory_space<vmem_shared>>
      tpu.enqueue_dma source(%dma_start3A_509 : memref<16x768xf32, #tpu.memory_space<vmem_shared>>) target(%dma_start3A_505 : memref<16x768xf32, #tpu.memory_space<hbm>>) target_semaphore(%arg12 : memref<!tpu.dma_semaphore, #tpu.memory_space<semaphore_mem>>)
    } else {
    }
    %le3A_138 = arith.cmpi sle, %squeeze3A_131, %add3A_4 : i32
    %convert_element_type3A_139 = arith.extui %le3A_138 : i1 to i32
    %cond3A_140 = arith.constant 0 : i32
    %cond3A_141 = arith.cmpi ne, %convert_element_type3A_139, %cond3A_140 : i32
    scf.if %cond3A_141 {
      %dma_start3A = arith.constant 6 : i32
      %dma_start3A_503 = arith.constant 0 : i32
      %dma_start3A_504 = tpu.memref_slice %arg5[%dma_start3A, %add3A_4, %dma_start3A_503] : memref<16x2048x768xf32, #tpu.memory_space<hbm>> -> memref<1x16x768xf32, #tpu.memory_space<hbm>>
      %dma_start3A_505 = tpu.memref_squeeze %dma_start3A_504 : memref<1x16x768xf32, #tpu.memory_space<hbm>> -> memref<16x768xf32, #tpu.memory_space<hbm>>
      tpu.enqueue_dma source(%arg10 : memref<16x768xf32, #tpu.memory_space<vmem_shared>>) target(%dma_start3A_505 : memref<16x768xf32, #tpu.memory_space<hbm>>) target_semaphore(%arg12 : memref<!tpu.dma_semaphore, #tpu.memory_space<semaphore_mem>>)
    } else {
    }
    %add3A_142 = arith.constant 16 : i32
    %add3A_143 = arith.addi %add3A_4, %add3A_142 : i32
    %le3A_144 = arith.cmpi sle, %add3A_143, %squeeze3A_131 : i32
    %le3A_145 = arith.cmpi sle, %squeeze3A_131, %add3A_4 : i32
    %or3A_146 = arith.ori %le3A_144, %le3A_145 : i1
    %jit3A_147 = arith.constant 1 : i32
    %jit3A_148 = arith.constant 0 : i32
    %select_n3A_149 = arith.select %or3A_146, %jit3A_147, %jit3A_148 : i32
    %add3A_150 = arith.addi %add3A_129, %select_n3A_149 : i32
    %slice3A_151 = vector.extract_strided_slice %get3A_6 {offsets = [7], sizes = [1], strides = [1]} : vector<16xi32> to vector<1xi32>
    %squeeze3A_152 = vector.extract %slice3A_151[0] : i32 from vector<1xi32>
    %add3A_153 = arith.constant 16 : i32
    %add3A_154 = arith.addi %add3A_4, %add3A_153 : i32
    %le3A_155 = arith.cmpi sle, %add3A_154, %squeeze3A_152 : i32
    %convert_element_type3A_156 = arith.extui %le3A_155 : i1 to i32
    %cond3A_157 = arith.constant 0 : i32
    %cond3A_158 = arith.cmpi ne, %convert_element_type3A_156, %cond3A_157 : i32
    scf.if %cond3A_158 {
      %dma_start3A = arith.constant 7 : i32
      %dma_start3A_503 = arith.constant 0 : i32
      %dma_start3A_504 = tpu.memref_slice %arg5[%dma_start3A, %add3A_4, %dma_start3A_503] : memref<16x2048x768xf32, #tpu.memory_space<hbm>> -> memref<1x16x768xf32, #tpu.memory_space<hbm>>
      %dma_start3A_505 = tpu.memref_squeeze %dma_start3A_504 : memref<1x16x768xf32, #tpu.memory_space<hbm>> -> memref<16x768xf32, #tpu.memory_space<hbm>>
      %dma_start3A_506 = arith.constant 0 : i32
      %dma_start3A_507 = arith.constant 0 : i32
      %dma_start3A_508 = tpu.memref_slice %arg9[%arg1, %dma_start3A_506, %dma_start3A_507] : memref<16x16x768xf32, #tpu.memory_space<vmem_shared>> -> memref<1x16x768xf32, #tpu.memory_space<vmem_shared>>
      %dma_start3A_509 = tpu.memref_squeeze %dma_start3A_508 : memref<1x16x768xf32, #tpu.memory_space<vmem_shared>> -> memref<16x768xf32, #tpu.memory_space<vmem_shared>>
      tpu.enqueue_dma source(%dma_start3A_509 : memref<16x768xf32, #tpu.memory_space<vmem_shared>>) target(%dma_start3A_505 : memref<16x768xf32, #tpu.memory_space<hbm>>) target_semaphore(%arg12 : memref<!tpu.dma_semaphore, #tpu.memory_space<semaphore_mem>>)
    } else {
    }
    %le3A_159 = arith.cmpi sle, %squeeze3A_152, %add3A_4 : i32
    %convert_element_type3A_160 = arith.extui %le3A_159 : i1 to i32
    %cond3A_161 = arith.constant 0 : i32
    %cond3A_162 = arith.cmpi ne, %convert_element_type3A_160, %cond3A_161 : i32
    scf.if %cond3A_162 {
      %dma_start3A = arith.constant 7 : i32
      %dma_start3A_503 = arith.constant 0 : i32
      %dma_start3A_504 = tpu.memref_slice %arg5[%dma_start3A, %add3A_4, %dma_start3A_503] : memref<16x2048x768xf32, #tpu.memory_space<hbm>> -> memref<1x16x768xf32, #tpu.memory_space<hbm>>
      %dma_start3A_505 = tpu.memref_squeeze %dma_start3A_504 : memref<1x16x768xf32, #tpu.memory_space<hbm>> -> memref<16x768xf32, #tpu.memory_space<hbm>>
      tpu.enqueue_dma source(%arg10 : memref<16x768xf32, #tpu.memory_space<vmem_shared>>) target(%dma_start3A_505 : memref<16x768xf32, #tpu.memory_space<hbm>>) target_semaphore(%arg12 : memref<!tpu.dma_semaphore, #tpu.memory_space<semaphore_mem>>)
    } else {
    }
    %add3A_163 = arith.constant 16 : i32
    %add3A_164 = arith.addi %add3A_4, %add3A_163 : i32
    %le3A_165 = arith.cmpi sle, %add3A_164, %squeeze3A_152 : i32
    %le3A_166 = arith.cmpi sle, %squeeze3A_152, %add3A_4 : i32
    %or3A_167 = arith.ori %le3A_165, %le3A_166 : i1
    %jit3A_168 = arith.constant 1 : i32
    %jit3A_169 = arith.constant 0 : i32
    %select_n3A_170 = arith.select %or3A_167, %jit3A_168, %jit3A_169 : i32
    %add3A_171 = arith.addi %add3A_150, %select_n3A_170 : i32
    %slice3A_172 = vector.extract_strided_slice %get3A_6 {offsets = [8], sizes = [1], strides = [1]} : vector<16xi32> to vector<1xi32>
    %squeeze3A_173 = vector.extract %slice3A_172[0] : i32 from vector<1xi32>
    %add3A_174 = arith.constant 16 : i32
    %add3A_175 = arith.addi %add3A_4, %add3A_174 : i32
    %le3A_176 = arith.cmpi sle, %add3A_175, %squeeze3A_173 : i32
    %convert_element_type3A_177 = arith.extui %le3A_176 : i1 to i32
    %cond3A_178 = arith.constant 0 : i32
    %cond3A_179 = arith.cmpi ne, %convert_element_type3A_177, %cond3A_178 : i32
    scf.if %cond3A_179 {
      %dma_start3A = arith.constant 8 : i32
      %dma_start3A_503 = arith.constant 0 : i32
      %dma_start3A_504 = tpu.memref_slice %arg5[%dma_start3A, %add3A_4, %dma_start3A_503] : memref<16x2048x768xf32, #tpu.memory_space<hbm>> -> memref<1x16x768xf32, #tpu.memory_space<hbm>>
      %dma_start3A_505 = tpu.memref_squeeze %dma_start3A_504 : memref<1x16x768xf32, #tpu.memory_space<hbm>> -> memref<16x768xf32, #tpu.memory_space<hbm>>
      %dma_start3A_506 = arith.constant 0 : i32
      %dma_start3A_507 = arith.constant 0 : i32
      %dma_start3A_508 = tpu.memref_slice %arg9[%arg1, %dma_start3A_506, %dma_start3A_507] : memref<16x16x768xf32, #tpu.memory_space<vmem_shared>> -> memref<1x16x768xf32, #tpu.memory_space<vmem_shared>>
      %dma_start3A_509 = tpu.memref_squeeze %dma_start3A_508 : memref<1x16x768xf32, #tpu.memory_space<vmem_shared>> -> memref<16x768xf32, #tpu.memory_space<vmem_shared>>
      tpu.enqueue_dma source(%dma_start3A_509 : memref<16x768xf32, #tpu.memory_space<vmem_shared>>) target(%dma_start3A_505 : memref<16x768xf32, #tpu.memory_space<hbm>>) target_semaphore(%arg12 : memref<!tpu.dma_semaphore, #tpu.memory_space<semaphore_mem>>)
    } else {
    }
    %le3A_180 = arith.cmpi sle, %squeeze3A_173, %add3A_4 : i32
    %convert_element_type3A_181 = arith.extui %le3A_180 : i1 to i32
    %cond3A_182 = arith.constant 0 : i32
    %cond3A_183 = arith.cmpi ne, %convert_element_type3A_181, %cond3A_182 : i32
    scf.if %cond3A_183 {
      %dma_start3A = arith.constant 8 : i32
      %dma_start3A_503 = arith.constant 0 : i32
      %dma_start3A_504 = tpu.memref_slice %arg5[%dma_start3A, %add3A_4, %dma_start3A_503] : memref<16x2048x768xf32, #tpu.memory_space<hbm>> -> memref<1x16x768xf32, #tpu.memory_space<hbm>>
      %dma_start3A_505 = tpu.memref_squeeze %dma_start3A_504 : memref<1x16x768xf32, #tpu.memory_space<hbm>> -> memref<16x768xf32, #tpu.memory_space<hbm>>
      tpu.enqueue_dma source(%arg10 : memref<16x768xf32, #tpu.memory_space<vmem_shared>>) target(%dma_start3A_505 : memref<16x768xf32, #tpu.memory_space<hbm>>) target_semaphore(%arg12 : memref<!tpu.dma_semaphore, #tpu.memory_space<semaphore_mem>>)
    } else {
    }
    %add3A_184 = arith.constant 16 : i32
    %add3A_185 = arith.addi %add3A_4, %add3A_184 : i32
    %le3A_186 = arith.cmpi sle, %add3A_185, %squeeze3A_173 : i32
    %le3A_187 = arith.cmpi sle, %squeeze3A_173, %add3A_4 : i32
    %or3A_188 = arith.ori %le3A_186, %le3A_187 : i1
    %jit3A_189 = arith.constant 1 : i32
    %jit3A_190 = arith.constant 0 : i32
    %select_n3A_191 = arith.select %or3A_188, %jit3A_189, %jit3A_190 : i32
    %add3A_192 = arith.addi %add3A_171, %select_n3A_191 : i32
    %slice3A_193 = vector.extract_strided_slice %get3A_6 {offsets = [9], sizes = [1], strides = [1]} : vector<16xi32> to vector<1xi32>
    %squeeze3A_194 = vector.extract %slice3A_193[0] : i32 from vector<1xi32>
    %add3A_195 = arith.constant 16 : i32
    %add3A_196 = arith.addi %add3A_4, %add3A_195 : i32
    %le3A_197 = arith.cmpi sle, %add3A_196, %squeeze3A_194 : i32
    %convert_element_type3A_198 = arith.extui %le3A_197 : i1 to i32
    %cond3A_199 = arith.constant 0 : i32
    %cond3A_200 = arith.cmpi ne, %convert_element_type3A_198, %cond3A_199 : i32
    scf.if %cond3A_200 {
      %dma_start3A = arith.constant 9 : i32
      %dma_start3A_503 = arith.constant 0 : i32
      %dma_start3A_504 = tpu.memref_slice %arg5[%dma_start3A, %add3A_4, %dma_start3A_503] : memref<16x2048x768xf32, #tpu.memory_space<hbm>> -> memref<1x16x768xf32, #tpu.memory_space<hbm>>
      %dma_start3A_505 = tpu.memref_squeeze %dma_start3A_504 : memref<1x16x768xf32, #tpu.memory_space<hbm>> -> memref<16x768xf32, #tpu.memory_space<hbm>>
      %dma_start3A_506 = arith.constant 0 : i32
      %dma_start3A_507 = arith.constant 0 : i32
      %dma_start3A_508 = tpu.memref_slice %arg9[%arg1, %dma_start3A_506, %dma_start3A_507] : memref<16x16x768xf32, #tpu.memory_space<vmem_shared>> -> memref<1x16x768xf32, #tpu.memory_space<vmem_shared>>
      %dma_start3A_509 = tpu.memref_squeeze %dma_start3A_508 : memref<1x16x768xf32, #tpu.memory_space<vmem_shared>> -> memref<16x768xf32, #tpu.memory_space<vmem_shared>>
      tpu.enqueue_dma source(%dma_start3A_509 : memref<16x768xf32, #tpu.memory_space<vmem_shared>>) target(%dma_start3A_505 : memref<16x768xf32, #tpu.memory_space<hbm>>) target_semaphore(%arg12 : memref<!tpu.dma_semaphore, #tpu.memory_space<semaphore_mem>>)
    } else {
    }
    %le3A_201 = arith.cmpi sle, %squeeze3A_194, %add3A_4 : i32
    %convert_element_type3A_202 = arith.extui %le3A_201 : i1 to i32
    %cond3A_203 = arith.constant 0 : i32
    %cond3A_204 = arith.cmpi ne, %convert_element_type3A_202, %cond3A_203 : i32
    scf.if %cond3A_204 {
      %dma_start3A = arith.constant 9 : i32
      %dma_start3A_503 = arith.constant 0 : i32
      %dma_start3A_504 = tpu.memref_slice %arg5[%dma_start3A, %add3A_4, %dma_start3A_503] : memref<16x2048x768xf32, #tpu.memory_space<hbm>> -> memref<1x16x768xf32, #tpu.memory_space<hbm>>
      %dma_start3A_505 = tpu.memref_squeeze %dma_start3A_504 : memref<1x16x768xf32, #tpu.memory_space<hbm>> -> memref<16x768xf32, #tpu.memory_space<hbm>>
      tpu.enqueue_dma source(%arg10 : memref<16x768xf32, #tpu.memory_space<vmem_shared>>) target(%dma_start3A_505 : memref<16x768xf32, #tpu.memory_space<hbm>>) target_semaphore(%arg12 : memref<!tpu.dma_semaphore, #tpu.memory_space<semaphore_mem>>)
    } else {
    }
    %add3A_205 = arith.constant 16 : i32
    %add3A_206 = arith.addi %add3A_4, %add3A_205 : i32
    %le3A_207 = arith.cmpi sle, %add3A_206, %squeeze3A_194 : i32
    %le3A_208 = arith.cmpi sle, %squeeze3A_194, %add3A_4 : i32
    %or3A_209 = arith.ori %le3A_207, %le3A_208 : i1
    %jit3A_210 = arith.constant 1 : i32
    %jit3A_211 = arith.constant 0 : i32
    %select_n3A_212 = arith.select %or3A_209, %jit3A_210, %jit3A_211 : i32
    %add3A_213 = arith.addi %add3A_192, %select_n3A_212 : i32
    %slice3A_214 = vector.extract_strided_slice %get3A_6 {offsets = [10], sizes = [1], strides = [1]} : vector<16xi32> to vector<1xi32>
    %squeeze3A_215 = vector.extract %slice3A_214[0] : i32 from vector<1xi32>
    %add3A_216 = arith.constant 16 : i32
    %add3A_217 = arith.addi %add3A_4, %add3A_216 : i32
    %le3A_218 = arith.cmpi sle, %add3A_217, %squeeze3A_215 : i32
    %convert_element_type3A_219 = arith.extui %le3A_218 : i1 to i32
    %cond3A_220 = arith.constant 0 : i32
    %cond3A_221 = arith.cmpi ne, %convert_element_type3A_219, %cond3A_220 : i32
    scf.if %cond3A_221 {
      %dma_start3A = arith.constant 10 : i32
      %dma_start3A_503 = arith.constant 0 : i32
      %dma_start3A_504 = tpu.memref_slice %arg5[%dma_start3A, %add3A_4, %dma_start3A_503] : memref<16x2048x768xf32, #tpu.memory_space<hbm>> -> memref<1x16x768xf32, #tpu.memory_space<hbm>>
      %dma_start3A_505 = tpu.memref_squeeze %dma_start3A_504 : memref<1x16x768xf32, #tpu.memory_space<hbm>> -> memref<16x768xf32, #tpu.memory_space<hbm>>
      %dma_start3A_506 = arith.constant 0 : i32
      %dma_start3A_507 = arith.constant 0 : i32
      %dma_start3A_508 = tpu.memref_slice %arg9[%arg1, %dma_start3A_506, %dma_start3A_507] : memref<16x16x768xf32, #tpu.memory_space<vmem_shared>> -> memref<1x16x768xf32, #tpu.memory_space<vmem_shared>>
      %dma_start3A_509 = tpu.memref_squeeze %dma_start3A_508 : memref<1x16x768xf32, #tpu.memory_space<vmem_shared>> -> memref<16x768xf32, #tpu.memory_space<vmem_shared>>
      tpu.enqueue_dma source(%dma_start3A_509 : memref<16x768xf32, #tpu.memory_space<vmem_shared>>) target(%dma_start3A_505 : memref<16x768xf32, #tpu.memory_space<hbm>>) target_semaphore(%arg12 : memref<!tpu.dma_semaphore, #tpu.memory_space<semaphore_mem>>)
    } else {
    }
    %le3A_222 = arith.cmpi sle, %squeeze3A_215, %add3A_4 : i32
    %convert_element_type3A_223 = arith.extui %le3A_222 : i1 to i32
    %cond3A_224 = arith.constant 0 : i32
    %cond3A_225 = arith.cmpi ne, %convert_element_type3A_223, %cond3A_224 : i32
    scf.if %cond3A_225 {
      %dma_start3A = arith.constant 10 : i32
      %dma_start3A_503 = arith.constant 0 : i32
      %dma_start3A_504 = tpu.memref_slice %arg5[%dma_start3A, %add3A_4, %dma_start3A_503] : memref<16x2048x768xf32, #tpu.memory_space<hbm>> -> memref<1x16x768xf32, #tpu.memory_space<hbm>>
      %dma_start3A_505 = tpu.memref_squeeze %dma_start3A_504 : memref<1x16x768xf32, #tpu.memory_space<hbm>> -> memref<16x768xf32, #tpu.memory_space<hbm>>
      tpu.enqueue_dma source(%arg10 : memref<16x768xf32, #tpu.memory_space<vmem_shared>>) target(%dma_start3A_505 : memref<16x768xf32, #tpu.memory_space<hbm>>) target_semaphore(%arg12 : memref<!tpu.dma_semaphore, #tpu.memory_space<semaphore_mem>>)
    } else {
    }
    %add3A_226 = arith.constant 16 : i32
    %add3A_227 = arith.addi %add3A_4, %add3A_226 : i32
    %le3A_228 = arith.cmpi sle, %add3A_227, %squeeze3A_215 : i32
    %le3A_229 = arith.cmpi sle, %squeeze3A_215, %add3A_4 : i32
    %or3A_230 = arith.ori %le3A_228, %le3A_229 : i1
    %jit3A_231 = arith.constant 1 : i32
    %jit3A_232 = arith.constant 0 : i32
    %select_n3A_233 = arith.select %or3A_230, %jit3A_231, %jit3A_232 : i32
    %add3A_234 = arith.addi %add3A_213, %select_n3A_233 : i32
    %slice3A_235 = vector.extract_strided_slice %get3A_6 {offsets = [11], sizes = [1], strides = [1]} : vector<16xi32> to vector<1xi32>
    %squeeze3A_236 = vector.extract %slice3A_235[0] : i32 from vector<1xi32>
    %add3A_237 = arith.constant 16 : i32
    %add3A_238 = arith.addi %add3A_4, %add3A_237 : i32
    %le3A_239 = arith.cmpi sle, %add3A_238, %squeeze3A_236 : i32
    %convert_element_type3A_240 = arith.extui %le3A_239 : i1 to i32
    %cond3A_241 = arith.constant 0 : i32
    %cond3A_242 = arith.cmpi ne, %convert_element_type3A_240, %cond3A_241 : i32
    scf.if %cond3A_242 {
      %dma_start3A = arith.constant 11 : i32
      %dma_start3A_503 = arith.constant 0 : i32
      %dma_start3A_504 = tpu.memref_slice %arg5[%dma_start3A, %add3A_4, %dma_start3A_503] : memref<16x2048x768xf32, #tpu.memory_space<hbm>> -> memref<1x16x768xf32, #tpu.memory_space<hbm>>
      %dma_start3A_505 = tpu.memref_squeeze %dma_start3A_504 : memref<1x16x768xf32, #tpu.memory_space<hbm>> -> memref<16x768xf32, #tpu.memory_space<hbm>>
      %dma_start3A_506 = arith.constant 0 : i32
      %dma_start3A_507 = arith.constant 0 : i32
      %dma_start3A_508 = tpu.memref_slice %arg9[%arg1, %dma_start3A_506, %dma_start3A_507] : memref<16x16x768xf32, #tpu.memory_space<vmem_shared>> -> memref<1x16x768xf32, #tpu.memory_space<vmem_shared>>
      %dma_start3A_509 = tpu.memref_squeeze %dma_start3A_508 : memref<1x16x768xf32, #tpu.memory_space<vmem_shared>> -> memref<16x768xf32, #tpu.memory_space<vmem_shared>>
      tpu.enqueue_dma source(%dma_start3A_509 : memref<16x768xf32, #tpu.memory_space<vmem_shared>>) target(%dma_start3A_505 : memref<16x768xf32, #tpu.memory_space<hbm>>) target_semaphore(%arg12 : memref<!tpu.dma_semaphore, #tpu.memory_space<semaphore_mem>>)
    } else {
    }
    %le3A_243 = arith.cmpi sle, %squeeze3A_236, %add3A_4 : i32
    %convert_element_type3A_244 = arith.extui %le3A_243 : i1 to i32
    %cond3A_245 = arith.constant 0 : i32
    %cond3A_246 = arith.cmpi ne, %convert_element_type3A_244, %cond3A_245 : i32
    scf.if %cond3A_246 {
      %dma_start3A = arith.constant 11 : i32
      %dma_start3A_503 = arith.constant 0 : i32
      %dma_start3A_504 = tpu.memref_slice %arg5[%dma_start3A, %add3A_4, %dma_start3A_503] : memref<16x2048x768xf32, #tpu.memory_space<hbm>> -> memref<1x16x768xf32, #tpu.memory_space<hbm>>
      %dma_start3A_505 = tpu.memref_squeeze %dma_start3A_504 : memref<1x16x768xf32, #tpu.memory_space<hbm>> -> memref<16x768xf32, #tpu.memory_space<hbm>>
      tpu.enqueue_dma source(%arg10 : memref<16x768xf32, #tpu.memory_space<vmem_shared>>) target(%dma_start3A_505 : memref<16x768xf32, #tpu.memory_space<hbm>>) target_semaphore(%arg12 : memref<!tpu.dma_semaphore, #tpu.memory_space<semaphore_mem>>)
    } else {
    }
    %add3A_247 = arith.constant 16 : i32
    %add3A_248 = arith.addi %add3A_4, %add3A_247 : i32
    %le3A_249 = arith.cmpi sle, %add3A_248, %squeeze3A_236 : i32
    %le3A_250 = arith.cmpi sle, %squeeze3A_236, %add3A_4 : i32
    %or3A_251 = arith.ori %le3A_249, %le3A_250 : i1
    %jit3A_252 = arith.constant 1 : i32
    %jit3A_253 = arith.constant 0 : i32
    %select_n3A_254 = arith.select %or3A_251, %jit3A_252, %jit3A_253 : i32
    %add3A_255 = arith.addi %add3A_234, %select_n3A_254 : i32
    %slice3A_256 = vector.extract_strided_slice %get3A_6 {offsets = [12], sizes = [1], strides = [1]} : vector<16xi32> to vector<1xi32>
    %squeeze3A_257 = vector.extract %slice3A_256[0] : i32 from vector<1xi32>
    %add3A_258 = arith.constant 16 : i32
    %add3A_259 = arith.addi %add3A_4, %add3A_258 : i32
    %le3A_260 = arith.cmpi sle, %add3A_259, %squeeze3A_257 : i32
    %convert_element_type3A_261 = arith.extui %le3A_260 : i1 to i32
    %cond3A_262 = arith.constant 0 : i32
    %cond3A_263 = arith.cmpi ne, %convert_element_type3A_261, %cond3A_262 : i32
    scf.if %cond3A_263 {
      %dma_start3A = arith.constant 12 : i32
      %dma_start3A_503 = arith.constant 0 : i32
      %dma_start3A_504 = tpu.memref_slice %arg5[%dma_start3A, %add3A_4, %dma_start3A_503] : memref<16x2048x768xf32, #tpu.memory_space<hbm>> -> memref<1x16x768xf32, #tpu.memory_space<hbm>>
      %dma_start3A_505 = tpu.memref_squeeze %dma_start3A_504 : memref<1x16x768xf32, #tpu.memory_space<hbm>> -> memref<16x768xf32, #tpu.memory_space<hbm>>
      %dma_start3A_506 = arith.constant 0 : i32
      %dma_start3A_507 = arith.constant 0 : i32
      %dma_start3A_508 = tpu.memref_slice %arg9[%arg1, %dma_start3A_506, %dma_start3A_507] : memref<16x16x768xf32, #tpu.memory_space<vmem_shared>> -> memref<1x16x768xf32, #tpu.memory_space<vmem_shared>>
      %dma_start3A_509 = tpu.memref_squeeze %dma_start3A_508 : memref<1x16x768xf32, #tpu.memory_space<vmem_shared>> -> memref<16x768xf32, #tpu.memory_space<vmem_shared>>
      tpu.enqueue_dma source(%dma_start3A_509 : memref<16x768xf32, #tpu.memory_space<vmem_shared>>) target(%dma_start3A_505 : memref<16x768xf32, #tpu.memory_space<hbm>>) target_semaphore(%arg12 : memref<!tpu.dma_semaphore, #tpu.memory_space<semaphore_mem>>)
    } else {
    }
    %le3A_264 = arith.cmpi sle, %squeeze3A_257, %add3A_4 : i32
    %convert_element_type3A_265 = arith.extui %le3A_264 : i1 to i32
    %cond3A_266 = arith.constant 0 : i32
    %cond3A_267 = arith.cmpi ne, %convert_element_type3A_265, %cond3A_266 : i32
    scf.if %cond3A_267 {
      %dma_start3A = arith.constant 12 : i32
      %dma_start3A_503 = arith.constant 0 : i32
      %dma_start3A_504 = tpu.memref_slice %arg5[%dma_start3A, %add3A_4, %dma_start3A_503] : memref<16x2048x768xf32, #tpu.memory_space<hbm>> -> memref<1x16x768xf32, #tpu.memory_space<hbm>>
      %dma_start3A_505 = tpu.memref_squeeze %dma_start3A_504 : memref<1x16x768xf32, #tpu.memory_space<hbm>> -> memref<16x768xf32, #tpu.memory_space<hbm>>
      tpu.enqueue_dma source(%arg10 : memref<16x768xf32, #tpu.memory_space<vmem_shared>>) target(%dma_start3A_505 : memref<16x768xf32, #tpu.memory_space<hbm>>) target_semaphore(%arg12 : memref<!tpu.dma_semaphore, #tpu.memory_space<semaphore_mem>>)
    } else {
    }
    %add3A_268 = arith.constant 16 : i32
    %add3A_269 = arith.addi %add3A_4, %add3A_268 : i32
    %le3A_270 = arith.cmpi sle, %add3A_269, %squeeze3A_257 : i32
    %le3A_271 = arith.cmpi sle, %squeeze3A_257, %add3A_4 : i32
    %or3A_272 = arith.ori %le3A_270, %le3A_271 : i1
    %jit3A_273 = arith.constant 1 : i32
    %jit3A_274 = arith.constant 0 : i32
    %select_n3A_275 = arith.select %or3A_272, %jit3A_273, %jit3A_274 : i32
    %add3A_276 = arith.addi %add3A_255, %select_n3A_275 : i32
    %slice3A_277 = vector.extract_strided_slice %get3A_6 {offsets = [13], sizes = [1], strides = [1]} : vector<16xi32> to vector<1xi32>
    %squeeze3A_278 = vector.extract %slice3A_277[0] : i32 from vector<1xi32>
    %add3A_279 = arith.constant 16 : i32
    %add3A_280 = arith.addi %add3A_4, %add3A_279 : i32
    %le3A_281 = arith.cmpi sle, %add3A_280, %squeeze3A_278 : i32
    %convert_element_type3A_282 = arith.extui %le3A_281 : i1 to i32
    %cond3A_283 = arith.constant 0 : i32
    %cond3A_284 = arith.cmpi ne, %convert_element_type3A_282, %cond3A_283 : i32
    scf.if %cond3A_284 {
      %dma_start3A = arith.constant 13 : i32
      %dma_start3A_503 = arith.constant 0 : i32
      %dma_start3A_504 = tpu.memref_slice %arg5[%dma_start3A, %add3A_4, %dma_start3A_503] : memref<16x2048x768xf32, #tpu.memory_space<hbm>> -> memref<1x16x768xf32, #tpu.memory_space<hbm>>
      %dma_start3A_505 = tpu.memref_squeeze %dma_start3A_504 : memref<1x16x768xf32, #tpu.memory_space<hbm>> -> memref<16x768xf32, #tpu.memory_space<hbm>>
      %dma_start3A_506 = arith.constant 0 : i32
      %dma_start3A_507 = arith.constant 0 : i32
      %dma_start3A_508 = tpu.memref_slice %arg9[%arg1, %dma_start3A_506, %dma_start3A_507] : memref<16x16x768xf32, #tpu.memory_space<vmem_shared>> -> memref<1x16x768xf32, #tpu.memory_space<vmem_shared>>
      %dma_start3A_509 = tpu.memref_squeeze %dma_start3A_508 : memref<1x16x768xf32, #tpu.memory_space<vmem_shared>> -> memref<16x768xf32, #tpu.memory_space<vmem_shared>>
      tpu.enqueue_dma source(%dma_start3A_509 : memref<16x768xf32, #tpu.memory_space<vmem_shared>>) target(%dma_start3A_505 : memref<16x768xf32, #tpu.memory_space<hbm>>) target_semaphore(%arg12 : memref<!tpu.dma_semaphore, #tpu.memory_space<semaphore_mem>>)
    } else {
    }
    %le3A_285 = arith.cmpi sle, %squeeze3A_278, %add3A_4 : i32
    %convert_element_type3A_286 = arith.extui %le3A_285 : i1 to i32
    %cond3A_287 = arith.constant 0 : i32
    %cond3A_288 = arith.cmpi ne, %convert_element_type3A_286, %cond3A_287 : i32
    scf.if %cond3A_288 {
      %dma_start3A = arith.constant 13 : i32
      %dma_start3A_503 = arith.constant 0 : i32
      %dma_start3A_504 = tpu.memref_slice %arg5[%dma_start3A, %add3A_4, %dma_start3A_503] : memref<16x2048x768xf32, #tpu.memory_space<hbm>> -> memref<1x16x768xf32, #tpu.memory_space<hbm>>
      %dma_start3A_505 = tpu.memref_squeeze %dma_start3A_504 : memref<1x16x768xf32, #tpu.memory_space<hbm>> -> memref<16x768xf32, #tpu.memory_space<hbm>>
      tpu.enqueue_dma source(%arg10 : memref<16x768xf32, #tpu.memory_space<vmem_shared>>) target(%dma_start3A_505 : memref<16x768xf32, #tpu.memory_space<hbm>>) target_semaphore(%arg12 : memref<!tpu.dma_semaphore, #tpu.memory_space<semaphore_mem>>)
    } else {
    }
    %add3A_289 = arith.constant 16 : i32
    %add3A_290 = arith.addi %add3A_4, %add3A_289 : i32
    %le3A_291 = arith.cmpi sle, %add3A_290, %squeeze3A_278 : i32
    %le3A_292 = arith.cmpi sle, %squeeze3A_278, %add3A_4 : i32
    %or3A_293 = arith.ori %le3A_291, %le3A_292 : i1
    %jit3A_294 = arith.constant 1 : i32
    %jit3A_295 = arith.constant 0 : i32
    %select_n3A_296 = arith.select %or3A_293, %jit3A_294, %jit3A_295 : i32
    %add3A_297 = arith.addi %add3A_276, %select_n3A_296 : i32
    %slice3A_298 = vector.extract_strided_slice %get3A_6 {offsets = [14], sizes = [1], strides = [1]} : vector<16xi32> to vector<1xi32>
    %squeeze3A_299 = vector.extract %slice3A_298[0] : i32 from vector<1xi32>
    %add3A_300 = arith.constant 16 : i32
    %add3A_301 = arith.addi %add3A_4, %add3A_300 : i32
    %le3A_302 = arith.cmpi sle, %add3A_301, %squeeze3A_299 : i32
    %convert_element_type3A_303 = arith.extui %le3A_302 : i1 to i32
    %cond3A_304 = arith.constant 0 : i32
    %cond3A_305 = arith.cmpi ne, %convert_element_type3A_303, %cond3A_304 : i32
    scf.if %cond3A_305 {
      %dma_start3A = arith.constant 14 : i32
      %dma_start3A_503 = arith.constant 0 : i32
      %dma_start3A_504 = tpu.memref_slice %arg5[%dma_start3A, %add3A_4, %dma_start3A_503] : memref<16x2048x768xf32, #tpu.memory_space<hbm>> -> memref<1x16x768xf32, #tpu.memory_space<hbm>>
      %dma_start3A_505 = tpu.memref_squeeze %dma_start3A_504 : memref<1x16x768xf32, #tpu.memory_space<hbm>> -> memref<16x768xf32, #tpu.memory_space<hbm>>
      %dma_start3A_506 = arith.constant 0 : i32
      %dma_start3A_507 = arith.constant 0 : i32
      %dma_start3A_508 = tpu.memref_slice %arg9[%arg1, %dma_start3A_506, %dma_start3A_507] : memref<16x16x768xf32, #tpu.memory_space<vmem_shared>> -> memref<1x16x768xf32, #tpu.memory_space<vmem_shared>>
      %dma_start3A_509 = tpu.memref_squeeze %dma_start3A_508 : memref<1x16x768xf32, #tpu.memory_space<vmem_shared>> -> memref<16x768xf32, #tpu.memory_space<vmem_shared>>
      tpu.enqueue_dma source(%dma_start3A_509 : memref<16x768xf32, #tpu.memory_space<vmem_shared>>) target(%dma_start3A_505 : memref<16x768xf32, #tpu.memory_space<hbm>>) target_semaphore(%arg12 : memref<!tpu.dma_semaphore, #tpu.memory_space<semaphore_mem>>)
    } else {
    }
    %le3A_306 = arith.cmpi sle, %squeeze3A_299, %add3A_4 : i32
    %convert_element_type3A_307 = arith.extui %le3A_306 : i1 to i32
    %cond3A_308 = arith.constant 0 : i32
    %cond3A_309 = arith.cmpi ne, %convert_element_type3A_307, %cond3A_308 : i32
    scf.if %cond3A_309 {
      %dma_start3A = arith.constant 14 : i32
      %dma_start3A_503 = arith.constant 0 : i32
      %dma_start3A_504 = tpu.memref_slice %arg5[%dma_start3A, %add3A_4, %dma_start3A_503] : memref<16x2048x768xf32, #tpu.memory_space<hbm>> -> memref<1x16x768xf32, #tpu.memory_space<hbm>>
      %dma_start3A_505 = tpu.memref_squeeze %dma_start3A_504 : memref<1x16x768xf32, #tpu.memory_space<hbm>> -> memref<16x768xf32, #tpu.memory_space<hbm>>
      tpu.enqueue_dma source(%arg10 : memref<16x768xf32, #tpu.memory_space<vmem_shared>>) target(%dma_start3A_505 : memref<16x768xf32, #tpu.memory_space<hbm>>) target_semaphore(%arg12 : memref<!tpu.dma_semaphore, #tpu.memory_space<semaphore_mem>>)
    } else {
    }
    %add3A_310 = arith.constant 16 : i32
    %add3A_311 = arith.addi %add3A_4, %add3A_310 : i32
    %le3A_312 = arith.cmpi sle, %add3A_311, %squeeze3A_299 : i32
    %le3A_313 = arith.cmpi sle, %squeeze3A_299, %add3A_4 : i32
    %or3A_314 = arith.ori %le3A_312, %le3A_313 : i1
    %jit3A_315 = arith.constant 1 : i32
    %jit3A_316 = arith.constant 0 : i32
    %select_n3A_317 = arith.select %or3A_314, %jit3A_315, %jit3A_316 : i32
    %add3A_318 = arith.addi %add3A_297, %select_n3A_317 : i32
    %slice3A_319 = vector.extract_strided_slice %get3A_6 {offsets = [15], sizes = [1], strides = [1]} : vector<16xi32> to vector<1xi32>
    %squeeze3A_320 = vector.extract %slice3A_319[0] : i32 from vector<1xi32>
    %add3A_321 = arith.constant 16 : i32
    %add3A_322 = arith.addi %add3A_4, %add3A_321 : i32
    %le3A_323 = arith.cmpi sle, %add3A_322, %squeeze3A_320 : i32
    %convert_element_type3A_324 = arith.extui %le3A_323 : i1 to i32
    %cond3A_325 = arith.constant 0 : i32
    %cond3A_326 = arith.cmpi ne, %convert_element_type3A_324, %cond3A_325 : i32
    scf.if %cond3A_326 {
      %dma_start3A = arith.constant 15 : i32
      %dma_start3A_503 = arith.constant 0 : i32
      %dma_start3A_504 = tpu.memref_slice %arg5[%dma_start3A, %add3A_4, %dma_start3A_503] : memref<16x2048x768xf32, #tpu.memory_space<hbm>> -> memref<1x16x768xf32, #tpu.memory_space<hbm>>
      %dma_start3A_505 = tpu.memref_squeeze %dma_start3A_504 : memref<1x16x768xf32, #tpu.memory_space<hbm>> -> memref<16x768xf32, #tpu.memory_space<hbm>>
      %dma_start3A_506 = arith.constant 0 : i32
      %dma_start3A_507 = arith.constant 0 : i32
      %dma_start3A_508 = tpu.memref_slice %arg9[%arg1, %dma_start3A_506, %dma_start3A_507] : memref<16x16x768xf32, #tpu.memory_space<vmem_shared>> -> memref<1x16x768xf32, #tpu.memory_space<vmem_shared>>
      %dma_start3A_509 = tpu.memref_squeeze %dma_start3A_508 : memref<1x16x768xf32, #tpu.memory_space<vmem_shared>> -> memref<16x768xf32, #tpu.memory_space<vmem_shared>>
      tpu.enqueue_dma source(%dma_start3A_509 : memref<16x768xf32, #tpu.memory_space<vmem_shared>>) target(%dma_start3A_505 : memref<16x768xf32, #tpu.memory_space<hbm>>) target_semaphore(%arg12 : memref<!tpu.dma_semaphore, #tpu.memory_space<semaphore_mem>>)
    } else {
    }
    %le3A_327 = arith.cmpi sle, %squeeze3A_320, %add3A_4 : i32
    %convert_element_type3A_328 = arith.extui %le3A_327 : i1 to i32
    %cond3A_329 = arith.constant 0 : i32
    %cond3A_330 = arith.cmpi ne, %convert_element_type3A_328, %cond3A_329 : i32
    scf.if %cond3A_330 {
      %dma_start3A = arith.constant 15 : i32
      %dma_start3A_503 = arith.constant 0 : i32
      %dma_start3A_504 = tpu.memref_slice %arg5[%dma_start3A, %add3A_4, %dma_start3A_503] : memref<16x2048x768xf32, #tpu.memory_space<hbm>> -> memref<1x16x768xf32, #tpu.memory_space<hbm>>
      %dma_start3A_505 = tpu.memref_squeeze %dma_start3A_504 : memref<1x16x768xf32, #tpu.memory_space<hbm>> -> memref<16x768xf32, #tpu.memory_space<hbm>>
      tpu.enqueue_dma source(%arg10 : memref<16x768xf32, #tpu.memory_space<vmem_shared>>) target(%dma_start3A_505 : memref<16x768xf32, #tpu.memory_space<hbm>>) target_semaphore(%arg12 : memref<!tpu.dma_semaphore, #tpu.memory_space<semaphore_mem>>)
    } else {
    }
    %add3A_331 = arith.constant 16 : i32
    %add3A_332 = arith.addi %add3A_4, %add3A_331 : i32
    %le3A_333 = arith.cmpi sle, %add3A_332, %squeeze3A_320 : i32
    %le3A_334 = arith.cmpi sle, %squeeze3A_320, %add3A_4 : i32
    %or3A_335 = arith.ori %le3A_333, %le3A_334 : i1
    %jit3A_336 = arith.constant 1 : i32
    %jit3A_337 = arith.constant 0 : i32
    %select_n3A_338 = arith.select %or3A_335, %jit3A_336, %jit3A_337 : i32
    %add3A_339 = arith.addi %add3A_318, %select_n3A_338 : i32
    %scan3A = arith.constant 0 : i32
    %scan3A_340 = arith.constant 0 : i32
    %scan3A_341 = arith.constant 16 : i32
    %scan3A_342 = arith.addi %scan3A_340, %scan3A_341 : i32
    %scan3A_343 = arith.constant 1 : i32
    scf.for %scan3A_503 = %scan3A_340 to %scan3A_342 step %scan3A_343  : i32 {
      %lt3A_504 = arith.cmpi slt, %scan3A_503, %add3A_339 : i32
      %convert_element_type3A_505 = arith.extui %lt3A_504 : i1 to i32
      %cond3A_506 = arith.constant 0 : i32
      %cond3A_507 = arith.cmpi ne, %convert_element_type3A_505, %cond3A_506 : i32
      scf.if %cond3A_507 {
        %dma_wait3A = arith.constant 0 : i32
        %dma_wait3A_508 = arith.constant 0 : i32
        %dma_wait3A_509 = arith.constant 0 : i32
        %dma_wait3A_510 = tpu.memref_slice %arg5[%dma_wait3A, %dma_wait3A_508, %dma_wait3A_509] : memref<16x2048x768xf32, #tpu.memory_space<hbm>> -> memref<1x16x768xf32, #tpu.memory_space<hbm>>
        %dma_wait3A_511 = tpu.memref_squeeze %dma_wait3A_510 : memref<1x16x768xf32, #tpu.memory_space<hbm>> -> memref<16x768xf32, #tpu.memory_space<hbm>>
        tpu.wait_dma2 semaphore(%arg12 : memref<!tpu.dma_semaphore, #tpu.memory_space<semaphore_mem>>) src(%arg10 : memref<16x768xf32, #tpu.memory_space<vmem_shared>>) dst(%dma_wait3A_511 : memref<16x768xf32, #tpu.memory_space<hbm>>)
      } else {
      }
    }
    %scan3A_344 = arith.constant 16 : i32
    %slice3A_345 = vector.extract_strided_slice %get3A_6 {offsets = [0], sizes = [1], strides = [1]} : vector<16xi32> to vector<1xi32>
    %squeeze3A_346 = vector.extract %slice3A_345[0] : i32 from vector<1xi32>
    %lt3A = arith.cmpi slt, %add3A_4, %squeeze3A_346 : i32
    %add3A_347 = arith.constant 16 : i32
    %add3A_348 = arith.addi %add3A_4, %add3A_347 : i32
    %lt3A_349 = arith.cmpi slt, %squeeze3A_346, %add3A_348 : i32
    %and3A = arith.andi %lt3A, %lt3A_349 : i1
    %convert_element_type3A_350 = arith.extui %and3A : i1 to i32
    %cond3A_351 = arith.constant 0 : i32
    %cond3A_352 = arith.cmpi ne, %convert_element_type3A_350, %cond3A_351 : i32
    scf.if %cond3A_352 {
      %add3A_503 = arith.constant 0 : i32
      %add3A_504 = arith.addi %add3A_4, %add3A_503 : i32
      %add3A_505 = vector.broadcast %add3A_504 : i32 to vector<16xi32>
      %add3A_506 = arith.addi %add3A_505, %iota3A : vector<16xi32>
      %add3A_507 = arith.constant 1 : i32
      %add3A_508 = vector.broadcast %add3A_507 : i32 to vector<16xi32>
      %add3A_509 = arith.addi %add3A_506, %add3A_508 : vector<16xi32>
      %le3A_510 = vector.broadcast %squeeze3A_346 : i32 to vector<16xi32>
      %le3A_511 = arith.cmpi sle, %add3A_509, %le3A_510 : vector<16xi32>
      %jit3A_512 = arith.constant 0 : i32
      %broadcast_in_dim3A = vector.broadcast %jit3A_512 : i32 to vector<16xi32>
      %select_n3A_513 = arith.select %le3A_511, %add3A_509, %broadcast_in_dim3A : vector<16xi1>, vector<16xi32>
      %swap3A = arith.constant 0 : index
      %swap3A_514 = tpu.vector_load %arg7[%swap3A] {strides = array<i32>} : memref<16xi32, #tpu.memory_space<vmem>>, vector<16xi32>,
      %swap3A_515 = vector.shape_cast %swap3A_514 : vector<16xi32> to vector<16xi32>
      %swap3A_516 = vector.shape_cast %select_n3A_513 : vector<16xi32> to vector<16xi32>
      tpu.vector_store %arg7[%swap3A], %swap3A_516 {strides = array<i32>} : memref<16xi32, #tpu.memory_space<vmem>>, vector<16xi32>,
      %dma_start3A = arith.constant 0 : i32
      %dma_start3A_517 = arith.constant 0 : i32
      %dma_start3A_518 = tpu.memref_slice %arg2[%dma_start3A, %dma_start3A_517] : memref<20481x768xf32, #tpu.memory_space<hbm>> -> memref<20481x768xf32, #tpu.memory_space<hbm>>
      tpu.enqueue_indirect_dma source(%dma_start3A_518 : memref<20481x768xf32, #tpu.memory_space<hbm>>) target(%arg8 : memref<16x768xf32, #tpu.memory_space<vmem>>) offsets(%arg7 : memref<16xi32, #tpu.memory_space<vmem>>) semaphore(%arg11 : memref<!tpu.dma_semaphore, #tpu.memory_space<semaphore_mem>>)
      %dma_wait3A = arith.constant 0 : i32
      %dma_wait3A_519 = arith.constant 0 : i32
      %dma_wait3A_520 = tpu.memref_slice %arg2[%dma_wait3A, %dma_wait3A_519] : memref<20481x768xf32, #tpu.memory_space<hbm>> -> memref<20481x768xf32, #tpu.memory_space<hbm>>
      tpu.wait_indirect_dma semaphore(%arg11 : memref<!tpu.dma_semaphore, #tpu.memory_space<semaphore_mem>>) src(%dma_wait3A_520 : memref<20481x768xf32, #tpu.memory_space<hbm>>) dst(%arg8 : memref<16x768xf32, #tpu.memory_space<vmem>>)
      %run_scoped3A = arith.constant 0 : i32
      "tpu.region"() ({
        %run_scoped3A_521 = tpu.sem_alloc : memref<!tpu.dma_semaphore, #tpu.memory_space<semaphore_mem>>
        %dma_start3A_522 = arith.constant 0 : i32
        %dma_start3A_523 = tpu.memref_slice %arg5[%run_scoped3A, %add3A_4, %dma_start3A_522] : memref<16x2048x768xf32, #tpu.memory_space<hbm>> -> memref<1x16x768xf32, #tpu.memory_space<hbm>>
        %dma_start3A_524 = tpu.memref_squeeze %dma_start3A_523 : memref<1x16x768xf32, #tpu.memory_space<hbm>> -> memref<16x768xf32, #tpu.memory_space<hbm>>
        %dma_start3A_525 = arith.constant 0 : i32
        %dma_start3A_526 = tpu.memref_slice %arg5[%run_scoped3A, %add3A_4, %dma_start3A_525] : memref<16x2048x768xf32, #tpu.memory_space<hbm>> -> memref<1x16x768xf32, #tpu.memory_space<hbm>>
        %dma_start3A_527 = tpu.memref_squeeze %dma_start3A_526 : memref<1x16x768xf32, #tpu.memory_space<hbm>> -> memref<16x768xf32, #tpu.memory_space<hbm>>
        tpu.enqueue_dma source(%arg8 : memref<16x768xf32, #tpu.memory_space<vmem>>) target(%dma_start3A_527 : memref<16x768xf32, #tpu.memory_space<hbm>>) target_semaphore(%run_scoped3A_521 : memref<!tpu.dma_semaphore, #tpu.memory_space<semaphore_mem>>)
        %dma_wait3A_528 = arith.constant 0 : i32
        %dma_wait3A_529 = tpu.memref_slice %arg5[%run_scoped3A, %add3A_4, %dma_wait3A_528] : memref<16x2048x768xf32, #tpu.memory_space<hbm>> -> memref<1x16x768xf32, #tpu.memory_space<hbm>>
        %dma_wait3A_530 = tpu.memref_squeeze %dma_wait3A_529 : memref<1x16x768xf32, #tpu.memory_space<hbm>> -> memref<16x768xf32, #tpu.memory_space<hbm>>
        %dma_wait3A_531 = arith.constant 0 : i32
        %dma_wait3A_532 = tpu.memref_slice %arg5[%run_scoped3A, %add3A_4, %dma_wait3A_531] : memref<16x2048x768xf32, #tpu.memory_space<hbm>> -> memref<1x16x768xf32, #tpu.memory_space<hbm>>
        %dma_wait3A_533 = tpu.memref_squeeze %dma_wait3A_532 : memref<1x16x768xf32, #tpu.memory_space<hbm>> -> memref<16x768xf32, #tpu.memory_space<hbm>>
        tpu.wait_dma2 semaphore(%run_scoped3A_521 : memref<!tpu.dma_semaphore, #tpu.memory_space<semaphore_mem>>) src(%arg8 : memref<16x768xf32, #tpu.memory_space<vmem>>) dst(%dma_wait3A_533 : memref<16x768xf32, #tpu.memory_space<hbm>>)
        tpu.yield
      }) : () -> ()
    } else {
    }
    %slice3A_353 = vector.extract_strided_slice %get3A_6 {offsets = [1], sizes = [1], strides = [1]} : vector<16xi32> to vector<1xi32>
    %squeeze3A_354 = vector.extract %slice3A_353[0] : i32 from vector<1xi32>
    %lt3A_355 = arith.cmpi slt, %add3A_4, %squeeze3A_354 : i32
    %add3A_356 = arith.constant 16 : i32
    %add3A_357 = arith.addi %add3A_4, %add3A_356 : i32
    %lt3A_358 = arith.cmpi slt, %squeeze3A_354, %add3A_357 : i32
    %and3A_359 = arith.andi %lt3A_355, %lt3A_358 : i1
    %convert_element_type3A_360 = arith.extui %and3A_359 : i1 to i32
    %cond3A_361 = arith.constant 0 : i32
    %cond3A_362 = arith.cmpi ne, %convert_element_type3A_360, %cond3A_361 : i32
    scf.if %cond3A_362 {
      %add3A_503 = arith.constant 0 : i32
      %add3A_504 = arith.addi %add3A_4, %add3A_503 : i32
      %add3A_505 = vector.broadcast %add3A_504 : i32 to vector<16xi32>
      %add3A_506 = arith.addi %add3A_505, %iota3A : vector<16xi32>
      %add3A_507 = arith.constant 1 : i32
      %add3A_508 = vector.broadcast %add3A_507 : i32 to vector<16xi32>
      %add3A_509 = arith.addi %add3A_506, %add3A_508 : vector<16xi32>
      %le3A_510 = vector.broadcast %squeeze3A_354 : i32 to vector<16xi32>
      %le3A_511 = arith.cmpi sle, %add3A_509, %le3A_510 : vector<16xi32>
      %jit3A_512 = arith.constant 0 : i32
      %broadcast_in_dim3A = vector.broadcast %jit3A_512 : i32 to vector<16xi32>
      %select_n3A_513 = arith.select %le3A_511, %add3A_509, %broadcast_in_dim3A : vector<16xi1>, vector<16xi32>
      %swap3A = arith.constant 0 : index
      %swap3A_514 = tpu.vector_load %arg7[%swap3A] {strides = array<i32>} : memref<16xi32, #tpu.memory_space<vmem>>, vector<16xi32>,
      %swap3A_515 = vector.shape_cast %swap3A_514 : vector<16xi32> to vector<16xi32>
      %swap3A_516 = vector.shape_cast %select_n3A_513 : vector<16xi32> to vector<16xi32>
      tpu.vector_store %arg7[%swap3A], %swap3A_516 {strides = array<i32>} : memref<16xi32, #tpu.memory_space<vmem>>, vector<16xi32>,
      %dma_start3A = arith.constant 0 : i32
      %dma_start3A_517 = arith.constant 0 : i32
      %dma_start3A_518 = tpu.memref_slice %arg2[%dma_start3A, %dma_start3A_517] : memref<20481x768xf32, #tpu.memory_space<hbm>> -> memref<20481x768xf32, #tpu.memory_space<hbm>>
      tpu.enqueue_indirect_dma source(%dma_start3A_518 : memref<20481x768xf32, #tpu.memory_space<hbm>>) target(%arg8 : memref<16x768xf32, #tpu.memory_space<vmem>>) offsets(%arg7 : memref<16xi32, #tpu.memory_space<vmem>>) semaphore(%arg11 : memref<!tpu.dma_semaphore, #tpu.memory_space<semaphore_mem>>)
      %dma_wait3A = arith.constant 0 : i32
      %dma_wait3A_519 = arith.constant 0 : i32
      %dma_wait3A_520 = tpu.memref_slice %arg2[%dma_wait3A, %dma_wait3A_519] : memref<20481x768xf32, #tpu.memory_space<hbm>> -> memref<20481x768xf32, #tpu.memory_space<hbm>>
      tpu.wait_indirect_dma semaphore(%arg11 : memref<!tpu.dma_semaphore, #tpu.memory_space<semaphore_mem>>) src(%dma_wait3A_520 : memref<20481x768xf32, #tpu.memory_space<hbm>>) dst(%arg8 : memref<16x768xf32, #tpu.memory_space<vmem>>)
      %run_scoped3A = arith.constant 1 : i32
      "tpu.region"() ({
        %run_scoped3A_521 = tpu.sem_alloc : memref<!tpu.dma_semaphore, #tpu.memory_space<semaphore_mem>>
        %dma_start3A_522 = arith.constant 0 : i32
        %dma_start3A_523 = tpu.memref_slice %arg5[%run_scoped3A, %add3A_4, %dma_start3A_522] : memref<16x2048x768xf32, #tpu.memory_space<hbm>> -> memref<1x16x768xf32, #tpu.memory_space<hbm>>
        %dma_start3A_524 = tpu.memref_squeeze %dma_start3A_523 : memref<1x16x768xf32, #tpu.memory_space<hbm>> -> memref<16x768xf32, #tpu.memory_space<hbm>>
        %dma_start3A_525 = arith.constant 0 : i32
        %dma_start3A_526 = tpu.memref_slice %arg5[%run_scoped3A, %add3A_4, %dma_start3A_525] : memref<16x2048x768xf32, #tpu.memory_space<hbm>> -> memref<1x16x768xf32, #tpu.memory_space<hbm>>
        %dma_start3A_527 = tpu.memref_squeeze %dma_start3A_526 : memref<1x16x768xf32, #tpu.memory_space<hbm>> -> memref<16x768xf32, #tpu.memory_space<hbm>>
        tpu.enqueue_dma source(%arg8 : memref<16x768xf32, #tpu.memory_space<vmem>>) target(%dma_start3A_527 : memref<16x768xf32, #tpu.memory_space<hbm>>) target_semaphore(%run_scoped3A_521 : memref<!tpu.dma_semaphore, #tpu.memory_space<semaphore_mem>>)
        %dma_wait3A_528 = arith.constant 0 : i32
        %dma_wait3A_529 = tpu.memref_slice %arg5[%run_scoped3A, %add3A_4, %dma_wait3A_528] : memref<16x2048x768xf32, #tpu.memory_space<hbm>> -> memref<1x16x768xf32, #tpu.memory_space<hbm>>
        %dma_wait3A_530 = tpu.memref_squeeze %dma_wait3A_529 : memref<1x16x768xf32, #tpu.memory_space<hbm>> -> memref<16x768xf32, #tpu.memory_space<hbm>>
        %dma_wait3A_531 = arith.constant 0 : i32
        %dma_wait3A_532 = tpu.memref_slice %arg5[%run_scoped3A, %add3A_4, %dma_wait3A_531] : memref<16x2048x768xf32, #tpu.memory_space<hbm>> -> memref<1x16x768xf32, #tpu.memory_space<hbm>>
        %dma_wait3A_533 = tpu.memref_squeeze %dma_wait3A_532 : memref<1x16x768xf32, #tpu.memory_space<hbm>> -> memref<16x768xf32, #tpu.memory_space<hbm>>
        tpu.wait_dma2 semaphore(%run_scoped3A_521 : memref<!tpu.dma_semaphore, #tpu.memory_space<semaphore_mem>>) src(%arg8 : memref<16x768xf32, #tpu.memory_space<vmem>>) dst(%dma_wait3A_533 : memref<16x768xf32, #tpu.memory_space<hbm>>)
        tpu.yield
      }) : () -> ()
    } else {
    }
    %slice3A_363 = vector.extract_strided_slice %get3A_6 {offsets = [2], sizes = [1], strides = [1]} : vector<16xi32> to vector<1xi32>
    %squeeze3A_364 = vector.extract %slice3A_363[0] : i32 from vector<1xi32>
    %lt3A_365 = arith.cmpi slt, %add3A_4, %squeeze3A_364 : i32
    %add3A_366 = arith.constant 16 : i32
    %add3A_367 = arith.addi %add3A_4, %add3A_366 : i32
    %lt3A_368 = arith.cmpi slt, %squeeze3A_364, %add3A_367 : i32
    %and3A_369 = arith.andi %lt3A_365, %lt3A_368 : i1
    %convert_element_type3A_370 = arith.extui %and3A_369 : i1 to i32
    %cond3A_371 = arith.constant 0 : i32
    %cond3A_372 = arith.cmpi ne, %convert_element_type3A_370, %cond3A_371 : i32
    scf.if %cond3A_372 {
      %add3A_503 = arith.constant 0 : i32
      %add3A_504 = arith.addi %add3A_4, %add3A_503 : i32
      %add3A_505 = vector.broadcast %add3A_504 : i32 to vector<16xi32>
      %add3A_506 = arith.addi %add3A_505, %iota3A : vector<16xi32>
      %add3A_507 = arith.constant 1 : i32
      %add3A_508 = vector.broadcast %add3A_507 : i32 to vector<16xi32>
      %add3A_509 = arith.addi %add3A_506, %add3A_508 : vector<16xi32>
      %le3A_510 = vector.broadcast %squeeze3A_364 : i32 to vector<16xi32>
      %le3A_511 = arith.cmpi sle, %add3A_509, %le3A_510 : vector<16xi32>
      %jit3A_512 = arith.constant 0 : i32
      %broadcast_in_dim3A = vector.broadcast %jit3A_512 : i32 to vector<16xi32>
      %select_n3A_513 = arith.select %le3A_511, %add3A_509, %broadcast_in_dim3A : vector<16xi1>, vector<16xi32>
      %swap3A = arith.constant 0 : index
      %swap3A_514 = tpu.vector_load %arg7[%swap3A] {strides = array<i32>} : memref<16xi32, #tpu.memory_space<vmem>>, vector<16xi32>,
      %swap3A_515 = vector.shape_cast %swap3A_514 : vector<16xi32> to vector<16xi32>
      %swap3A_516 = vector.shape_cast %select_n3A_513 : vector<16xi32> to vector<16xi32>
      tpu.vector_store %arg7[%swap3A], %swap3A_516 {strides = array<i32>} : memref<16xi32, #tpu.memory_space<vmem>>, vector<16xi32>,
      %dma_start3A = arith.constant 0 : i32
      %dma_start3A_517 = arith.constant 0 : i32
      %dma_start3A_518 = tpu.memref_slice %arg2[%dma_start3A, %dma_start3A_517] : memref<20481x768xf32, #tpu.memory_space<hbm>> -> memref<20481x768xf32, #tpu.memory_space<hbm>>
      tpu.enqueue_indirect_dma source(%dma_start3A_518 : memref<20481x768xf32, #tpu.memory_space<hbm>>) target(%arg8 : memref<16x768xf32, #tpu.memory_space<vmem>>) offsets(%arg7 : memref<16xi32, #tpu.memory_space<vmem>>) semaphore(%arg11 : memref<!tpu.dma_semaphore, #tpu.memory_space<semaphore_mem>>)
      %dma_wait3A = arith.constant 0 : i32
      %dma_wait3A_519 = arith.constant 0 : i32
      %dma_wait3A_520 = tpu.memref_slice %arg2[%dma_wait3A, %dma_wait3A_519] : memref<20481x768xf32, #tpu.memory_space<hbm>> -> memref<20481x768xf32, #tpu.memory_space<hbm>>
      tpu.wait_indirect_dma semaphore(%arg11 : memref<!tpu.dma_semaphore, #tpu.memory_space<semaphore_mem>>) src(%dma_wait3A_520 : memref<20481x768xf32, #tpu.memory_space<hbm>>) dst(%arg8 : memref<16x768xf32, #tpu.memory_space<vmem>>)
      %run_scoped3A = arith.constant 2 : i32
      "tpu.region"() ({
        %run_scoped3A_521 = tpu.sem_alloc : memref<!tpu.dma_semaphore, #tpu.memory_space<semaphore_mem>>
        %dma_start3A_522 = arith.constant 0 : i32
        %dma_start3A_523 = tpu.memref_slice %arg5[%run_scoped3A, %add3A_4, %dma_start3A_522] : memref<16x2048x768xf32, #tpu.memory_space<hbm>> -> memref<1x16x768xf32, #tpu.memory_space<hbm>>
        %dma_start3A_524 = tpu.memref_squeeze %dma_start3A_523 : memref<1x16x768xf32, #tpu.memory_space<hbm>> -> memref<16x768xf32, #tpu.memory_space<hbm>>
        %dma_start3A_525 = arith.constant 0 : i32
        %dma_start3A_526 = tpu.memref_slice %arg5[%run_scoped3A, %add3A_4, %dma_start3A_525] : memref<16x2048x768xf32, #tpu.memory_space<hbm>> -> memref<1x16x768xf32, #tpu.memory_space<hbm>>
        %dma_start3A_527 = tpu.memref_squeeze %dma_start3A_526 : memref<1x16x768xf32, #tpu.memory_space<hbm>> -> memref<16x768xf32, #tpu.memory_space<hbm>>
        tpu.enqueue_dma source(%arg8 : memref<16x768xf32, #tpu.memory_space<vmem>>) target(%dma_start3A_527 : memref<16x768xf32, #tpu.memory_space<hbm>>) target_semaphore(%run_scoped3A_521 : memref<!tpu.dma_semaphore, #tpu.memory_space<semaphore_mem>>)
        %dma_wait3A_528 = arith.constant 0 : i32
        %dma_wait3A_529 = tpu.memref_slice %arg5[%run_scoped3A, %add3A_4, %dma_wait3A_528] : memref<16x2048x768xf32, #tpu.memory_space<hbm>> -> memref<1x16x768xf32, #tpu.memory_space<hbm>>
        %dma_wait3A_530 = tpu.memref_squeeze %dma_wait3A_529 : memref<1x16x768xf32, #tpu.memory_space<hbm>> -> memref<16x768xf32, #tpu.memory_space<hbm>>
        %dma_wait3A_531 = arith.constant 0 : i32
        %dma_wait3A_532 = tpu.memref_slice %arg5[%run_scoped3A, %add3A_4, %dma_wait3A_531] : memref<16x2048x768xf32, #tpu.memory_space<hbm>> -> memref<1x16x768xf32, #tpu.memory_space<hbm>>
        %dma_wait3A_533 = tpu.memref_squeeze %dma_wait3A_532 : memref<1x16x768xf32, #tpu.memory_space<hbm>> -> memref<16x768xf32, #tpu.memory_space<hbm>>
        tpu.wait_dma2 semaphore(%run_scoped3A_521 : memref<!tpu.dma_semaphore, #tpu.memory_space<semaphore_mem>>) src(%arg8 : memref<16x768xf32, #tpu.memory_space<vmem>>) dst(%dma_wait3A_533 : memref<16x768xf32, #tpu.memory_space<hbm>>)
        tpu.yield
      }) : () -> ()
    } else {
    }
    %slice3A_373 = vector.extract_strided_slice %get3A_6 {offsets = [3], sizes = [1], strides = [1]} : vector<16xi32> to vector<1xi32>
    %squeeze3A_374 = vector.extract %slice3A_373[0] : i32 from vector<1xi32>
    %lt3A_375 = arith.cmpi slt, %add3A_4, %squeeze3A_374 : i32
    %add3A_376 = arith.constant 16 : i32
    %add3A_377 = arith.addi %add3A_4, %add3A_376 : i32
    %lt3A_378 = arith.cmpi slt, %squeeze3A_374, %add3A_377 : i32
    %and3A_379 = arith.andi %lt3A_375, %lt3A_378 : i1
    %convert_element_type3A_380 = arith.extui %and3A_379 : i1 to i32
    %cond3A_381 = arith.constant 0 : i32
    %cond3A_382 = arith.cmpi ne, %convert_element_type3A_380, %cond3A_381 : i32
    scf.if %cond3A_382 {
      %add3A_503 = arith.constant 0 : i32
      %add3A_504 = arith.addi %add3A_4, %add3A_503 : i32
      %add3A_505 = vector.broadcast %add3A_504 : i32 to vector<16xi32>
      %add3A_506 = arith.addi %add3A_505, %iota3A : vector<16xi32>
      %add3A_507 = arith.constant 1 : i32
      %add3A_508 = vector.broadcast %add3A_507 : i32 to vector<16xi32>
      %add3A_509 = arith.addi %add3A_506, %add3A_508 : vector<16xi32>
      %le3A_510 = vector.broadcast %squeeze3A_374 : i32 to vector<16xi32>
      %le3A_511 = arith.cmpi sle, %add3A_509, %le3A_510 : vector<16xi32>
      %jit3A_512 = arith.constant 0 : i32
      %broadcast_in_dim3A = vector.broadcast %jit3A_512 : i32 to vector<16xi32>
      %select_n3A_513 = arith.select %le3A_511, %add3A_509, %broadcast_in_dim3A : vector<16xi1>, vector<16xi32>
      %swap3A = arith.constant 0 : index
      %swap3A_514 = tpu.vector_load %arg7[%swap3A] {strides = array<i32>} : memref<16xi32, #tpu.memory_space<vmem>>, vector<16xi32>,
      %swap3A_515 = vector.shape_cast %swap3A_514 : vector<16xi32> to vector<16xi32>
      %swap3A_516 = vector.shape_cast %select_n3A_513 : vector<16xi32> to vector<16xi32>
      tpu.vector_store %arg7[%swap3A], %swap3A_516 {strides = array<i32>} : memref<16xi32, #tpu.memory_space<vmem>>, vector<16xi32>,
      %dma_start3A = arith.constant 0 : i32
      %dma_start3A_517 = arith.constant 0 : i32
      %dma_start3A_518 = tpu.memref_slice %arg2[%dma_start3A, %dma_start3A_517] : memref<20481x768xf32, #tpu.memory_space<hbm>> -> memref<20481x768xf32, #tpu.memory_space<hbm>>
      tpu.enqueue_indirect_dma source(%dma_start3A_518 : memref<20481x768xf32, #tpu.memory_space<hbm>>) target(%arg8 : memref<16x768xf32, #tpu.memory_space<vmem>>) offsets(%arg7 : memref<16xi32, #tpu.memory_space<vmem>>) semaphore(%arg11 : memref<!tpu.dma_semaphore, #tpu.memory_space<semaphore_mem>>)
      %dma_wait3A = arith.constant 0 : i32
      %dma_wait3A_519 = arith.constant 0 : i32
      %dma_wait3A_520 = tpu.memref_slice %arg2[%dma_wait3A, %dma_wait3A_519] : memref<20481x768xf32, #tpu.memory_space<hbm>> -> memref<20481x768xf32, #tpu.memory_space<hbm>>
      tpu.wait_indirect_dma semaphore(%arg11 : memref<!tpu.dma_semaphore, #tpu.memory_space<semaphore_mem>>) src(%dma_wait3A_520 : memref<20481x768xf32, #tpu.memory_space<hbm>>) dst(%arg8 : memref<16x768xf32, #tpu.memory_space<vmem>>)
      %run_scoped3A = arith.constant 3 : i32
      "tpu.region"() ({
        %run_scoped3A_521 = tpu.sem_alloc : memref<!tpu.dma_semaphore, #tpu.memory_space<semaphore_mem>>
        %dma_start3A_522 = arith.constant 0 : i32
        %dma_start3A_523 = tpu.memref_slice %arg5[%run_scoped3A, %add3A_4, %dma_start3A_522] : memref<16x2048x768xf32, #tpu.memory_space<hbm>> -> memref<1x16x768xf32, #tpu.memory_space<hbm>>
        %dma_start3A_524 = tpu.memref_squeeze %dma_start3A_523 : memref<1x16x768xf32, #tpu.memory_space<hbm>> -> memref<16x768xf32, #tpu.memory_space<hbm>>
        %dma_start3A_525 = arith.constant 0 : i32
        %dma_start3A_526 = tpu.memref_slice %arg5[%run_scoped3A, %add3A_4, %dma_start3A_525] : memref<16x2048x768xf32, #tpu.memory_space<hbm>> -> memref<1x16x768xf32, #tpu.memory_space<hbm>>
        %dma_start3A_527 = tpu.memref_squeeze %dma_start3A_526 : memref<1x16x768xf32, #tpu.memory_space<hbm>> -> memref<16x768xf32, #tpu.memory_space<hbm>>
        tpu.enqueue_dma source(%arg8 : memref<16x768xf32, #tpu.memory_space<vmem>>) target(%dma_start3A_527 : memref<16x768xf32, #tpu.memory_space<hbm>>) target_semaphore(%run_scoped3A_521 : memref<!tpu.dma_semaphore, #tpu.memory_space<semaphore_mem>>)
        %dma_wait3A_528 = arith.constant 0 : i32
        %dma_wait3A_529 = tpu.memref_slice %arg5[%run_scoped3A, %add3A_4, %dma_wait3A_528] : memref<16x2048x768xf32, #tpu.memory_space<hbm>> -> memref<1x16x768xf32, #tpu.memory_space<hbm>>
        %dma_wait3A_530 = tpu.memref_squeeze %dma_wait3A_529 : memref<1x16x768xf32, #tpu.memory_space<hbm>> -> memref<16x768xf32, #tpu.memory_space<hbm>>
        %dma_wait3A_531 = arith.constant 0 : i32
        %dma_wait3A_532 = tpu.memref_slice %arg5[%run_scoped3A, %add3A_4, %dma_wait3A_531] : memref<16x2048x768xf32, #tpu.memory_space<hbm>> -> memref<1x16x768xf32, #tpu.memory_space<hbm>>
        %dma_wait3A_533 = tpu.memref_squeeze %dma_wait3A_532 : memref<1x16x768xf32, #tpu.memory_space<hbm>> -> memref<16x768xf32, #tpu.memory_space<hbm>>
        tpu.wait_dma2 semaphore(%run_scoped3A_521 : memref<!tpu.dma_semaphore, #tpu.memory_space<semaphore_mem>>) src(%arg8 : memref<16x768xf32, #tpu.memory_space<vmem>>) dst(%dma_wait3A_533 : memref<16x768xf32, #tpu.memory_space<hbm>>)
        tpu.yield
      }) : () -> ()
    } else {
    }
    %slice3A_383 = vector.extract_strided_slice %get3A_6 {offsets = [4], sizes = [1], strides = [1]} : vector<16xi32> to vector<1xi32>
    %squeeze3A_384 = vector.extract %slice3A_383[0] : i32 from vector<1xi32>
    %lt3A_385 = arith.cmpi slt, %add3A_4, %squeeze3A_384 : i32
    %add3A_386 = arith.constant 16 : i32
    %add3A_387 = arith.addi %add3A_4, %add3A_386 : i32
    %lt3A_388 = arith.cmpi slt, %squeeze3A_384, %add3A_387 : i32
    %and3A_389 = arith.andi %lt3A_385, %lt3A_388 : i1
    %convert_element_type3A_390 = arith.extui %and3A_389 : i1 to i32
    %cond3A_391 = arith.constant 0 : i32
    %cond3A_392 = arith.cmpi ne, %convert_element_type3A_390, %cond3A_391 : i32
    scf.if %cond3A_392 {
      %add3A_503 = arith.constant 0 : i32
      %add3A_504 = arith.addi %add3A_4, %add3A_503 : i32
      %add3A_505 = vector.broadcast %add3A_504 : i32 to vector<16xi32>
      %add3A_506 = arith.addi %add3A_505, %iota3A : vector<16xi32>
      %add3A_507 = arith.constant 1 : i32
      %add3A_508 = vector.broadcast %add3A_507 : i32 to vector<16xi32>
      %add3A_509 = arith.addi %add3A_506, %add3A_508 : vector<16xi32>
      %le3A_510 = vector.broadcast %squeeze3A_384 : i32 to vector<16xi32>
      %le3A_511 = arith.cmpi sle, %add3A_509, %le3A_510 : vector<16xi32>
      %jit3A_512 = arith.constant 0 : i32
      %broadcast_in_dim3A = vector.broadcast %jit3A_512 : i32 to vector<16xi32>
      %select_n3A_513 = arith.select %le3A_511, %add3A_509, %broadcast_in_dim3A : vector<16xi1>, vector<16xi32>
      %swap3A = arith.constant 0 : index
      %swap3A_514 = tpu.vector_load %arg7[%swap3A] {strides = array<i32>} : memref<16xi32, #tpu.memory_space<vmem>>, vector<16xi32>,
      %swap3A_515 = vector.shape_cast %swap3A_514 : vector<16xi32> to vector<16xi32>
      %swap3A_516 = vector.shape_cast %select_n3A_513 : vector<16xi32> to vector<16xi32>
      tpu.vector_store %arg7[%swap3A], %swap3A_516 {strides = array<i32>} : memref<16xi32, #tpu.memory_space<vmem>>, vector<16xi32>,
      %dma_start3A = arith.constant 0 : i32
      %dma_start3A_517 = arith.constant 0 : i32
      %dma_start3A_518 = tpu.memref_slice %arg2[%dma_start3A, %dma_start3A_517] : memref<20481x768xf32, #tpu.memory_space<hbm>> -> memref<20481x768xf32, #tpu.memory_space<hbm>>
      tpu.enqueue_indirect_dma source(%dma_start3A_518 : memref<20481x768xf32, #tpu.memory_space<hbm>>) target(%arg8 : memref<16x768xf32, #tpu.memory_space<vmem>>) offsets(%arg7 : memref<16xi32, #tpu.memory_space<vmem>>) semaphore(%arg11 : memref<!tpu.dma_semaphore, #tpu.memory_space<semaphore_mem>>)
      %dma_wait3A = arith.constant 0 : i32
      %dma_wait3A_519 = arith.constant 0 : i32
      %dma_wait3A_520 = tpu.memref_slice %arg2[%dma_wait3A, %dma_wait3A_519] : memref<20481x768xf32, #tpu.memory_space<hbm>> -> memref<20481x768xf32, #tpu.memory_space<hbm>>
      tpu.wait_indirect_dma semaphore(%arg11 : memref<!tpu.dma_semaphore, #tpu.memory_space<semaphore_mem>>) src(%dma_wait3A_520 : memref<20481x768xf32, #tpu.memory_space<hbm>>) dst(%arg8 : memref<16x768xf32, #tpu.memory_space<vmem>>)
      %run_scoped3A = arith.constant 4 : i32
      "tpu.region"() ({
        %run_scoped3A_521 = tpu.sem_alloc : memref<!tpu.dma_semaphore, #tpu.memory_space<semaphore_mem>>
        %dma_start3A_522 = arith.constant 0 : i32
        %dma_start3A_523 = tpu.memref_slice %arg5[%run_scoped3A, %add3A_4, %dma_start3A_522] : memref<16x2048x768xf32, #tpu.memory_space<hbm>> -> memref<1x16x768xf32, #tpu.memory_space<hbm>>
        %dma_start3A_524 = tpu.memref_squeeze %dma_start3A_523 : memref<1x16x768xf32, #tpu.memory_space<hbm>> -> memref<16x768xf32, #tpu.memory_space<hbm>>
        %dma_start3A_525 = arith.constant 0 : i32
        %dma_start3A_526 = tpu.memref_slice %arg5[%run_scoped3A, %add3A_4, %dma_start3A_525] : memref<16x2048x768xf32, #tpu.memory_space<hbm>> -> memref<1x16x768xf32, #tpu.memory_space<hbm>>
        %dma_start3A_527 = tpu.memref_squeeze %dma_start3A_526 : memref<1x16x768xf32, #tpu.memory_space<hbm>> -> memref<16x768xf32, #tpu.memory_space<hbm>>
        tpu.enqueue_dma source(%arg8 : memref<16x768xf32, #tpu.memory_space<vmem>>) target(%dma_start3A_527 : memref<16x768xf32, #tpu.memory_space<hbm>>) target_semaphore(%run_scoped3A_521 : memref<!tpu.dma_semaphore, #tpu.memory_space<semaphore_mem>>)
        %dma_wait3A_528 = arith.constant 0 : i32
        %dma_wait3A_529 = tpu.memref_slice %arg5[%run_scoped3A, %add3A_4, %dma_wait3A_528] : memref<16x2048x768xf32, #tpu.memory_space<hbm>> -> memref<1x16x768xf32, #tpu.memory_space<hbm>>
        %dma_wait3A_530 = tpu.memref_squeeze %dma_wait3A_529 : memref<1x16x768xf32, #tpu.memory_space<hbm>> -> memref<16x768xf32, #tpu.memory_space<hbm>>
        %dma_wait3A_531 = arith.constant 0 : i32
        %dma_wait3A_532 = tpu.memref_slice %arg5[%run_scoped3A, %add3A_4, %dma_wait3A_531] : memref<16x2048x768xf32, #tpu.memory_space<hbm>> -> memref<1x16x768xf32, #tpu.memory_space<hbm>>
        %dma_wait3A_533 = tpu.memref_squeeze %dma_wait3A_532 : memref<1x16x768xf32, #tpu.memory_space<hbm>> -> memref<16x768xf32, #tpu.memory_space<hbm>>
        tpu.wait_dma2 semaphore(%run_scoped3A_521 : memref<!tpu.dma_semaphore, #tpu.memory_space<semaphore_mem>>) src(%arg8 : memref<16x768xf32, #tpu.memory_space<vmem>>) dst(%dma_wait3A_533 : memref<16x768xf32, #tpu.memory_space<hbm>>)
        tpu.yield
      }) : () -> ()
    } else {
    }
    %slice3A_393 = vector.extract_strided_slice %get3A_6 {offsets = [5], sizes = [1], strides = [1]} : vector<16xi32> to vector<1xi32>
    %squeeze3A_394 = vector.extract %slice3A_393[0] : i32 from vector<1xi32>
    %lt3A_395 = arith.cmpi slt, %add3A_4, %squeeze3A_394 : i32
    %add3A_396 = arith.constant 16 : i32
    %add3A_397 = arith.addi %add3A_4, %add3A_396 : i32
    %lt3A_398 = arith.cmpi slt, %squeeze3A_394, %add3A_397 : i32
    %and3A_399 = arith.andi %lt3A_395, %lt3A_398 : i1
    %convert_element_type3A_400 = arith.extui %and3A_399 : i1 to i32
    %cond3A_401 = arith.constant 0 : i32
    %cond3A_402 = arith.cmpi ne, %convert_element_type3A_400, %cond3A_401 : i32
    scf.if %cond3A_402 {
      %add3A_503 = arith.constant 0 : i32
      %add3A_504 = arith.addi %add3A_4, %add3A_503 : i32
      %add3A_505 = vector.broadcast %add3A_504 : i32 to vector<16xi32>
      %add3A_506 = arith.addi %add3A_505, %iota3A : vector<16xi32>
      %add3A_507 = arith.constant 1 : i32
      %add3A_508 = vector.broadcast %add3A_507 : i32 to vector<16xi32>
      %add3A_509 = arith.addi %add3A_506, %add3A_508 : vector<16xi32>
      %le3A_510 = vector.broadcast %squeeze3A_394 : i32 to vector<16xi32>
      %le3A_511 = arith.cmpi sle, %add3A_509, %le3A_510 : vector<16xi32>
      %jit3A_512 = arith.constant 0 : i32
      %broadcast_in_dim3A = vector.broadcast %jit3A_512 : i32 to vector<16xi32>
      %select_n3A_513 = arith.select %le3A_511, %add3A_509, %broadcast_in_dim3A : vector<16xi1>, vector<16xi32>
      %swap3A = arith.constant 0 : index
      %swap3A_514 = tpu.vector_load %arg7[%swap3A] {strides = array<i32>} : memref<16xi32, #tpu.memory_space<vmem>>, vector<16xi32>,
      %swap3A_515 = vector.shape_cast %swap3A_514 : vector<16xi32> to vector<16xi32>
      %swap3A_516 = vector.shape_cast %select_n3A_513 : vector<16xi32> to vector<16xi32>
      tpu.vector_store %arg7[%swap3A], %swap3A_516 {strides = array<i32>} : memref<16xi32, #tpu.memory_space<vmem>>, vector<16xi32>,
      %dma_start3A = arith.constant 0 : i32
      %dma_start3A_517 = arith.constant 0 : i32
      %dma_start3A_518 = tpu.memref_slice %arg2[%dma_start3A, %dma_start3A_517] : memref<20481x768xf32, #tpu.memory_space<hbm>> -> memref<20481x768xf32, #tpu.memory_space<hbm>>
      tpu.enqueue_indirect_dma source(%dma_start3A_518 : memref<20481x768xf32, #tpu.memory_space<hbm>>) target(%arg8 : memref<16x768xf32, #tpu.memory_space<vmem>>) offsets(%arg7 : memref<16xi32, #tpu.memory_space<vmem>>) semaphore(%arg11 : memref<!tpu.dma_semaphore, #tpu.memory_space<semaphore_mem>>)
      %dma_wait3A = arith.constant 0 : i32
      %dma_wait3A_519 = arith.constant 0 : i32
      %dma_wait3A_520 = tpu.memref_slice %arg2[%dma_wait3A, %dma_wait3A_519] : memref<20481x768xf32, #tpu.memory_space<hbm>> -> memref<20481x768xf32, #tpu.memory_space<hbm>>
      tpu.wait_indirect_dma semaphore(%arg11 : memref<!tpu.dma_semaphore, #tpu.memory_space<semaphore_mem>>) src(%dma_wait3A_520 : memref<20481x768xf32, #tpu.memory_space<hbm>>) dst(%arg8 : memref<16x768xf32, #tpu.memory_space<vmem>>)
      %run_scoped3A = arith.constant 5 : i32
      "tpu.region"() ({
        %run_scoped3A_521 = tpu.sem_alloc : memref<!tpu.dma_semaphore, #tpu.memory_space<semaphore_mem>>
        %dma_start3A_522 = arith.constant 0 : i32
        %dma_start3A_523 = tpu.memref_slice %arg5[%run_scoped3A, %add3A_4, %dma_start3A_522] : memref<16x2048x768xf32, #tpu.memory_space<hbm>> -> memref<1x16x768xf32, #tpu.memory_space<hbm>>
        %dma_start3A_524 = tpu.memref_squeeze %dma_start3A_523 : memref<1x16x768xf32, #tpu.memory_space<hbm>> -> memref<16x768xf32, #tpu.memory_space<hbm>>
        %dma_start3A_525 = arith.constant 0 : i32
        %dma_start3A_526 = tpu.memref_slice %arg5[%run_scoped3A, %add3A_4, %dma_start3A_525] : memref<16x2048x768xf32, #tpu.memory_space<hbm>> -> memref<1x16x768xf32, #tpu.memory_space<hbm>>
        %dma_start3A_527 = tpu.memref_squeeze %dma_start3A_526 : memref<1x16x768xf32, #tpu.memory_space<hbm>> -> memref<16x768xf32, #tpu.memory_space<hbm>>
        tpu.enqueue_dma source(%arg8 : memref<16x768xf32, #tpu.memory_space<vmem>>) target(%dma_start3A_527 : memref<16x768xf32, #tpu.memory_space<hbm>>) target_semaphore(%run_scoped3A_521 : memref<!tpu.dma_semaphore, #tpu.memory_space<semaphore_mem>>)
        %dma_wait3A_528 = arith.constant 0 : i32
        %dma_wait3A_529 = tpu.memref_slice %arg5[%run_scoped3A, %add3A_4, %dma_wait3A_528] : memref<16x2048x768xf32, #tpu.memory_space<hbm>> -> memref<1x16x768xf32, #tpu.memory_space<hbm>>
        %dma_wait3A_530 = tpu.memref_squeeze %dma_wait3A_529 : memref<1x16x768xf32, #tpu.memory_space<hbm>> -> memref<16x768xf32, #tpu.memory_space<hbm>>
        %dma_wait3A_531 = arith.constant 0 : i32
        %dma_wait3A_532 = tpu.memref_slice %arg5[%run_scoped3A, %add3A_4, %dma_wait3A_531] : memref<16x2048x768xf32, #tpu.memory_space<hbm>> -> memref<1x16x768xf32, #tpu.memory_space<hbm>>
        %dma_wait3A_533 = tpu.memref_squeeze %dma_wait3A_532 : memref<1x16x768xf32, #tpu.memory_space<hbm>> -> memref<16x768xf32, #tpu.memory_space<hbm>>
        tpu.wait_dma2 semaphore(%run_scoped3A_521 : memref<!tpu.dma_semaphore, #tpu.memory_space<semaphore_mem>>) src(%arg8 : memref<16x768xf32, #tpu.memory_space<vmem>>) dst(%dma_wait3A_533 : memref<16x768xf32, #tpu.memory_space<hbm>>)
        tpu.yield
      }) : () -> ()
    } else {
    }
    %slice3A_403 = vector.extract_strided_slice %get3A_6 {offsets = [6], sizes = [1], strides = [1]} : vector<16xi32> to vector<1xi32>
    %squeeze3A_404 = vector.extract %slice3A_403[0] : i32 from vector<1xi32>
    %lt3A_405 = arith.cmpi slt, %add3A_4, %squeeze3A_404 : i32
    %add3A_406 = arith.constant 16 : i32
    %add3A_407 = arith.addi %add3A_4, %add3A_406 : i32
    %lt3A_408 = arith.cmpi slt, %squeeze3A_404, %add3A_407 : i32
    %and3A_409 = arith.andi %lt3A_405, %lt3A_408 : i1
    %convert_element_type3A_410 = arith.extui %and3A_409 : i1 to i32
    %cond3A_411 = arith.constant 0 : i32
    %cond3A_412 = arith.cmpi ne, %convert_element_type3A_410, %cond3A_411 : i32
    scf.if %cond3A_412 {
      %add3A_503 = arith.constant 0 : i32
      %add3A_504 = arith.addi %add3A_4, %add3A_503 : i32
      %add3A_505 = vector.broadcast %add3A_504 : i32 to vector<16xi32>
      %add3A_506 = arith.addi %add3A_505, %iota3A : vector<16xi32>
      %add3A_507 = arith.constant 1 : i32
      %add3A_508 = vector.broadcast %add3A_507 : i32 to vector<16xi32>
      %add3A_509 = arith.addi %add3A_506, %add3A_508 : vector<16xi32>
      %le3A_510 = vector.broadcast %squeeze3A_404 : i32 to vector<16xi32>
      %le3A_511 = arith.cmpi sle, %add3A_509, %le3A_510 : vector<16xi32>
      %jit3A_512 = arith.constant 0 : i32
      %broadcast_in_dim3A = vector.broadcast %jit3A_512 : i32 to vector<16xi32>
      %select_n3A_513 = arith.select %le3A_511, %add3A_509, %broadcast_in_dim3A : vector<16xi1>, vector<16xi32>
      %swap3A = arith.constant 0 : index
      %swap3A_514 = tpu.vector_load %arg7[%swap3A] {strides = array<i32>} : memref<16xi32, #tpu.memory_space<vmem>>, vector<16xi32>,
      %swap3A_515 = vector.shape_cast %swap3A_514 : vector<16xi32> to vector<16xi32>
      %swap3A_516 = vector.shape_cast %select_n3A_513 : vector<16xi32> to vector<16xi32>
      tpu.vector_store %arg7[%swap3A], %swap3A_516 {strides = array<i32>} : memref<16xi32, #tpu.memory_space<vmem>>, vector<16xi32>,
      %dma_start3A = arith.constant 0 : i32
      %dma_start3A_517 = arith.constant 0 : i32
      %dma_start3A_518 = tpu.memref_slice %arg2[%dma_start3A, %dma_start3A_517] : memref<20481x768xf32, #tpu.memory_space<hbm>> -> memref<20481x768xf32, #tpu.memory_space<hbm>>
      tpu.enqueue_indirect_dma source(%dma_start3A_518 : memref<20481x768xf32, #tpu.memory_space<hbm>>) target(%arg8 : memref<16x768xf32, #tpu.memory_space<vmem>>) offsets(%arg7 : memref<16xi32, #tpu.memory_space<vmem>>) semaphore(%arg11 : memref<!tpu.dma_semaphore, #tpu.memory_space<semaphore_mem>>)
      %dma_wait3A = arith.constant 0 : i32
      %dma_wait3A_519 = arith.constant 0 : i32
      %dma_wait3A_520 = tpu.memref_slice %arg2[%dma_wait3A, %dma_wait3A_519] : memref<20481x768xf32, #tpu.memory_space<hbm>> -> memref<20481x768xf32, #tpu.memory_space<hbm>>
      tpu.wait_indirect_dma semaphore(%arg11 : memref<!tpu.dma_semaphore, #tpu.memory_space<semaphore_mem>>) src(%dma_wait3A_520 : memref<20481x768xf32, #tpu.memory_space<hbm>>) dst(%arg8 : memref<16x768xf32, #tpu.memory_space<vmem>>)
      %run_scoped3A = arith.constant 6 : i32
      "tpu.region"() ({
        %run_scoped3A_521 = tpu.sem_alloc : memref<!tpu.dma_semaphore, #tpu.memory_space<semaphore_mem>>
        %dma_start3A_522 = arith.constant 0 : i32
        %dma_start3A_523 = tpu.memref_slice %arg5[%run_scoped3A, %add3A_4, %dma_start3A_522] : memref<16x2048x768xf32, #tpu.memory_space<hbm>> -> memref<1x16x768xf32, #tpu.memory_space<hbm>>
        %dma_start3A_524 = tpu.memref_squeeze %dma_start3A_523 : memref<1x16x768xf32, #tpu.memory_space<hbm>> -> memref<16x768xf32, #tpu.memory_space<hbm>>
        %dma_start3A_525 = arith.constant 0 : i32
        %dma_start3A_526 = tpu.memref_slice %arg5[%run_scoped3A, %add3A_4, %dma_start3A_525] : memref<16x2048x768xf32, #tpu.memory_space<hbm>> -> memref<1x16x768xf32, #tpu.memory_space<hbm>>
        %dma_start3A_527 = tpu.memref_squeeze %dma_start3A_526 : memref<1x16x768xf32, #tpu.memory_space<hbm>> -> memref<16x768xf32, #tpu.memory_space<hbm>>
        tpu.enqueue_dma source(%arg8 : memref<16x768xf32, #tpu.memory_space<vmem>>) target(%dma_start3A_527 : memref<16x768xf32, #tpu.memory_space<hbm>>) target_semaphore(%run_scoped3A_521 : memref<!tpu.dma_semaphore, #tpu.memory_space<semaphore_mem>>)
        %dma_wait3A_528 = arith.constant 0 : i32
        %dma_wait3A_529 = tpu.memref_slice %arg5[%run_scoped3A, %add3A_4, %dma_wait3A_528] : memref<16x2048x768xf32, #tpu.memory_space<hbm>> -> memref<1x16x768xf32, #tpu.memory_space<hbm>>
        %dma_wait3A_530 = tpu.memref_squeeze %dma_wait3A_529 : memref<1x16x768xf32, #tpu.memory_space<hbm>> -> memref<16x768xf32, #tpu.memory_space<hbm>>
        %dma_wait3A_531 = arith.constant 0 : i32
        %dma_wait3A_532 = tpu.memref_slice %arg5[%run_scoped3A, %add3A_4, %dma_wait3A_531] : memref<16x2048x768xf32, #tpu.memory_space<hbm>> -> memref<1x16x768xf32, #tpu.memory_space<hbm>>
        %dma_wait3A_533 = tpu.memref_squeeze %dma_wait3A_532 : memref<1x16x768xf32, #tpu.memory_space<hbm>> -> memref<16x768xf32, #tpu.memory_space<hbm>>
        tpu.wait_dma2 semaphore(%run_scoped3A_521 : memref<!tpu.dma_semaphore, #tpu.memory_space<semaphore_mem>>) src(%arg8 : memref<16x768xf32, #tpu.memory_space<vmem>>) dst(%dma_wait3A_533 : memref<16x768xf32, #tpu.memory_space<hbm>>)
        tpu.yield
      }) : () -> ()
    } else {
    }
    %slice3A_413 = vector.extract_strided_slice %get3A_6 {offsets = [7], sizes = [1], strides = [1]} : vector<16xi32> to vector<1xi32>
    %squeeze3A_414 = vector.extract %slice3A_413[0] : i32 from vector<1xi32>
    %lt3A_415 = arith.cmpi slt, %add3A_4, %squeeze3A_414 : i32
    %add3A_416 = arith.constant 16 : i32
    %add3A_417 = arith.addi %add3A_4, %add3A_416 : i32
    %lt3A_418 = arith.cmpi slt, %squeeze3A_414, %add3A_417 : i32
    %and3A_419 = arith.andi %lt3A_415, %lt3A_418 : i1
    %convert_element_type3A_420 = arith.extui %and3A_419 : i1 to i32
    %cond3A_421 = arith.constant 0 : i32
    %cond3A_422 = arith.cmpi ne, %convert_element_type3A_420, %cond3A_421 : i32
    scf.if %cond3A_422 {
      %add3A_503 = arith.constant 0 : i32
      %add3A_504 = arith.addi %add3A_4, %add3A_503 : i32
      %add3A_505 = vector.broadcast %add3A_504 : i32 to vector<16xi32>
      %add3A_506 = arith.addi %add3A_505, %iota3A : vector<16xi32>
      %add3A_507 = arith.constant 1 : i32
      %add3A_508 = vector.broadcast %add3A_507 : i32 to vector<16xi32>
      %add3A_509 = arith.addi %add3A_506, %add3A_508 : vector<16xi32>
      %le3A_510 = vector.broadcast %squeeze3A_414 : i32 to vector<16xi32>
      %le3A_511 = arith.cmpi sle, %add3A_509, %le3A_510 : vector<16xi32>
      %jit3A_512 = arith.constant 0 : i32
      %broadcast_in_dim3A = vector.broadcast %jit3A_512 : i32 to vector<16xi32>
      %select_n3A_513 = arith.select %le3A_511, %add3A_509, %broadcast_in_dim3A : vector<16xi1>, vector<16xi32>
      %swap3A = arith.constant 0 : index
      %swap3A_514 = tpu.vector_load %arg7[%swap3A] {strides = array<i32>} : memref<16xi32, #tpu.memory_space<vmem>>, vector<16xi32>,
      %swap3A_515 = vector.shape_cast %swap3A_514 : vector<16xi32> to vector<16xi32>
      %swap3A_516 = vector.shape_cast %select_n3A_513 : vector<16xi32> to vector<16xi32>
      tpu.vector_store %arg7[%swap3A], %swap3A_516 {strides = array<i32>} : memref<16xi32, #tpu.memory_space<vmem>>, vector<16xi32>,
      %dma_start3A = arith.constant 0 : i32
      %dma_start3A_517 = arith.constant 0 : i32
      %dma_start3A_518 = tpu.memref_slice %arg2[%dma_start3A, %dma_start3A_517] : memref<20481x768xf32, #tpu.memory_space<hbm>> -> memref<20481x768xf32, #tpu.memory_space<hbm>>
      tpu.enqueue_indirect_dma source(%dma_start3A_518 : memref<20481x768xf32, #tpu.memory_space<hbm>>) target(%arg8 : memref<16x768xf32, #tpu.memory_space<vmem>>) offsets(%arg7 : memref<16xi32, #tpu.memory_space<vmem>>) semaphore(%arg11 : memref<!tpu.dma_semaphore, #tpu.memory_space<semaphore_mem>>)
      %dma_wait3A = arith.constant 0 : i32
      %dma_wait3A_519 = arith.constant 0 : i32
      %dma_wait3A_520 = tpu.memref_slice %arg2[%dma_wait3A, %dma_wait3A_519] : memref<20481x768xf32, #tpu.memory_space<hbm>> -> memref<20481x768xf32, #tpu.memory_space<hbm>>
      tpu.wait_indirect_dma semaphore(%arg11 : memref<!tpu.dma_semaphore, #tpu.memory_space<semaphore_mem>>) src(%dma_wait3A_520 : memref<20481x768xf32, #tpu.memory_space<hbm>>) dst(%arg8 : memref<16x768xf32, #tpu.memory_space<vmem>>)
      %run_scoped3A = arith.constant 7 : i32
      "tpu.region"() ({
        %run_scoped3A_521 = tpu.sem_alloc : memref<!tpu.dma_semaphore, #tpu.memory_space<semaphore_mem>>
        %dma_start3A_522 = arith.constant 0 : i32
        %dma_start3A_523 = tpu.memref_slice %arg5[%run_scoped3A, %add3A_4, %dma_start3A_522] : memref<16x2048x768xf32, #tpu.memory_space<hbm>> -> memref<1x16x768xf32, #tpu.memory_space<hbm>>
        %dma_start3A_524 = tpu.memref_squeeze %dma_start3A_523 : memref<1x16x768xf32, #tpu.memory_space<hbm>> -> memref<16x768xf32, #tpu.memory_space<hbm>>
        %dma_start3A_525 = arith.constant 0 : i32
        %dma_start3A_526 = tpu.memref_slice %arg5[%run_scoped3A, %add3A_4, %dma_start3A_525] : memref<16x2048x768xf32, #tpu.memory_space<hbm>> -> memref<1x16x768xf32, #tpu.memory_space<hbm>>
        %dma_start3A_527 = tpu.memref_squeeze %dma_start3A_526 : memref<1x16x768xf32, #tpu.memory_space<hbm>> -> memref<16x768xf32, #tpu.memory_space<hbm>>
        tpu.enqueue_dma source(%arg8 : memref<16x768xf32, #tpu.memory_space<vmem>>) target(%dma_start3A_527 : memref<16x768xf32, #tpu.memory_space<hbm>>) target_semaphore(%run_scoped3A_521 : memref<!tpu.dma_semaphore, #tpu.memory_space<semaphore_mem>>)
        %dma_wait3A_528 = arith.constant 0 : i32
        %dma_wait3A_529 = tpu.memref_slice %arg5[%run_scoped3A, %add3A_4, %dma_wait3A_528] : memref<16x2048x768xf32, #tpu.memory_space<hbm>> -> memref<1x16x768xf32, #tpu.memory_space<hbm>>
        %dma_wait3A_530 = tpu.memref_squeeze %dma_wait3A_529 : memref<1x16x768xf32, #tpu.memory_space<hbm>> -> memref<16x768xf32, #tpu.memory_space<hbm>>
        %dma_wait3A_531 = arith.constant 0 : i32
        %dma_wait3A_532 = tpu.memref_slice %arg5[%run_scoped3A, %add3A_4, %dma_wait3A_531] : memref<16x2048x768xf32, #tpu.memory_space<hbm>> -> memref<1x16x768xf32, #tpu.memory_space<hbm>>
        %dma_wait3A_533 = tpu.memref_squeeze %dma_wait3A_532 : memref<1x16x768xf32, #tpu.memory_space<hbm>> -> memref<16x768xf32, #tpu.memory_space<hbm>>
        tpu.wait_dma2 semaphore(%run_scoped3A_521 : memref<!tpu.dma_semaphore, #tpu.memory_space<semaphore_mem>>) src(%arg8 : memref<16x768xf32, #tpu.memory_space<vmem>>) dst(%dma_wait3A_533 : memref<16x768xf32, #tpu.memory_space<hbm>>)
        tpu.yield
      }) : () -> ()
    } else {
    }
    %slice3A_423 = vector.extract_strided_slice %get3A_6 {offsets = [8], sizes = [1], strides = [1]} : vector<16xi32> to vector<1xi32>
    %squeeze3A_424 = vector.extract %slice3A_423[0] : i32 from vector<1xi32>
    %lt3A_425 = arith.cmpi slt, %add3A_4, %squeeze3A_424 : i32
    %add3A_426 = arith.constant 16 : i32
    %add3A_427 = arith.addi %add3A_4, %add3A_426 : i32
    %lt3A_428 = arith.cmpi slt, %squeeze3A_424, %add3A_427 : i32
    %and3A_429 = arith.andi %lt3A_425, %lt3A_428 : i1
    %convert_element_type3A_430 = arith.extui %and3A_429 : i1 to i32
    %cond3A_431 = arith.constant 0 : i32
    %cond3A_432 = arith.cmpi ne, %convert_element_type3A_430, %cond3A_431 : i32
    scf.if %cond3A_432 {
      %add3A_503 = arith.constant 0 : i32
      %add3A_504 = arith.addi %add3A_4, %add3A_503 : i32
      %add3A_505 = vector.broadcast %add3A_504 : i32 to vector<16xi32>
      %add3A_506 = arith.addi %add3A_505, %iota3A : vector<16xi32>
      %add3A_507 = arith.constant 1 : i32
      %add3A_508 = vector.broadcast %add3A_507 : i32 to vector<16xi32>
      %add3A_509 = arith.addi %add3A_506, %add3A_508 : vector<16xi32>
      %le3A_510 = vector.broadcast %squeeze3A_424 : i32 to vector<16xi32>
      %le3A_511 = arith.cmpi sle, %add3A_509, %le3A_510 : vector<16xi32>
      %jit3A_512 = arith.constant 0 : i32
      %broadcast_in_dim3A = vector.broadcast %jit3A_512 : i32 to vector<16xi32>
      %select_n3A_513 = arith.select %le3A_511, %add3A_509, %broadcast_in_dim3A : vector<16xi1>, vector<16xi32>
      %swap3A = arith.constant 0 : index
      %swap3A_514 = tpu.vector_load %arg7[%swap3A] {strides = array<i32>} : memref<16xi32, #tpu.memory_space<vmem>>, vector<16xi32>,
      %swap3A_515 = vector.shape_cast %swap3A_514 : vector<16xi32> to vector<16xi32>
      %swap3A_516 = vector.shape_cast %select_n3A_513 : vector<16xi32> to vector<16xi32>
      tpu.vector_store %arg7[%swap3A], %swap3A_516 {strides = array<i32>} : memref<16xi32, #tpu.memory_space<vmem>>, vector<16xi32>,
      %dma_start3A = arith.constant 0 : i32
      %dma_start3A_517 = arith.constant 0 : i32
      %dma_start3A_518 = tpu.memref_slice %arg2[%dma_start3A, %dma_start3A_517] : memref<20481x768xf32, #tpu.memory_space<hbm>> -> memref<20481x768xf32, #tpu.memory_space<hbm>>
      tpu.enqueue_indirect_dma source(%dma_start3A_518 : memref<20481x768xf32, #tpu.memory_space<hbm>>) target(%arg8 : memref<16x768xf32, #tpu.memory_space<vmem>>) offsets(%arg7 : memref<16xi32, #tpu.memory_space<vmem>>) semaphore(%arg11 : memref<!tpu.dma_semaphore, #tpu.memory_space<semaphore_mem>>)
      %dma_wait3A = arith.constant 0 : i32
      %dma_wait3A_519 = arith.constant 0 : i32
      %dma_wait3A_520 = tpu.memref_slice %arg2[%dma_wait3A, %dma_wait3A_519] : memref<20481x768xf32, #tpu.memory_space<hbm>> -> memref<20481x768xf32, #tpu.memory_space<hbm>>
      tpu.wait_indirect_dma semaphore(%arg11 : memref<!tpu.dma_semaphore, #tpu.memory_space<semaphore_mem>>) src(%dma_wait3A_520 : memref<20481x768xf32, #tpu.memory_space<hbm>>) dst(%arg8 : memref<16x768xf32, #tpu.memory_space<vmem>>)
      %run_scoped3A = arith.constant 8 : i32
      "tpu.region"() ({
        %run_scoped3A_521 = tpu.sem_alloc : memref<!tpu.dma_semaphore, #tpu.memory_space<semaphore_mem>>
        %dma_start3A_522 = arith.constant 0 : i32
        %dma_start3A_523 = tpu.memref_slice %arg5[%run_scoped3A, %add3A_4, %dma_start3A_522] : memref<16x2048x768xf32, #tpu.memory_space<hbm>> -> memref<1x16x768xf32, #tpu.memory_space<hbm>>
        %dma_start3A_524 = tpu.memref_squeeze %dma_start3A_523 : memref<1x16x768xf32, #tpu.memory_space<hbm>> -> memref<16x768xf32, #tpu.memory_space<hbm>>
        %dma_start3A_525 = arith.constant 0 : i32
        %dma_start3A_526 = tpu.memref_slice %arg5[%run_scoped3A, %add3A_4, %dma_start3A_525] : memref<16x2048x768xf32, #tpu.memory_space<hbm>> -> memref<1x16x768xf32, #tpu.memory_space<hbm>>
        %dma_start3A_527 = tpu.memref_squeeze %dma_start3A_526 : memref<1x16x768xf32, #tpu.memory_space<hbm>> -> memref<16x768xf32, #tpu.memory_space<hbm>>
        tpu.enqueue_dma source(%arg8 : memref<16x768xf32, #tpu.memory_space<vmem>>) target(%dma_start3A_527 : memref<16x768xf32, #tpu.memory_space<hbm>>) target_semaphore(%run_scoped3A_521 : memref<!tpu.dma_semaphore, #tpu.memory_space<semaphore_mem>>)
        %dma_wait3A_528 = arith.constant 0 : i32
        %dma_wait3A_529 = tpu.memref_slice %arg5[%run_scoped3A, %add3A_4, %dma_wait3A_528] : memref<16x2048x768xf32, #tpu.memory_space<hbm>> -> memref<1x16x768xf32, #tpu.memory_space<hbm>>
        %dma_wait3A_530 = tpu.memref_squeeze %dma_wait3A_529 : memref<1x16x768xf32, #tpu.memory_space<hbm>> -> memref<16x768xf32, #tpu.memory_space<hbm>>
        %dma_wait3A_531 = arith.constant 0 : i32
        %dma_wait3A_532 = tpu.memref_slice %arg5[%run_scoped3A, %add3A_4, %dma_wait3A_531] : memref<16x2048x768xf32, #tpu.memory_space<hbm>> -> memref<1x16x768xf32, #tpu.memory_space<hbm>>
        %dma_wait3A_533 = tpu.memref_squeeze %dma_wait3A_532 : memref<1x16x768xf32, #tpu.memory_space<hbm>> -> memref<16x768xf32, #tpu.memory_space<hbm>>
        tpu.wait_dma2 semaphore(%run_scoped3A_521 : memref<!tpu.dma_semaphore, #tpu.memory_space<semaphore_mem>>) src(%arg8 : memref<16x768xf32, #tpu.memory_space<vmem>>) dst(%dma_wait3A_533 : memref<16x768xf32, #tpu.memory_space<hbm>>)
        tpu.yield
      }) : () -> ()
    } else {
    }
    %slice3A_433 = vector.extract_strided_slice %get3A_6 {offsets = [9], sizes = [1], strides = [1]} : vector<16xi32> to vector<1xi32>
    %squeeze3A_434 = vector.extract %slice3A_433[0] : i32 from vector<1xi32>
    %lt3A_435 = arith.cmpi slt, %add3A_4, %squeeze3A_434 : i32
    %add3A_436 = arith.constant 16 : i32
    %add3A_437 = arith.addi %add3A_4, %add3A_436 : i32
    %lt3A_438 = arith.cmpi slt, %squeeze3A_434, %add3A_437 : i32
    %and3A_439 = arith.andi %lt3A_435, %lt3A_438 : i1
    %convert_element_type3A_440 = arith.extui %and3A_439 : i1 to i32
    %cond3A_441 = arith.constant 0 : i32
    %cond3A_442 = arith.cmpi ne, %convert_element_type3A_440, %cond3A_441 : i32
    scf.if %cond3A_442 {
      %add3A_503 = arith.constant 0 : i32
      %add3A_504 = arith.addi %add3A_4, %add3A_503 : i32
      %add3A_505 = vector.broadcast %add3A_504 : i32 to vector<16xi32>
      %add3A_506 = arith.addi %add3A_505, %iota3A : vector<16xi32>
      %add3A_507 = arith.constant 1 : i32
      %add3A_508 = vector.broadcast %add3A_507 : i32 to vector<16xi32>
      %add3A_509 = arith.addi %add3A_506, %add3A_508 : vector<16xi32>
      %le3A_510 = vector.broadcast %squeeze3A_434 : i32 to vector<16xi32>
      %le3A_511 = arith.cmpi sle, %add3A_509, %le3A_510 : vector<16xi32>
      %jit3A_512 = arith.constant 0 : i32
      %broadcast_in_dim3A = vector.broadcast %jit3A_512 : i32 to vector<16xi32>
      %select_n3A_513 = arith.select %le3A_511, %add3A_509, %broadcast_in_dim3A : vector<16xi1>, vector<16xi32>
      %swap3A = arith.constant 0 : index
      %swap3A_514 = tpu.vector_load %arg7[%swap3A] {strides = array<i32>} : memref<16xi32, #tpu.memory_space<vmem>>, vector<16xi32>,
      %swap3A_515 = vector.shape_cast %swap3A_514 : vector<16xi32> to vector<16xi32>
      %swap3A_516 = vector.shape_cast %select_n3A_513 : vector<16xi32> to vector<16xi32>
      tpu.vector_store %arg7[%swap3A], %swap3A_516 {strides = array<i32>} : memref<16xi32, #tpu.memory_space<vmem>>, vector<16xi32>,
      %dma_start3A = arith.constant 0 : i32
      %dma_start3A_517 = arith.constant 0 : i32
      %dma_start3A_518 = tpu.memref_slice %arg2[%dma_start3A, %dma_start3A_517] : memref<20481x768xf32, #tpu.memory_space<hbm>> -> memref<20481x768xf32, #tpu.memory_space<hbm>>
      tpu.enqueue_indirect_dma source(%dma_start3A_518 : memref<20481x768xf32, #tpu.memory_space<hbm>>) target(%arg8 : memref<16x768xf32, #tpu.memory_space<vmem>>) offsets(%arg7 : memref<16xi32, #tpu.memory_space<vmem>>) semaphore(%arg11 : memref<!tpu.dma_semaphore, #tpu.memory_space<semaphore_mem>>)
      %dma_wait3A = arith.constant 0 : i32
      %dma_wait3A_519 = arith.constant 0 : i32
      %dma_wait3A_520 = tpu.memref_slice %arg2[%dma_wait3A, %dma_wait3A_519] : memref<20481x768xf32, #tpu.memory_space<hbm>> -> memref<20481x768xf32, #tpu.memory_space<hbm>>
      tpu.wait_indirect_dma semaphore(%arg11 : memref<!tpu.dma_semaphore, #tpu.memory_space<semaphore_mem>>) src(%dma_wait3A_520 : memref<20481x768xf32, #tpu.memory_space<hbm>>) dst(%arg8 : memref<16x768xf32, #tpu.memory_space<vmem>>)
      %run_scoped3A = arith.constant 9 : i32
      "tpu.region"() ({
        %run_scoped3A_521 = tpu.sem_alloc : memref<!tpu.dma_semaphore, #tpu.memory_space<semaphore_mem>>
        %dma_start3A_522 = arith.constant 0 : i32
        %dma_start3A_523 = tpu.memref_slice %arg5[%run_scoped3A, %add3A_4, %dma_start3A_522] : memref<16x2048x768xf32, #tpu.memory_space<hbm>> -> memref<1x16x768xf32, #tpu.memory_space<hbm>>
        %dma_start3A_524 = tpu.memref_squeeze %dma_start3A_523 : memref<1x16x768xf32, #tpu.memory_space<hbm>> -> memref<16x768xf32, #tpu.memory_space<hbm>>
        %dma_start3A_525 = arith.constant 0 : i32
        %dma_start3A_526 = tpu.memref_slice %arg5[%run_scoped3A, %add3A_4, %dma_start3A_525] : memref<16x2048x768xf32, #tpu.memory_space<hbm>> -> memref<1x16x768xf32, #tpu.memory_space<hbm>>
        %dma_start3A_527 = tpu.memref_squeeze %dma_start3A_526 : memref<1x16x768xf32, #tpu.memory_space<hbm>> -> memref<16x768xf32, #tpu.memory_space<hbm>>
        tpu.enqueue_dma source(%arg8 : memref<16x768xf32, #tpu.memory_space<vmem>>) target(%dma_start3A_527 : memref<16x768xf32, #tpu.memory_space<hbm>>) target_semaphore(%run_scoped3A_521 : memref<!tpu.dma_semaphore, #tpu.memory_space<semaphore_mem>>)
        %dma_wait3A_528 = arith.constant 0 : i32
        %dma_wait3A_529 = tpu.memref_slice %arg5[%run_scoped3A, %add3A_4, %dma_wait3A_528] : memref<16x2048x768xf32, #tpu.memory_space<hbm>> -> memref<1x16x768xf32, #tpu.memory_space<hbm>>
        %dma_wait3A_530 = tpu.memref_squeeze %dma_wait3A_529 : memref<1x16x768xf32, #tpu.memory_space<hbm>> -> memref<16x768xf32, #tpu.memory_space<hbm>>
        %dma_wait3A_531 = arith.constant 0 : i32
        %dma_wait3A_532 = tpu.memref_slice %arg5[%run_scoped3A, %add3A_4, %dma_wait3A_531] : memref<16x2048x768xf32, #tpu.memory_space<hbm>> -> memref<1x16x768xf32, #tpu.memory_space<hbm>>
        %dma_wait3A_533 = tpu.memref_squeeze %dma_wait3A_532 : memref<1x16x768xf32, #tpu.memory_space<hbm>> -> memref<16x768xf32, #tpu.memory_space<hbm>>
        tpu.wait_dma2 semaphore(%run_scoped3A_521 : memref<!tpu.dma_semaphore, #tpu.memory_space<semaphore_mem>>) src(%arg8 : memref<16x768xf32, #tpu.memory_space<vmem>>) dst(%dma_wait3A_533 : memref<16x768xf32, #tpu.memory_space<hbm>>)
        tpu.yield
      }) : () -> ()
    } else {
    }
    %slice3A_443 = vector.extract_strided_slice %get3A_6 {offsets = [10], sizes = [1], strides = [1]} : vector<16xi32> to vector<1xi32>
    %squeeze3A_444 = vector.extract %slice3A_443[0] : i32 from vector<1xi32>
    %lt3A_445 = arith.cmpi slt, %add3A_4, %squeeze3A_444 : i32
    %add3A_446 = arith.constant 16 : i32
    %add3A_447 = arith.addi %add3A_4, %add3A_446 : i32
    %lt3A_448 = arith.cmpi slt, %squeeze3A_444, %add3A_447 : i32
    %and3A_449 = arith.andi %lt3A_445, %lt3A_448 : i1
    %convert_element_type3A_450 = arith.extui %and3A_449 : i1 to i32
    %cond3A_451 = arith.constant 0 : i32
    %cond3A_452 = arith.cmpi ne, %convert_element_type3A_450, %cond3A_451 : i32
    scf.if %cond3A_452 {
      %add3A_503 = arith.constant 0 : i32
      %add3A_504 = arith.addi %add3A_4, %add3A_503 : i32
      %add3A_505 = vector.broadcast %add3A_504 : i32 to vector<16xi32>
      %add3A_506 = arith.addi %add3A_505, %iota3A : vector<16xi32>
      %add3A_507 = arith.constant 1 : i32
      %add3A_508 = vector.broadcast %add3A_507 : i32 to vector<16xi32>
      %add3A_509 = arith.addi %add3A_506, %add3A_508 : vector<16xi32>
      %le3A_510 = vector.broadcast %squeeze3A_444 : i32 to vector<16xi32>
      %le3A_511 = arith.cmpi sle, %add3A_509, %le3A_510 : vector<16xi32>
      %jit3A_512 = arith.constant 0 : i32
      %broadcast_in_dim3A = vector.broadcast %jit3A_512 : i32 to vector<16xi32>
      %select_n3A_513 = arith.select %le3A_511, %add3A_509, %broadcast_in_dim3A : vector<16xi1>, vector<16xi32>
      %swap3A = arith.constant 0 : index
      %swap3A_514 = tpu.vector_load %arg7[%swap3A] {strides = array<i32>} : memref<16xi32, #tpu.memory_space<vmem>>, vector<16xi32>,
      %swap3A_515 = vector.shape_cast %swap3A_514 : vector<16xi32> to vector<16xi32>
      %swap3A_516 = vector.shape_cast %select_n3A_513 : vector<16xi32> to vector<16xi32>
      tpu.vector_store %arg7[%swap3A], %swap3A_516 {strides = array<i32>} : memref<16xi32, #tpu.memory_space<vmem>>, vector<16xi32>,
      %dma_start3A = arith.constant 0 : i32
      %dma_start3A_517 = arith.constant 0 : i32
      %dma_start3A_518 = tpu.memref_slice %arg2[%dma_start3A, %dma_start3A_517] : memref<20481x768xf32, #tpu.memory_space<hbm>> -> memref<20481x768xf32, #tpu.memory_space<hbm>>
      tpu.enqueue_indirect_dma source(%dma_start3A_518 : memref<20481x768xf32, #tpu.memory_space<hbm>>) target(%arg8 : memref<16x768xf32, #tpu.memory_space<vmem>>) offsets(%arg7 : memref<16xi32, #tpu.memory_space<vmem>>) semaphore(%arg11 : memref<!tpu.dma_semaphore, #tpu.memory_space<semaphore_mem>>)
      %dma_wait3A = arith.constant 0 : i32
      %dma_wait3A_519 = arith.constant 0 : i32
      %dma_wait3A_520 = tpu.memref_slice %arg2[%dma_wait3A, %dma_wait3A_519] : memref<20481x768xf32, #tpu.memory_space<hbm>> -> memref<20481x768xf32, #tpu.memory_space<hbm>>
      tpu.wait_indirect_dma semaphore(%arg11 : memref<!tpu.dma_semaphore, #tpu.memory_space<semaphore_mem>>) src(%dma_wait3A_520 : memref<20481x768xf32, #tpu.memory_space<hbm>>) dst(%arg8 : memref<16x768xf32, #tpu.memory_space<vmem>>)
      %run_scoped3A = arith.constant 10 : i32
      "tpu.region"() ({
        %run_scoped3A_521 = tpu.sem_alloc : memref<!tpu.dma_semaphore, #tpu.memory_space<semaphore_mem>>
        %dma_start3A_522 = arith.constant 0 : i32
        %dma_start3A_523 = tpu.memref_slice %arg5[%run_scoped3A, %add3A_4, %dma_start3A_522] : memref<16x2048x768xf32, #tpu.memory_space<hbm>> -> memref<1x16x768xf32, #tpu.memory_space<hbm>>
        %dma_start3A_524 = tpu.memref_squeeze %dma_start3A_523 : memref<1x16x768xf32, #tpu.memory_space<hbm>> -> memref<16x768xf32, #tpu.memory_space<hbm>>
        %dma_start3A_525 = arith.constant 0 : i32
        %dma_start3A_526 = tpu.memref_slice %arg5[%run_scoped3A, %add3A_4, %dma_start3A_525] : memref<16x2048x768xf32, #tpu.memory_space<hbm>> -> memref<1x16x768xf32, #tpu.memory_space<hbm>>
        %dma_start3A_527 = tpu.memref_squeeze %dma_start3A_526 : memref<1x16x768xf32, #tpu.memory_space<hbm>> -> memref<16x768xf32, #tpu.memory_space<hbm>>
        tpu.enqueue_dma source(%arg8 : memref<16x768xf32, #tpu.memory_space<vmem>>) target(%dma_start3A_527 : memref<16x768xf32, #tpu.memory_space<hbm>>) target_semaphore(%run_scoped3A_521 : memref<!tpu.dma_semaphore, #tpu.memory_space<semaphore_mem>>)
        %dma_wait3A_528 = arith.constant 0 : i32
        %dma_wait3A_529 = tpu.memref_slice %arg5[%run_scoped3A, %add3A_4, %dma_wait3A_528] : memref<16x2048x768xf32, #tpu.memory_space<hbm>> -> memref<1x16x768xf32, #tpu.memory_space<hbm>>
        %dma_wait3A_530 = tpu.memref_squeeze %dma_wait3A_529 : memref<1x16x768xf32, #tpu.memory_space<hbm>> -> memref<16x768xf32, #tpu.memory_space<hbm>>
        %dma_wait3A_531 = arith.constant 0 : i32
        %dma_wait3A_532 = tpu.memref_slice %arg5[%run_scoped3A, %add3A_4, %dma_wait3A_531] : memref<16x2048x768xf32, #tpu.memory_space<hbm>> -> memref<1x16x768xf32, #tpu.memory_space<hbm>>
        %dma_wait3A_533 = tpu.memref_squeeze %dma_wait3A_532 : memref<1x16x768xf32, #tpu.memory_space<hbm>> -> memref<16x768xf32, #tpu.memory_space<hbm>>
        tpu.wait_dma2 semaphore(%run_scoped3A_521 : memref<!tpu.dma_semaphore, #tpu.memory_space<semaphore_mem>>) src(%arg8 : memref<16x768xf32, #tpu.memory_space<vmem>>) dst(%dma_wait3A_533 : memref<16x768xf32, #tpu.memory_space<hbm>>)
        tpu.yield
      }) : () -> ()
    } else {
    }
    %slice3A_453 = vector.extract_strided_slice %get3A_6 {offsets = [11], sizes = [1], strides = [1]} : vector<16xi32> to vector<1xi32>
    %squeeze3A_454 = vector.extract %slice3A_453[0] : i32 from vector<1xi32>
    %lt3A_455 = arith.cmpi slt, %add3A_4, %squeeze3A_454 : i32
    %add3A_456 = arith.constant 16 : i32
    %add3A_457 = arith.addi %add3A_4, %add3A_456 : i32
    %lt3A_458 = arith.cmpi slt, %squeeze3A_454, %add3A_457 : i32
    %and3A_459 = arith.andi %lt3A_455, %lt3A_458 : i1
    %convert_element_type3A_460 = arith.extui %and3A_459 : i1 to i32
    %cond3A_461 = arith.constant 0 : i32
    %cond3A_462 = arith.cmpi ne, %convert_element_type3A_460, %cond3A_461 : i32
    scf.if %cond3A_462 {
      %add3A_503 = arith.constant 0 : i32
      %add3A_504 = arith.addi %add3A_4, %add3A_503 : i32
      %add3A_505 = vector.broadcast %add3A_504 : i32 to vector<16xi32>
      %add3A_506 = arith.addi %add3A_505, %iota3A : vector<16xi32>
      %add3A_507 = arith.constant 1 : i32
      %add3A_508 = vector.broadcast %add3A_507 : i32 to vector<16xi32>
      %add3A_509 = arith.addi %add3A_506, %add3A_508 : vector<16xi32>
      %le3A_510 = vector.broadcast %squeeze3A_454 : i32 to vector<16xi32>
      %le3A_511 = arith.cmpi sle, %add3A_509, %le3A_510 : vector<16xi32>
      %jit3A_512 = arith.constant 0 : i32
      %broadcast_in_dim3A = vector.broadcast %jit3A_512 : i32 to vector<16xi32>
      %select_n3A_513 = arith.select %le3A_511, %add3A_509, %broadcast_in_dim3A : vector<16xi1>, vector<16xi32>
      %swap3A = arith.constant 0 : index
      %swap3A_514 = tpu.vector_load %arg7[%swap3A] {strides = array<i32>} : memref<16xi32, #tpu.memory_space<vmem>>, vector<16xi32>,
      %swap3A_515 = vector.shape_cast %swap3A_514 : vector<16xi32> to vector<16xi32>
      %swap3A_516 = vector.shape_cast %select_n3A_513 : vector<16xi32> to vector<16xi32>
      tpu.vector_store %arg7[%swap3A], %swap3A_516 {strides = array<i32>} : memref<16xi32, #tpu.memory_space<vmem>>, vector<16xi32>,
      %dma_start3A = arith.constant 0 : i32
      %dma_start3A_517 = arith.constant 0 : i32
      %dma_start3A_518 = tpu.memref_slice %arg2[%dma_start3A, %dma_start3A_517] : memref<20481x768xf32, #tpu.memory_space<hbm>> -> memref<20481x768xf32, #tpu.memory_space<hbm>>
      tpu.enqueue_indirect_dma source(%dma_start3A_518 : memref<20481x768xf32, #tpu.memory_space<hbm>>) target(%arg8 : memref<16x768xf32, #tpu.memory_space<vmem>>) offsets(%arg7 : memref<16xi32, #tpu.memory_space<vmem>>) semaphore(%arg11 : memref<!tpu.dma_semaphore, #tpu.memory_space<semaphore_mem>>)
      %dma_wait3A = arith.constant 0 : i32
      %dma_wait3A_519 = arith.constant 0 : i32
      %dma_wait3A_520 = tpu.memref_slice %arg2[%dma_wait3A, %dma_wait3A_519] : memref<20481x768xf32, #tpu.memory_space<hbm>> -> memref<20481x768xf32, #tpu.memory_space<hbm>>
      tpu.wait_indirect_dma semaphore(%arg11 : memref<!tpu.dma_semaphore, #tpu.memory_space<semaphore_mem>>) src(%dma_wait3A_520 : memref<20481x768xf32, #tpu.memory_space<hbm>>) dst(%arg8 : memref<16x768xf32, #tpu.memory_space<vmem>>)
      %run_scoped3A = arith.constant 11 : i32
      "tpu.region"() ({
        %run_scoped3A_521 = tpu.sem_alloc : memref<!tpu.dma_semaphore, #tpu.memory_space<semaphore_mem>>
        %dma_start3A_522 = arith.constant 0 : i32
        %dma_start3A_523 = tpu.memref_slice %arg5[%run_scoped3A, %add3A_4, %dma_start3A_522] : memref<16x2048x768xf32, #tpu.memory_space<hbm>> -> memref<1x16x768xf32, #tpu.memory_space<hbm>>
        %dma_start3A_524 = tpu.memref_squeeze %dma_start3A_523 : memref<1x16x768xf32, #tpu.memory_space<hbm>> -> memref<16x768xf32, #tpu.memory_space<hbm>>
        %dma_start3A_525 = arith.constant 0 : i32
        %dma_start3A_526 = tpu.memref_slice %arg5[%run_scoped3A, %add3A_4, %dma_start3A_525] : memref<16x2048x768xf32, #tpu.memory_space<hbm>> -> memref<1x16x768xf32, #tpu.memory_space<hbm>>
        %dma_start3A_527 = tpu.memref_squeeze %dma_start3A_526 : memref<1x16x768xf32, #tpu.memory_space<hbm>> -> memref<16x768xf32, #tpu.memory_space<hbm>>
        tpu.enqueue_dma source(%arg8 : memref<16x768xf32, #tpu.memory_space<vmem>>) target(%dma_start3A_527 : memref<16x768xf32, #tpu.memory_space<hbm>>) target_semaphore(%run_scoped3A_521 : memref<!tpu.dma_semaphore, #tpu.memory_space<semaphore_mem>>)
        %dma_wait3A_528 = arith.constant 0 : i32
        %dma_wait3A_529 = tpu.memref_slice %arg5[%run_scoped3A, %add3A_4, %dma_wait3A_528] : memref<16x2048x768xf32, #tpu.memory_space<hbm>> -> memref<1x16x768xf32, #tpu.memory_space<hbm>>
        %dma_wait3A_530 = tpu.memref_squeeze %dma_wait3A_529 : memref<1x16x768xf32, #tpu.memory_space<hbm>> -> memref<16x768xf32, #tpu.memory_space<hbm>>
        %dma_wait3A_531 = arith.constant 0 : i32
        %dma_wait3A_532 = tpu.memref_slice %arg5[%run_scoped3A, %add3A_4, %dma_wait3A_531] : memref<16x2048x768xf32, #tpu.memory_space<hbm>> -> memref<1x16x768xf32, #tpu.memory_space<hbm>>
        %dma_wait3A_533 = tpu.memref_squeeze %dma_wait3A_532 : memref<1x16x768xf32, #tpu.memory_space<hbm>> -> memref<16x768xf32, #tpu.memory_space<hbm>>
        tpu.wait_dma2 semaphore(%run_scoped3A_521 : memref<!tpu.dma_semaphore, #tpu.memory_space<semaphore_mem>>) src(%arg8 : memref<16x768xf32, #tpu.memory_space<vmem>>) dst(%dma_wait3A_533 : memref<16x768xf32, #tpu.memory_space<hbm>>)
        tpu.yield
      }) : () -> ()
    } else {
    }
    %slice3A_463 = vector.extract_strided_slice %get3A_6 {offsets = [12], sizes = [1], strides = [1]} : vector<16xi32> to vector<1xi32>
    %squeeze3A_464 = vector.extract %slice3A_463[0] : i32 from vector<1xi32>
    %lt3A_465 = arith.cmpi slt, %add3A_4, %squeeze3A_464 : i32
    %add3A_466 = arith.constant 16 : i32
    %add3A_467 = arith.addi %add3A_4, %add3A_466 : i32
    %lt3A_468 = arith.cmpi slt, %squeeze3A_464, %add3A_467 : i32
    %and3A_469 = arith.andi %lt3A_465, %lt3A_468 : i1
    %convert_element_type3A_470 = arith.extui %and3A_469 : i1 to i32
    %cond3A_471 = arith.constant 0 : i32
    %cond3A_472 = arith.cmpi ne, %convert_element_type3A_470, %cond3A_471 : i32
    scf.if %cond3A_472 {
      %add3A_503 = arith.constant 0 : i32
      %add3A_504 = arith.addi %add3A_4, %add3A_503 : i32
      %add3A_505 = vector.broadcast %add3A_504 : i32 to vector<16xi32>
      %add3A_506 = arith.addi %add3A_505, %iota3A : vector<16xi32>
      %add3A_507 = arith.constant 1 : i32
      %add3A_508 = vector.broadcast %add3A_507 : i32 to vector<16xi32>
      %add3A_509 = arith.addi %add3A_506, %add3A_508 : vector<16xi32>
      %le3A_510 = vector.broadcast %squeeze3A_464 : i32 to vector<16xi32>
      %le3A_511 = arith.cmpi sle, %add3A_509, %le3A_510 : vector<16xi32>
      %jit3A_512 = arith.constant 0 : i32
      %broadcast_in_dim3A = vector.broadcast %jit3A_512 : i32 to vector<16xi32>
      %select_n3A_513 = arith.select %le3A_511, %add3A_509, %broadcast_in_dim3A : vector<16xi1>, vector<16xi32>
      %swap3A = arith.constant 0 : index
      %swap3A_514 = tpu.vector_load %arg7[%swap3A] {strides = array<i32>} : memref<16xi32, #tpu.memory_space<vmem>>, vector<16xi32>,
      %swap3A_515 = vector.shape_cast %swap3A_514 : vector<16xi32> to vector<16xi32>
      %swap3A_516 = vector.shape_cast %select_n3A_513 : vector<16xi32> to vector<16xi32>
      tpu.vector_store %arg7[%swap3A], %swap3A_516 {strides = array<i32>} : memref<16xi32, #tpu.memory_space<vmem>>, vector<16xi32>,
      %dma_start3A = arith.constant 0 : i32
      %dma_start3A_517 = arith.constant 0 : i32
      %dma_start3A_518 = tpu.memref_slice %arg2[%dma_start3A, %dma_start3A_517] : memref<20481x768xf32, #tpu.memory_space<hbm>> -> memref<20481x768xf32, #tpu.memory_space<hbm>>
      tpu.enqueue_indirect_dma source(%dma_start3A_518 : memref<20481x768xf32, #tpu.memory_space<hbm>>) target(%arg8 : memref<16x768xf32, #tpu.memory_space<vmem>>) offsets(%arg7 : memref<16xi32, #tpu.memory_space<vmem>>) semaphore(%arg11 : memref<!tpu.dma_semaphore, #tpu.memory_space<semaphore_mem>>)
      %dma_wait3A = arith.constant 0 : i32
      %dma_wait3A_519 = arith.constant 0 : i32
      %dma_wait3A_520 = tpu.memref_slice %arg2[%dma_wait3A, %dma_wait3A_519] : memref<20481x768xf32, #tpu.memory_space<hbm>> -> memref<20481x768xf32, #tpu.memory_space<hbm>>
      tpu.wait_indirect_dma semaphore(%arg11 : memref<!tpu.dma_semaphore, #tpu.memory_space<semaphore_mem>>) src(%dma_wait3A_520 : memref<20481x768xf32, #tpu.memory_space<hbm>>) dst(%arg8 : memref<16x768xf32, #tpu.memory_space<vmem>>)
      %run_scoped3A = arith.constant 12 : i32
      "tpu.region"() ({
        %run_scoped3A_521 = tpu.sem_alloc : memref<!tpu.dma_semaphore, #tpu.memory_space<semaphore_mem>>
        %dma_start3A_522 = arith.constant 0 : i32
        %dma_start3A_523 = tpu.memref_slice %arg5[%run_scoped3A, %add3A_4, %dma_start3A_522] : memref<16x2048x768xf32, #tpu.memory_space<hbm>> -> memref<1x16x768xf32, #tpu.memory_space<hbm>>
        %dma_start3A_524 = tpu.memref_squeeze %dma_start3A_523 : memref<1x16x768xf32, #tpu.memory_space<hbm>> -> memref<16x768xf32, #tpu.memory_space<hbm>>
        %dma_start3A_525 = arith.constant 0 : i32
        %dma_start3A_526 = tpu.memref_slice %arg5[%run_scoped3A, %add3A_4, %dma_start3A_525] : memref<16x2048x768xf32, #tpu.memory_space<hbm>> -> memref<1x16x768xf32, #tpu.memory_space<hbm>>
        %dma_start3A_527 = tpu.memref_squeeze %dma_start3A_526 : memref<1x16x768xf32, #tpu.memory_space<hbm>> -> memref<16x768xf32, #tpu.memory_space<hbm>>
        tpu.enqueue_dma source(%arg8 : memref<16x768xf32, #tpu.memory_space<vmem>>) target(%dma_start3A_527 : memref<16x768xf32, #tpu.memory_space<hbm>>) target_semaphore(%run_scoped3A_521 : memref<!tpu.dma_semaphore, #tpu.memory_space<semaphore_mem>>)
        %dma_wait3A_528 = arith.constant 0 : i32
        %dma_wait3A_529 = tpu.memref_slice %arg5[%run_scoped3A, %add3A_4, %dma_wait3A_528] : memref<16x2048x768xf32, #tpu.memory_space<hbm>> -> memref<1x16x768xf32, #tpu.memory_space<hbm>>
        %dma_wait3A_530 = tpu.memref_squeeze %dma_wait3A_529 : memref<1x16x768xf32, #tpu.memory_space<hbm>> -> memref<16x768xf32, #tpu.memory_space<hbm>>
        %dma_wait3A_531 = arith.constant 0 : i32
        %dma_wait3A_532 = tpu.memref_slice %arg5[%run_scoped3A, %add3A_4, %dma_wait3A_531] : memref<16x2048x768xf32, #tpu.memory_space<hbm>> -> memref<1x16x768xf32, #tpu.memory_space<hbm>>
        %dma_wait3A_533 = tpu.memref_squeeze %dma_wait3A_532 : memref<1x16x768xf32, #tpu.memory_space<hbm>> -> memref<16x768xf32, #tpu.memory_space<hbm>>
        tpu.wait_dma2 semaphore(%run_scoped3A_521 : memref<!tpu.dma_semaphore, #tpu.memory_space<semaphore_mem>>) src(%arg8 : memref<16x768xf32, #tpu.memory_space<vmem>>) dst(%dma_wait3A_533 : memref<16x768xf32, #tpu.memory_space<hbm>>)
        tpu.yield
      }) : () -> ()
    } else {
    }
    %slice3A_473 = vector.extract_strided_slice %get3A_6 {offsets = [13], sizes = [1], strides = [1]} : vector<16xi32> to vector<1xi32>
    %squeeze3A_474 = vector.extract %slice3A_473[0] : i32 from vector<1xi32>
    %lt3A_475 = arith.cmpi slt, %add3A_4, %squeeze3A_474 : i32
    %add3A_476 = arith.constant 16 : i32
    %add3A_477 = arith.addi %add3A_4, %add3A_476 : i32
    %lt3A_478 = arith.cmpi slt, %squeeze3A_474, %add3A_477 : i32
    %and3A_479 = arith.andi %lt3A_475, %lt3A_478 : i1
    %convert_element_type3A_480 = arith.extui %and3A_479 : i1 to i32
    %cond3A_481 = arith.constant 0 : i32
    %cond3A_482 = arith.cmpi ne, %convert_element_type3A_480, %cond3A_481 : i32
    scf.if %cond3A_482 {
      %add3A_503 = arith.constant 0 : i32
      %add3A_504 = arith.addi %add3A_4, %add3A_503 : i32
      %add3A_505 = vector.broadcast %add3A_504 : i32 to vector<16xi32>
      %add3A_506 = arith.addi %add3A_505, %iota3A : vector<16xi32>
      %add3A_507 = arith.constant 1 : i32
      %add3A_508 = vector.broadcast %add3A_507 : i32 to vector<16xi32>
      %add3A_509 = arith.addi %add3A_506, %add3A_508 : vector<16xi32>
      %le3A_510 = vector.broadcast %squeeze3A_474 : i32 to vector<16xi32>
      %le3A_511 = arith.cmpi sle, %add3A_509, %le3A_510 : vector<16xi32>
      %jit3A_512 = arith.constant 0 : i32
      %broadcast_in_dim3A = vector.broadcast %jit3A_512 : i32 to vector<16xi32>
      %select_n3A_513 = arith.select %le3A_511, %add3A_509, %broadcast_in_dim3A : vector<16xi1>, vector<16xi32>
      %swap3A = arith.constant 0 : index
      %swap3A_514 = tpu.vector_load %arg7[%swap3A] {strides = array<i32>} : memref<16xi32, #tpu.memory_space<vmem>>, vector<16xi32>,
      %swap3A_515 = vector.shape_cast %swap3A_514 : vector<16xi32> to vector<16xi32>
      %swap3A_516 = vector.shape_cast %select_n3A_513 : vector<16xi32> to vector<16xi32>
      tpu.vector_store %arg7[%swap3A], %swap3A_516 {strides = array<i32>} : memref<16xi32, #tpu.memory_space<vmem>>, vector<16xi32>,
      %dma_start3A = arith.constant 0 : i32
      %dma_start3A_517 = arith.constant 0 : i32
      %dma_start3A_518 = tpu.memref_slice %arg2[%dma_start3A, %dma_start3A_517] : memref<20481x768xf32, #tpu.memory_space<hbm>> -> memref<20481x768xf32, #tpu.memory_space<hbm>>
      tpu.enqueue_indirect_dma source(%dma_start3A_518 : memref<20481x768xf32, #tpu.memory_space<hbm>>) target(%arg8 : memref<16x768xf32, #tpu.memory_space<vmem>>) offsets(%arg7 : memref<16xi32, #tpu.memory_space<vmem>>) semaphore(%arg11 : memref<!tpu.dma_semaphore, #tpu.memory_space<semaphore_mem>>)
      %dma_wait3A = arith.constant 0 : i32
      %dma_wait3A_519 = arith.constant 0 : i32
      %dma_wait3A_520 = tpu.memref_slice %arg2[%dma_wait3A, %dma_wait3A_519] : memref<20481x768xf32, #tpu.memory_space<hbm>> -> memref<20481x768xf32, #tpu.memory_space<hbm>>
      tpu.wait_indirect_dma semaphore(%arg11 : memref<!tpu.dma_semaphore, #tpu.memory_space<semaphore_mem>>) src(%dma_wait3A_520 : memref<20481x768xf32, #tpu.memory_space<hbm>>) dst(%arg8 : memref<16x768xf32, #tpu.memory_space<vmem>>)
      %run_scoped3A = arith.constant 13 : i32
      "tpu.region"() ({
        %run_scoped3A_521 = tpu.sem_alloc : memref<!tpu.dma_semaphore, #tpu.memory_space<semaphore_mem>>
        %dma_start3A_522 = arith.constant 0 : i32
        %dma_start3A_523 = tpu.memref_slice %arg5[%run_scoped3A, %add3A_4, %dma_start3A_522] : memref<16x2048x768xf32, #tpu.memory_space<hbm>> -> memref<1x16x768xf32, #tpu.memory_space<hbm>>
        %dma_start3A_524 = tpu.memref_squeeze %dma_start3A_523 : memref<1x16x768xf32, #tpu.memory_space<hbm>> -> memref<16x768xf32, #tpu.memory_space<hbm>>
        %dma_start3A_525 = arith.constant 0 : i32
        %dma_start3A_526 = tpu.memref_slice %arg5[%run_scoped3A, %add3A_4, %dma_start3A_525] : memref<16x2048x768xf32, #tpu.memory_space<hbm>> -> memref<1x16x768xf32, #tpu.memory_space<hbm>>
        %dma_start3A_527 = tpu.memref_squeeze %dma_start3A_526 : memref<1x16x768xf32, #tpu.memory_space<hbm>> -> memref<16x768xf32, #tpu.memory_space<hbm>>
        tpu.enqueue_dma source(%arg8 : memref<16x768xf32, #tpu.memory_space<vmem>>) target(%dma_start3A_527 : memref<16x768xf32, #tpu.memory_space<hbm>>) target_semaphore(%run_scoped3A_521 : memref<!tpu.dma_semaphore, #tpu.memory_space<semaphore_mem>>)
        %dma_wait3A_528 = arith.constant 0 : i32
        %dma_wait3A_529 = tpu.memref_slice %arg5[%run_scoped3A, %add3A_4, %dma_wait3A_528] : memref<16x2048x768xf32, #tpu.memory_space<hbm>> -> memref<1x16x768xf32, #tpu.memory_space<hbm>>
        %dma_wait3A_530 = tpu.memref_squeeze %dma_wait3A_529 : memref<1x16x768xf32, #tpu.memory_space<hbm>> -> memref<16x768xf32, #tpu.memory_space<hbm>>
        %dma_wait3A_531 = arith.constant 0 : i32
        %dma_wait3A_532 = tpu.memref_slice %arg5[%run_scoped3A, %add3A_4, %dma_wait3A_531] : memref<16x2048x768xf32, #tpu.memory_space<hbm>> -> memref<1x16x768xf32, #tpu.memory_space<hbm>>
        %dma_wait3A_533 = tpu.memref_squeeze %dma_wait3A_532 : memref<1x16x768xf32, #tpu.memory_space<hbm>> -> memref<16x768xf32, #tpu.memory_space<hbm>>
        tpu.wait_dma2 semaphore(%run_scoped3A_521 : memref<!tpu.dma_semaphore, #tpu.memory_space<semaphore_mem>>) src(%arg8 : memref<16x768xf32, #tpu.memory_space<vmem>>) dst(%dma_wait3A_533 : memref<16x768xf32, #tpu.memory_space<hbm>>)
        tpu.yield
      }) : () -> ()
    } else {
    }
    %slice3A_483 = vector.extract_strided_slice %get3A_6 {offsets = [14], sizes = [1], strides = [1]} : vector<16xi32> to vector<1xi32>
    %squeeze3A_484 = vector.extract %slice3A_483[0] : i32 from vector<1xi32>
    %lt3A_485 = arith.cmpi slt, %add3A_4, %squeeze3A_484 : i32
    %add3A_486 = arith.constant 16 : i32
    %add3A_487 = arith.addi %add3A_4, %add3A_486 : i32
    %lt3A_488 = arith.cmpi slt, %squeeze3A_484, %add3A_487 : i32
    %and3A_489 = arith.andi %lt3A_485, %lt3A_488 : i1
    %convert_element_type3A_490 = arith.extui %and3A_489 : i1 to i32
    %cond3A_491 = arith.constant 0 : i32
    %cond3A_492 = arith.cmpi ne, %convert_element_type3A_490, %cond3A_491 : i32
    scf.if %cond3A_492 {
      %add3A_503 = arith.constant 0 : i32
      %add3A_504 = arith.addi %add3A_4, %add3A_503 : i32
      %add3A_505 = vector.broadcast %add3A_504 : i32 to vector<16xi32>
      %add3A_506 = arith.addi %add3A_505, %iota3A : vector<16xi32>
      %add3A_507 = arith.constant 1 : i32
      %add3A_508 = vector.broadcast %add3A_507 : i32 to vector<16xi32>
      %add3A_509 = arith.addi %add3A_506, %add3A_508 : vector<16xi32>
      %le3A_510 = vector.broadcast %squeeze3A_484 : i32 to vector<16xi32>
      %le3A_511 = arith.cmpi sle, %add3A_509, %le3A_510 : vector<16xi32>
      %jit3A_512 = arith.constant 0 : i32
      %broadcast_in_dim3A = vector.broadcast %jit3A_512 : i32 to vector<16xi32>
      %select_n3A_513 = arith.select %le3A_511, %add3A_509, %broadcast_in_dim3A : vector<16xi1>, vector<16xi32>
      %swap3A = arith.constant 0 : index
      %swap3A_514 = tpu.vector_load %arg7[%swap3A] {strides = array<i32>} : memref<16xi32, #tpu.memory_space<vmem>>, vector<16xi32>,
      %swap3A_515 = vector.shape_cast %swap3A_514 : vector<16xi32> to vector<16xi32>
      %swap3A_516 = vector.shape_cast %select_n3A_513 : vector<16xi32> to vector<16xi32>
      tpu.vector_store %arg7[%swap3A], %swap3A_516 {strides = array<i32>} : memref<16xi32, #tpu.memory_space<vmem>>, vector<16xi32>,
      %dma_start3A = arith.constant 0 : i32
      %dma_start3A_517 = arith.constant 0 : i32
      %dma_start3A_518 = tpu.memref_slice %arg2[%dma_start3A, %dma_start3A_517] : memref<20481x768xf32, #tpu.memory_space<hbm>> -> memref<20481x768xf32, #tpu.memory_space<hbm>>
      tpu.enqueue_indirect_dma source(%dma_start3A_518 : memref<20481x768xf32, #tpu.memory_space<hbm>>) target(%arg8 : memref<16x768xf32, #tpu.memory_space<vmem>>) offsets(%arg7 : memref<16xi32, #tpu.memory_space<vmem>>) semaphore(%arg11 : memref<!tpu.dma_semaphore, #tpu.memory_space<semaphore_mem>>)
      %dma_wait3A = arith.constant 0 : i32
      %dma_wait3A_519 = arith.constant 0 : i32
      %dma_wait3A_520 = tpu.memref_slice %arg2[%dma_wait3A, %dma_wait3A_519] : memref<20481x768xf32, #tpu.memory_space<hbm>> -> memref<20481x768xf32, #tpu.memory_space<hbm>>
      tpu.wait_indirect_dma semaphore(%arg11 : memref<!tpu.dma_semaphore, #tpu.memory_space<semaphore_mem>>) src(%dma_wait3A_520 : memref<20481x768xf32, #tpu.memory_space<hbm>>) dst(%arg8 : memref<16x768xf32, #tpu.memory_space<vmem>>)
      %run_scoped3A = arith.constant 14 : i32
      "tpu.region"() ({
        %run_scoped3A_521 = tpu.sem_alloc : memref<!tpu.dma_semaphore, #tpu.memory_space<semaphore_mem>>
        %dma_start3A_522 = arith.constant 0 : i32
        %dma_start3A_523 = tpu.memref_slice %arg5[%run_scoped3A, %add3A_4, %dma_start3A_522] : memref<16x2048x768xf32, #tpu.memory_space<hbm>> -> memref<1x16x768xf32, #tpu.memory_space<hbm>>
        %dma_start3A_524 = tpu.memref_squeeze %dma_start3A_523 : memref<1x16x768xf32, #tpu.memory_space<hbm>> -> memref<16x768xf32, #tpu.memory_space<hbm>>
        %dma_start3A_525 = arith.constant 0 : i32
        %dma_start3A_526 = tpu.memref_slice %arg5[%run_scoped3A, %add3A_4, %dma_start3A_525] : memref<16x2048x768xf32, #tpu.memory_space<hbm>> -> memref<1x16x768xf32, #tpu.memory_space<hbm>>
        %dma_start3A_527 = tpu.memref_squeeze %dma_start3A_526 : memref<1x16x768xf32, #tpu.memory_space<hbm>> -> memref<16x768xf32, #tpu.memory_space<hbm>>
        tpu.enqueue_dma source(%arg8 : memref<16x768xf32, #tpu.memory_space<vmem>>) target(%dma_start3A_527 : memref<16x768xf32, #tpu.memory_space<hbm>>) target_semaphore(%run_scoped3A_521 : memref<!tpu.dma_semaphore, #tpu.memory_space<semaphore_mem>>)
        %dma_wait3A_528 = arith.constant 0 : i32
        %dma_wait3A_529 = tpu.memref_slice %arg5[%run_scoped3A, %add3A_4, %dma_wait3A_528] : memref<16x2048x768xf32, #tpu.memory_space<hbm>> -> memref<1x16x768xf32, #tpu.memory_space<hbm>>
        %dma_wait3A_530 = tpu.memref_squeeze %dma_wait3A_529 : memref<1x16x768xf32, #tpu.memory_space<hbm>> -> memref<16x768xf32, #tpu.memory_space<hbm>>
        %dma_wait3A_531 = arith.constant 0 : i32
        %dma_wait3A_532 = tpu.memref_slice %arg5[%run_scoped3A, %add3A_4, %dma_wait3A_531] : memref<16x2048x768xf32, #tpu.memory_space<hbm>> -> memref<1x16x768xf32, #tpu.memory_space<hbm>>
        %dma_wait3A_533 = tpu.memref_squeeze %dma_wait3A_532 : memref<1x16x768xf32, #tpu.memory_space<hbm>> -> memref<16x768xf32, #tpu.memory_space<hbm>>
        tpu.wait_dma2 semaphore(%run_scoped3A_521 : memref<!tpu.dma_semaphore, #tpu.memory_space<semaphore_mem>>) src(%arg8 : memref<16x768xf32, #tpu.memory_space<vmem>>) dst(%dma_wait3A_533 : memref<16x768xf32, #tpu.memory_space<hbm>>)
        tpu.yield
      }) : () -> ()
    } else {
    }
    %slice3A_493 = vector.extract_strided_slice %get3A_6 {offsets = [15], sizes = [1], strides = [1]} : vector<16xi32> to vector<1xi32>
    %squeeze3A_494 = vector.extract %slice3A_493[0] : i32 from vector<1xi32>
    %lt3A_495 = arith.cmpi slt, %add3A_4, %squeeze3A_494 : i32
    %add3A_496 = arith.constant 16 : i32
    %add3A_497 = arith.addi %add3A_4, %add3A_496 : i32
    %lt3A_498 = arith.cmpi slt, %squeeze3A_494, %add3A_497 : i32
    %and3A_499 = arith.andi %lt3A_495, %lt3A_498 : i1
    %convert_element_type3A_500 = arith.extui %and3A_499 : i1 to i32
    %cond3A_501 = arith.constant 0 : i32
    %cond3A_502 = arith.cmpi ne, %convert_element_type3A_500, %cond3A_501 : i32
    scf.if %cond3A_502 {
      %add3A_503 = arith.constant 0 : i32
      %add3A_504 = arith.addi %add3A_4, %add3A_503 : i32
      %add3A_505 = vector.broadcast %add3A_504 : i32 to vector<16xi32>
      %add3A_506 = arith.addi %add3A_505, %iota3A : vector<16xi32>
      %add3A_507 = arith.constant 1 : i32
      %add3A_508 = vector.broadcast %add3A_507 : i32 to vector<16xi32>
      %add3A_509 = arith.addi %add3A_506, %add3A_508 : vector<16xi32>
      %le3A_510 = vector.broadcast %squeeze3A_494 : i32 to vector<16xi32>
      %le3A_511 = arith.cmpi sle, %add3A_509, %le3A_510 : vector<16xi32>
      %jit3A_512 = arith.constant 0 : i32
      %broadcast_in_dim3A = vector.broadcast %jit3A_512 : i32 to vector<16xi32>
      %select_n3A_513 = arith.select %le3A_511, %add3A_509, %broadcast_in_dim3A : vector<16xi1>, vector<16xi32>
      %swap3A = arith.constant 0 : index
      %swap3A_514 = tpu.vector_load %arg7[%swap3A] {strides = array<i32>} : memref<16xi32, #tpu.memory_space<vmem>>, vector<16xi32>,
      %swap3A_515 = vector.shape_cast %swap3A_514 : vector<16xi32> to vector<16xi32>
      %swap3A_516 = vector.shape_cast %select_n3A_513 : vector<16xi32> to vector<16xi32>
      tpu.vector_store %arg7[%swap3A], %swap3A_516 {strides = array<i32>} : memref<16xi32, #tpu.memory_space<vmem>>, vector<16xi32>,
      %dma_start3A = arith.constant 0 : i32
      %dma_start3A_517 = arith.constant 0 : i32
      %dma_start3A_518 = tpu.memref_slice %arg2[%dma_start3A, %dma_start3A_517] : memref<20481x768xf32, #tpu.memory_space<hbm>> -> memref<20481x768xf32, #tpu.memory_space<hbm>>
      tpu.enqueue_indirect_dma source(%dma_start3A_518 : memref<20481x768xf32, #tpu.memory_space<hbm>>) target(%arg8 : memref<16x768xf32, #tpu.memory_space<vmem>>) offsets(%arg7 : memref<16xi32, #tpu.memory_space<vmem>>) semaphore(%arg11 : memref<!tpu.dma_semaphore, #tpu.memory_space<semaphore_mem>>)
      %dma_wait3A = arith.constant 0 : i32
      %dma_wait3A_519 = arith.constant 0 : i32
      %dma_wait3A_520 = tpu.memref_slice %arg2[%dma_wait3A, %dma_wait3A_519] : memref<20481x768xf32, #tpu.memory_space<hbm>> -> memref<20481x768xf32, #tpu.memory_space<hbm>>
      tpu.wait_indirect_dma semaphore(%arg11 : memref<!tpu.dma_semaphore, #tpu.memory_space<semaphore_mem>>) src(%dma_wait3A_520 : memref<20481x768xf32, #tpu.memory_space<hbm>>) dst(%arg8 : memref<16x768xf32, #tpu.memory_space<vmem>>)
      %run_scoped3A = arith.constant 15 : i32
      "tpu.region"() ({
        %run_scoped3A_521 = tpu.sem_alloc : memref<!tpu.dma_semaphore, #tpu.memory_space<semaphore_mem>>
        %dma_start3A_522 = arith.constant 0 : i32
        %dma_start3A_523 = tpu.memref_slice %arg5[%run_scoped3A, %add3A_4, %dma_start3A_522] : memref<16x2048x768xf32, #tpu.memory_space<hbm>> -> memref<1x16x768xf32, #tpu.memory_space<hbm>>
        %dma_start3A_524 = tpu.memref_squeeze %dma_start3A_523 : memref<1x16x768xf32, #tpu.memory_space<hbm>> -> memref<16x768xf32, #tpu.memory_space<hbm>>
        %dma_start3A_525 = arith.constant 0 : i32
        %dma_start3A_526 = tpu.memref_slice %arg5[%run_scoped3A, %add3A_4, %dma_start3A_525] : memref<16x2048x768xf32, #tpu.memory_space<hbm>> -> memref<1x16x768xf32, #tpu.memory_space<hbm>>
        %dma_start3A_527 = tpu.memref_squeeze %dma_start3A_526 : memref<1x16x768xf32, #tpu.memory_space<hbm>> -> memref<16x768xf32, #tpu.memory_space<hbm>>
        tpu.enqueue_dma source(%arg8 : memref<16x768xf32, #tpu.memory_space<vmem>>) target(%dma_start3A_527 : memref<16x768xf32, #tpu.memory_space<hbm>>) target_semaphore(%run_scoped3A_521 : memref<!tpu.dma_semaphore, #tpu.memory_space<semaphore_mem>>)
        %dma_wait3A_528 = arith.constant 0 : i32
        %dma_wait3A_529 = tpu.memref_slice %arg5[%run_scoped3A, %add3A_4, %dma_wait3A_528] : memref<16x2048x768xf32, #tpu.memory_space<hbm>> -> memref<1x16x768xf32, #tpu.memory_space<hbm>>
        %dma_wait3A_530 = tpu.memref_squeeze %dma_wait3A_529 : memref<1x16x768xf32, #tpu.memory_space<hbm>> -> memref<16x768xf32, #tpu.memory_space<hbm>>
        %dma_wait3A_531 = arith.constant 0 : i32
        %dma_wait3A_532 = tpu.memref_slice %arg5[%run_scoped3A, %add3A_4, %dma_wait3A_531] : memref<16x2048x768xf32, #tpu.memory_space<hbm>> -> memref<1x16x768xf32, #tpu.memory_space<hbm>>
        %dma_wait3A_533 = tpu.memref_squeeze %dma_wait3A_532 : memref<1x16x768xf32, #tpu.memory_space<hbm>> -> memref<16x768xf32, #tpu.memory_space<hbm>>
        tpu.wait_dma2 semaphore(%run_scoped3A_521 : memref<!tpu.dma_semaphore, #tpu.memory_space<semaphore_mem>>) src(%arg8 : memref<16x768xf32, #tpu.memory_space<vmem>>) dst(%dma_wait3A_533 : memref<16x768xf32, #tpu.memory_space<hbm>>)
        tpu.yield
      }) : () -> ()
    } else {
    }
    return
  }
}

module attributes {stable_mosaic.version = 14 : i64} {
  func.func @_tc_body(%arg0: i32, %arg1: i32, %arg2: memref<16x2048x768xf32, #tpu.memory_space<any>>, %arg3: memref<256x768xf32, #tpu.memory_space<vmem>>, %arg4: memref<16xi32, #tpu.memory_space<smem>>, %arg5: memref<1x256x768xf32, #tpu.memory_space<vmem>>) attributes {dimension_semantics = [#tpu.dimension_semantics<arbitrary>, #tpu.dimension_semantics<arbitrary>], iteration_bounds = array<i64: 6, 16>, scalar_prefetch = 0 : i64, scratch_operands = 0 : i64, tpu.core_type = #tpu.core_type<tc>, window_params = [{}, {transform_indices = @transform_1, window_bounds = array<i64: 256, 768>}, {transform_indices = @transform_2, window_bounds = array<i64: 16>}, {transform_indices = @transform_3, window_bounds = array<i64: 1, 256, 768>}]} {
    %get3A = arith.index_cast %arg1 : i32 to index
    %get3A_0 = memref.load %arg4[%get3A] : memref<16xi32, #tpu.memory_space<smem>>
    %mul3A = arith.constant 256 : i32
    %mul3A_1 = arith.muli %arg0, %mul3A : i32
    %iota3A = tpu.iota {dimensions = array<i32: 0>} : vector<256x1xi32>
    %add3A = vector.broadcast %mul3A_1 : i32 to vector<256x1xi32>
    %add3A_2 = arith.addi %add3A, %iota3A : vector<256x1xi32>
    %lt3A = vector.broadcast %get3A_0 : i32 to vector<256x1xi32>
    %lt3A_3 = arith.cmpi slt, %add3A_2, %lt3A : vector<256x1xi32>
    %get3A_4 = arith.constant 0 : index
    %get3A_5 = arith.constant 0 : index
    %get3A_6 = vector.load %arg3[%get3A_4, %get3A_5] : memref<256x768xf32, #tpu.memory_space<vmem>>, vector<256x768xf32>
    %jit3A = arith.constant 0.000000e+00 : f32
    %broadcast_in_dim3A = vector.shape_cast %lt3A_3 : vector<256x1xi1> to vector<256x1xi1>
    %broadcast_in_dim3A_7 = vector.broadcast %broadcast_in_dim3A : vector<256x1xi1> to vector<256x768xi1>
    %broadcast_in_dim3A_8 = vector.broadcast %jit3A : f32 to vector<256x768xf32>
    %select_n3A = arith.select %broadcast_in_dim3A_7, %get3A_6, %broadcast_in_dim3A_8 : vector<256x768xi1>, vector<256x768xf32>
    %broadcast_in_dim3A_9 = vector.shape_cast %select_n3A : vector<256x768xf32> to vector<1x256x768xf32>
    %swap3A = arith.constant 0 : index
    %swap3A_10 = arith.constant 0 : index
    %swap3A_11 = arith.constant 0 : index
    %swap3A_12 = vector.load %arg5[%swap3A, %swap3A_10, %swap3A_11] : memref<1x256x768xf32, #tpu.memory_space<vmem>>, vector<1x256x768xf32>
    tpu.vector_store %arg5[%swap3A, %swap3A_10, %swap3A_11], %broadcast_in_dim3A_9 {strides = array<i32>} : memref<1x256x768xf32, #tpu.memory_space<vmem>>, vector<1x256x768xf32>,
    return
  }
  func.func @transform_1(%arg0: i32, %arg1: i32) -> (i32, i32) {
    %c0_i32 = arith.constant 0 : i32
    %c0_i32_0 = arith.constant 0 : i32
    return %arg0, %c0_i32 : i32, i32
  }
  func.func @transform_2(%arg0: i32, %arg1: i32) -> i32 {
    %c0_i32 = arith.constant 0 : i32
    %c0_i32_0 = arith.constant 0 : i32
    return %c0_i32 : i32
  }
  func.func @transform_3(%arg0: i32, %arg1: i32) -> (i32, i32, i32) {
    %c0_i32 = arith.constant 0 : i32
    %c0_i32_0 = arith.constant 0 : i32
    return %arg1, %arg0, %c0_i32 : i32, i32, i32
  }
}

</mosaic_0001>

<sc_bundles>
// kernel: kernel.4.cloned.1.call-start
scs
__scs_entry_jumppad:
0x0: {  	(pc) =	sbr.rel $0x88, $3  }
0x1: {  	(tag) =	ssettag $0x0;
	lr =	simm.s32 $0x1  }
0x2: {  	[smem:$0x3F9F] =	sst lr;
	_ =	strace $0xD0000000  }
0x3: {  	_ = 	snop  }
0x4: {  	_ = 	snop  }
0x5: {  	_ = 	snop  }
0x6: {  	_ = 	snop  }
0x7: {  	_ = 	snop  }
__scs_overlays_trampoline_lowered:
0x8: {  	[smem:$0x3FAE] =	sst s0  }
0x9: {  	[smem:$0x3FAF] =	sst s1  }
0xa: {  	[smem:$0x3FB0] =	sst s2  }
0xb: {  	[smem:$0x3FB1] =	sst s3  }
0xc: {  	[smem:$0x3FB2] =	sst s4  }
0xd: {  	[smem:$0x3FB3] =	sst s5  }
0xe: {  	[smem:$0x3FB4] =	sst s6  }
0xf: {  	[smem:$0x3FB5] =	sst s7  }
0x10: {  	[smem:$0x3FB6] =	sst s8  }
0x11: {  	[smem:$0x3FB7] =	sst s9;
	s0 =	simm.s32 @!p0 $0x0  }
0x12: {  	s1 =	sld [smem:$0x3F9D];
	s0 =	simm.s32 @p0 $0x1  }
0x13: {  	[smem:$0x3FB8] =	sst s0;
	s0 =	simm.s32 @!p1 $0x0  }
0x14: {  	s2 =	sld [smem:$0x3F9C];
	s0 =	simm.s32 @p1 $0x1  }
0x15: {  	[smem:$0x3FB9] =	sst s0;
	s0 =	simm.s32 @!p2 $0x0  }
0x16: {  	s3 =	sld [smem:$0x3FDB];
	s0 =	simm.s32 @p2 $0x1  }
0x17: {  	s4 =	simm.s32 $0x1BF5;
	[smem:$0x3FBB] =	sst s0  }
0x18: {  	s0 =	sld [smem:$0x3F9E];
	_ =	swait.ge [sflag:s4], $0x0  }
0x19: {  	s7 =	sld [smem:$0x3F9F]  }
0x1a: {  	s8 =	sadd.s32 $0xFFFFE003, lr  }
0x1b: {  	s9 =	sadd.s32 $0xFFFFFEF7, lr;
	s5 =	simm.s32 $0xFFFFFFFF;
	p2 =	slt.u32 s8, $0xFFFFF086  }
0x1c: {  	p1 =	slt.u32 s9, $0xF7A;
	s5 =	simm.s32 @!p2 $0x0  }
0x1d: {  	s5 =	simm.s32 @p1 $0x1;
	p0 =	seq.s32 s7, s2  }
0x1e: {  	s7 =	smul.u32 @!p0 $0xF7A, s2;
	p2 =	seq.s32 @!p0 s5, $0x0  }
0x1f: {  	s9 =	smul.u32 $0xF7A, s1;
	s8 =	simm.s32 @!p0 $0x1BF5;
	p2 =	por !p2, p0  }
0x20: {  	[sflag:s8] =	ssyncset.s32 @!p0 $0xFFFFF086;
	s6 =	sadd.s32 @!p0 s3, s7;
	s7 =	simm.s32 @!p0 $0x108  }
0x21: {  	s3 =	sadd.s32 s3, s9;
	s6 =	sadd.s32 @!p0 $0x88, s6;
	s7 =	simm.s32 @p2 $0x1082  }
0x22: {  	[simem:s7], [sflag:s8] =	dma.local @!p0 [hbm:s6], $0xF7A  }
0x23: {  	s9 =	sor.u32 $0xD0000000, s2;
	s6 =	simm.s32 $0x108;
	_ =	swait.ge @!p0 [sflag:s8], $0x0  }
0x24: {  	s3 =	sadd.s32 $0x88, s3;
	s6 =	simm.s32 @!p1 $0x1082;
	[sflag:s4] =	ssyncset.s32 $0xFFFFF086  }
0x25: {  	[simem:s6], [sflag:s4] =	dma.local [hbm:s3], $0xF7A  }
0x26: {  	[smem:$0x3F9F] =	sst s1;
	(tag) =	ssettag s2;
	_ =	strace s9  }
0x27: {  	s1 =	sld [smem:$0x3FAF]  }
0x28: {  	s2 =	sld [smem:$0x3FB0]  }
0x29: {  	s4 =	sld [smem:$0x3FB2]  }
0x2a: {  	p0 =	seq.s32 s5, $0x0;
	s5 =	sld [smem:$0x3FB3]  }
0x2b: {  	s6 =	sld [smem:$0x3FB4]  }
0x2c: {  	s7 =	sld [smem:$0x3FB5]  }
0x2d: {  	s3 =	simm.s32 $0x108;
	s8 =	sld [smem:$0x3FB6]  }
0x2e: {  	s3 =	simm.s32 @!p0 $0x1082;
	s9 =	sld [smem:$0x3FB7]  }
0x2f: {  	lr =	sadd.s32 s0, s3;
	s0 =	sld [smem:$0x3FAE]  }
0x30: {  	s3 =	sld [smem:$0x3FB1]  }
0x31: {  	[smem:$0x3FBA] =	sst s10  }
0x32: {  	s10 =	sld [smem:$0x3FB8];
	_ =	sdelay $0x3  }
0x33: {  	p0 =	seq.s32 s10, $0x1;
	s10 =	sld [smem:$0x3FBA];
	_ =	sdelay $0x3  }
0x34: {  	[smem:$0x3FBA] =	sst s10  }
0x35: {  	s10 =	sld [smem:$0x3FB9];
	_ =	sdelay $0x3  }
0x36: {  	p1 =	seq.s32 s10, $0x1;
	s10 =	sld [smem:$0x3FBA];
	_ =	sdelay $0x3  }
0x37: {  	[smem:$0x3FBA] =	sst s10  }
0x38: {  	s10 =	sld [smem:$0x3FBB]  }
0x39: {  	_ = 	snop;
	(pc) =	sbr.ind lr, $3  }
0x3a: {  	_ = 	snop  }
0x3b: {  	_ = 	snop  }
0x3c: {  	p2 =	seq.s32 s10, $0x1;
	s10 =	sld [smem:$0x3FBA]  }
0x3d: {  	_ =	shalt  }
0x3e: {  	_ =	shalt  }
0x3f: {  	_ =	shalt  }
0x40: {  	_ =	shalt  }
0x41: {  	_ =	shalt  }
0x42: {  	_ =	shalt  }
0x43: {  	_ =	shalt  }
0x44: {  	_ =	shalt  }
0x45: {  	_ =	shalt  }
0x46: {  	_ =	shalt  }
0x47: {  	_ =	shalt  }
0x48: {  	_ =	shalt  }
0x49: {  	_ =	shalt  }
0x4a: {  	_ =	shalt  }
0x4b: {  	_ =	shalt  }
0x4c: {  	_ =	shalt  }
0x4d: {  	_ =	shalt  }
0x4e: {  	_ =	shalt  }
0x4f: {  	_ =	shalt  }
0x50: {  	_ =	shalt  }
0x51: {  	_ =	shalt  }
0x52: {  	_ =	shalt  }
0x53: {  	_ =	shalt  }
0x54: {  	_ =	shalt  }
0x55: {  	_ =	shalt  }
0x56: {  	_ =	shalt  }
0x57: {  	_ =	shalt  }
0x58: {  	_ =	shalt  }
0x59: {  	_ =	shalt  }
0x5a: {  	_ =	shalt  }
0x5b: {  	_ =	shalt  }
0x5c: {  	_ =	shalt  }
0x5d: {  	_ =	shalt  }
0x5e: {  	_ =	shalt  }
0x5f: {  	_ =	shalt  }
0x60: {  	_ =	shalt  }
0x61: {  	_ =	shalt  }
0x62: {  	_ =	shalt  }
0x63: {  	_ =	shalt  }
0x64: {  	_ =	shalt  }
0x65: {  	_ =	shalt  }
0x66: {  	_ =	shalt  }
0x67: {  	_ =	shalt  }
0x68: {  	_ =	shalt  }
0x69: {  	_ =	shalt  }
0x6a: {  	_ =	shalt  }
0x6b: {  	_ =	shalt  }
0x6c: {  	_ =	shalt  }
0x6d: {  	_ =	shalt  }
0x6e: {  	_ =	shalt  }
0x6f: {  	_ =	shalt  }
0x70: {  	_ =	shalt  }
0x71: {  	_ =	shalt  }
0x72: {  	_ =	shalt  }
0x73: {  	_ =	shalt  }
0x74: {  	_ =	shalt  }
0x75: {  	_ =	shalt  }
0x76: {  	_ =	shalt  }
0x77: {  	_ =	shalt  }
0x78: {  	_ =	shalt  }
0x79: {  	_ =	shalt  }
0x7a: {  	_ =	shalt  }
0x7b: {  	_ =	shalt  }
0x7c: {  	_ =	shalt  }
0x7d: {  	_ =	shalt  }
0x7e: {  	_ =	shalt  }
0x7f: {  	_ =	shalt  }
0x80: {  	_ =	shalt  }
0x81: {  	_ =	shalt  }
0x82: {  	_ =	shalt  }
0x83: {  	_ =	shalt  }
0x84: {  	_ =	shalt  }
0x85: {  	_ =	shalt  }
0x86: {  	_ =	shalt  }
0x87: {  	_ =	shalt  }
.Lfunc_end0:
.L_simem_size_0:
called_computation_lowered:
.L_overlay_start_0:
0x88: {  	s2 =	sld [smem:$0x3FD9]  }
0x89: {  	s3 =	sld [smem:$0x3FFE];
	_ =	sdelay $0x1  }
0x8a: {  	s1 =	srdreg.scid  }
0x8b: {  	s0 =	sand.u32 $0x1, s1  }
0x8c: {  	s17 =	sshll.u32 s0, $0xA;
	s2 =	sadd.s32 s3, s2  }
0x8d: {  	s2 =	sadd.s32 s2, s17  }
0x8e: {  	[smem:$0x3FC6] =	sst s2  }
0x8f: {  	_ = 	snop  }
0x90: {  	s2 =	sld [smem:$0x3FC9]  }
0x91: {  	s18 =	sld [smem:$0x3FC8]  }
0x92: {  	s4 =	sld [smem:$0x3FD0];
	(tm) =	ssettm $0x1  }
0x93: {  	s5 =	sld [smem:$0x3FFB];
	_ =	sdelay $0x3  }
0x94: {  	_ =	strace s5  }
0x95: {  	s5 =	sld [smem:$0x3FFC];
	_ =	sdelay $0x3  }
0x96: {  	_ =	strace s5  }
0x97: {  	s5 =	sld [smem:$0x3FFD];
	_ =	sdelay $0x3  }
0x98: {  	_ =	strace s5  }
0x99: {  	_ =	strace $0x8FFFFFFF  }
0x9a: {  	s19 =	sld [smem:$0x3FDB];
	_ =	sdelay $0x1  }
0x9b: {  	s6 =	simm.s32 $_scs_section_size  }
0x9c: {  	s7 =	simm.s32 $_size__tile_overlayer_lowered;
	s8 =	simm.s32 $_tile_overlayer_lowered  }
0x9d: {  	s22 =	simm.s32 $0x1BFF;
	s21 =	sshll.u32 s8, $0x1;
	s5 =	sadd.s32 s6, s19  }
0x9e: {  	s9 =	simm.s32 $0x0;
	s20 =	sshll.u32 s7, $0x1;
	s7 =	sadd.s32 s21, s5  }
0x9f: {  	[timem:s9], [sflag:s22] =	dma.local [hbm:s7], s20  }
0xa0: {  	_ =	swait.ge [sflag:s22], s20  }
0xa1: {  	s6 =	ssub.s32 $0x0, s20;
	[sflag:s22] =	ssyncset.done $0x0  }
0xa2: {  	[sflag:s22] =	ssyncadd.s32 s6;
	_ =	sdelay $0x1  }
0xa3: {  	s23 =	simm.s32 $0x1B8B  }
0xa4: {  	_ =	swait.ge [sflag:s23], $0x1  }
0xa5: {  	[sflag:s23] =	ssyncset.done $0x0  }
0xa6: {  	s25 =	simm.s32 $0x1B8E;
	s24 =	sld [smem:$0x3FFE];
	[sflag:s23] =	ssyncadd.s32 $0xFFFFFFFF  }
0xa7: {  	s26 =	simm.s32 $execute0_lowered;
	[smem:$0x3FD2] =	sst s25  }
0xa8: {  	s7 =	sshll.u32 s26, $0x1;
	_ =	strace $0x80000046;
	[dreg:$0x1] =	wrdreg $0xFFFFFFFF  }
0xa9: {  	s28 =	simm.s32 $_size_execute0_lowered;
	s5 =	sadd.s32 s5, s7;
	[dreg:$0x0] =	wrdreg $0x0  }
0xaa: {  	s7 =	sshll.u32 s28, $0x1;
	[dreg:$0x2] =	wrdreg s5  }
0xab: {  	[dreg:$0x3] =	wrdreg s7  }
0xac: {  	[dreg:$0x4] =	wrdreg $0xC0  }
0xad: {  	_ =	task [dreg:s9], $0x5FFFF  }
0xae: {  	[dreg:$0x1] =	wrdreg $0xFFFFFFFF  }
0xaf: {  	[dreg:$0x0] =	wrdreg $0x60  }
0xb0: {  	[dreg:$0x2] =	wrdreg s18  }
0xb1: {  	[dreg:$0x3] =	wrdreg s24  }
0xb2: {  	[dreg:$0x4] =	wrdreg s2  }
0xb3: {  	[dreg:$0x5] =	wrdreg s4  }
0xb4: {  	[dreg:$0x6] =	wrdreg $0x61000  }
0xb5: {  	[dreg:$0x7] =	wrdreg $0x31000  }
0xb6: {  	[dreg:$0x8] =	wrdreg $0x9  }
0xb7: {  	_ =	task.clear_ibuf [dreg:s9], $0x9FFFF;
	_ =	strace $0x90000046  }
0xb8: {  	s29 =	simm.s32 $0x9;
	_ =	strace $0x80000048  }
0xb9: {  	_ =	swait.ge [sflag:s29], $0x1  }
0xba: {  	[sflag:s29] =	ssyncadd.s32 $0xFFFFFFFF  }
0xbb: {  	_ =	strace $0x90000048  }
0xbc: {  	_ =	sfence  }
0xbd: {  	s30 =	sld [smem:$0x0];
	_ =	sdelay $0x2  }
0xbe: {  	s31 =	sshll.u32 s1, $0xD;
	s1 =	sshrl.u32 s1, $0x2  }
0xbf: {  	s3 =	sand.u32 $0x4000, s31;
	s1 =	sadd.s32 s1, s30  }
0xc0: {  	s0 =	sor.u32 s3, s0;
	s1 =	sshll.u32 s1, $0x11  }
0xc1: {  	s0 =	sor.u32 s1, s0  }
0xc2: {  	s0 =	sadd.s32 $0x8F2B, s0  }
0xc3: {  	[sflag:s0] =	ssyncadd.remote.s32 $0x1  }
0xc4: {  	_ =	sfence.sel $0xFFFF  }
0xc5: {  	[dreg:$0x0] =	wrdreg $0xFFFFFFFF;
	(pc) =	sbr.abs _section_cstart, $3  }
0xc6: {  	[dreg:$0x1] =	wrdreg $0xFFFFFFFF  }
0xc7: {  	_ =	task.clear_ibuf [dreg:s9], $0x2FFFF;
	_ =	strace $0x9FFFFFFF  }
0xc8: {  	(tm) =	ssettm $0x7FFFFFFF  }
0xc9: {  	_ =	shalt  }
tec
execute0_lowered:
.L_overlay_start_1:
0x0: {  	(tag) =	ssettag $0x1  }
0x1: {  	s2 =	srdreg.scid  }
0x2: {  	s1 =	stileid.u32;
	s2 =	sand.u32 $0x1, s2  }
0x3: {  	s4 =	sshll.u32 s1, $0x5;
	s5 =	sshll.u32 s2, $0x4  }
0x4: {  	s0 =	rddreg [dreg:$0x0];
	s11 =	sor.u32 s5, s4  }
0x5: {  	s3 =	rddreg [dreg:$0x1];
	s5 =	sor.u32 $0x600, s11  }
0x6: {  	s6 =	rddreg [dreg:$0x3];
	s7 =	sshrl.u32 s5, $0x3  }
0x7: {  	s9 =	rddreg [dreg:$0x5];
	s8 =	simm.s32 $0x0;
	s7 =	smul.u32 $0x1800, s7  }
0x8: {  	[smem:$0x7FF] =	sst s8;
	s21 =	smul.u32 $0xC000, s1  }
0x9: {  	s4 =	rddreg [dreg:$0x4];
	s13 =	sshrl.u32 s7, $0x3  }
0xa: {  	_ =	strace $0x80000047;
	s10 =	sshrl.u32 s21, $0x2;
	s3 =	sadd.s32 s13, s3  }
0xb: {  	s9 =	sadd.s32 s10, s9;
	s10 =	sadd.s32 s6, s13;
	s3 =	sadd.s32 $0x800, s3  }
0xc: {  	s23 =	sor.u32 $0xC0000, s13;
	s30 =	sadd.s32 $0x90000, s10;
	[dreg:$0x7] =	wrdreg s3  }
0xd: {  	s12 =	sadd.s32 $0x610, s11;
	s11 =	sadd.s32 s6, s23;
	[dreg:$0x8] =	wrdreg s30  }
0xe: {  	s14 =	sadd.s32 $0xF0000, s10;
	[dreg:$0x9] =	wrdreg s11  }
0xf: {  	s15 =	sadd.s32 $0x120000, s10;
	[dreg:$0xa] =	wrdreg s14  }
0x10: {  	s25 =	sor.u32 $0x180000, s13;
	s18 =	sadd.s32 $0x150000, s10;
	[dreg:$0xb] =	wrdreg s15  }
0x11: {  	s17 =	sadd.s32 s6, s25;
	[dreg:$0xc] =	wrdreg s18  }
0x12: {  	s16 =	sadd.s32 $0x1B0000, s10;
	[dreg:$0xd] =	wrdreg s17  }
0x13: {  	s29 =	sor.u32 $0x240000, s13;
	s19 =	sadd.s32 $0x1E0000, s10;
	[dreg:$0xe] =	wrdreg s16  }
0x14: {  	p4 =	sne.s32 s1, $0x0;
	s20 =	sadd.s32 s6, s29;
	[dreg:$0xf] =	wrdreg s19  }
0x15: {  	s2 =	ssub.s32 $0x2, s2;
	s31 =	sadd.s32 $0x210000, s10;
	[dreg:$0x10] =	wrdreg s20  }
0x16: {  	s22 =	sshrl.u32 s2, $0x1;
	s13 =	sadd.s32 $0x270000, s10;
	[dreg:$0x11] =	wrdreg s31  }
0x17: {  	s2 =	ssub.s32 s2, s22;
	s21 =	sadd.s32 $0x2A0000, s10;
	[dreg:$0x12] =	wrdreg s13  }
.Ltmp0:
0x18: {  	s26 =	sadd.s32 $0x60000, s10;
	[dreg:$0x13] =	wrdreg s21;
	(pc) =	sbr.rel .LBB2_1-.Ltmp0, $4  }
0x19: {  	s24 =	sadd.s32 $0x30000, s10;
	s28 =	sadd.s32 $0x2D0000, s10;
	[dreg:$0x14] =	wrdreg s26  }
0x1a: {  	v0 =	vlaneseq.u32;
	s25 =	smax.u32 s2, $0x1;
	s2 =	simm.s32 @!p4 $0x0;
	[dreg:$0x15] =	wrdreg s28  }
0x1b: {  	v0 =	vadd.s32 $0x1, v0;
	s2 =	simm.s32 @p4 $0x1;
	[dreg:$0x16] =	wrdreg s24  }
0x1c: {  	s8 =	sadd.s32 $0x200, s0;
	vm0 =	vmmov @!p4 $0xffff;
	v0 =	vadd.s32 s5, v0;
	s7 =	sadd.s32 $0x100, s0;
	[smem:$0x7FD] =	sst s2  }
.LBB2_3:
0x1d: {  	p0 =	sge.s32 s5, s23  }
0x1e: {  	p1 =	sge.s32 @!p0 s23, s12  }
0x1f: {  	p1 =	por p1, p0  }
0x20: {  	v2 =	vbroadcast @!p1 v1, $0x0;
	_ =	sdelay $0x1  }
0x21: {  	vm1 =	vgt.s32 @!p1 v0, v2  }
0x22: {  	v2 =	vsel @!p1 vm1, $0x0, v0  }
0x23: {  	v3 =	vshrl.u32 @!p1 v2, $0x3  }
0x24: {  	v3 =	vmul.u32 @!p1 $0x30, v3  }
0x25: {  	v5 =	vlaneseq.u32 @!p1;
	v4 =	vand.u32 @!p1 $0x7, v2  }
0x26: {  	v6 =	vshrl.u32 @!p1 v5, $0x3;
	v3 =	vor.u32 @!p1 v4, v3;
	v4 =	vand.u32 @!p1 $0x7, v5  }
0x27: {  	v6 =	vmul.u32 @!p1 $0x8, v6;
	v4 =	vperm.xlane @!p1 v3, v4;
	_ =	sdelay $0x1  }
0x28: {  	v4 =	vadd.s32 @!p1 v6, v4;
	_ =	sdelay $0x2  }
0x29: {  	[tilespmem:$0x80] =	vst @!p1 v2;
	v2 =	vor.u32 @!p1 $0x8, v5  }
0x2a: {  	s23 =	simm.s32 @!p1 $0x0;
	s24 =	simm.s32 @!p1 $0x100;
	vm1 =	vmmov @!p1 $0xffff;
	v2 =	vperm.xlane @!p1 v3, v2  }
0x2b: {  	[tilespmem:s24], [sflag:$0x1] =	stream.indirect_vreg.gather @!p1 [hbm4b:s0+s23], $0x80, v4, vm1, $0xb8;
	[tilespmem:$0x6400] =	vst v63  }
0x2c: {  	p0 =	sge.s32 s5, s22;
	s26 =	simm.s32 @!p1 $0x900;
	v2 =	vadd.s32 @!p1 v6, v2  }
0x2d: {  	[tilespmem:s26], [sflag:$0x1] =	stream.indirect_vreg.gather @!p1 [hbm4b:s7+s23], $0x80, v4, vm1, $0xb8;
	[tilespmem:$0x6400] =	vst v63  }
0x2e: {  	p2 =	sge.s32 @!p0 s22, s12;
	s26 =	simm.s32 @!p1 $0x1100  }
0x2f: {  	[tilespmem:s26], [sflag:$0x1] =	stream.indirect_vreg.gather @!p1 [hbm4b:s8+s23], $0x80, v4, vm1, $0xb8;
	[tilespmem:$0x6400] =	vst v63  }
0x30: {  	s22 =	simm.s32 @!p1 $0x1900;
	p2 =	por p2, p0  }
0x31: {  	v3 =	vbroadcast @!p2 v1, $0x1;
	[tilespmem:s22], [sflag:$0x1] =	stream.indirect_vreg.gather @!p1 [hbm4b:s0+s23], $0x80, v2, vm1, $0xb8;
	[tilespmem:$0x6400] =	vst v63  }
0x32: {  	s22 =	simm.s32 @!p1 $0x2100  }
0x33: {  	vm2 =	vgt.s32 @!p2 v0, v3;
	[tilespmem:s22], [sflag:$0x1] =	stream.indirect_vreg.gather @!p1 [hbm4b:s7+s23], $0x80, v2, vm1, $0xb8;
	[tilespmem:$0x6400] =	vst v63  }
0x34: {  	v3 =	vsel @!p2 vm2, $0x0, v0;
	s22 =	simm.s32 @!p1 $0x2900  }
0x35: {  	[tilespmem:s22], [sflag:$0x1] =	stream.indirect_vreg.gather @!p1 [hbm4b:s8+s23], $0x80, v2, vm1, $0xb8;
	v2 =	vshrl.u32 @!p2 v3, $0x3;
	[tilespmem:$0x6400] =	vst v63  }
0x36: {  	s22 =	simm.s32 @!p1 $0x1;
	v2 =	vmul.u32 @!p2 $0x30, v2  }
0x37: {  	v5 =	vlaneseq.u32 @!p2;
	v4 =	vand.u32 @!p2 $0x7, v3;
	_ =	swait.ge @!p1 [sflag:s22], $0x3000  }
0x38: {  	v6 =	vshrl.u32 @!p2 v5, $0x3;
	[sflag:s22] =	ssyncset.done @!p1 $0x0;
	v2 =	vor.u32 @!p2 v4, v2;
	v4 =	vand.u32 @!p2 $0x7, v5  }
0x39: {  	v6 =	vmul.u32 @!p2 $0x8, v6;
	[sflag:s22] =	ssyncadd.s32 @!p1 $0xFFFFD000;
	s22 =	simm.s32 @!p1 $0x3;
	v4 =	vperm.xlane @!p2 v2, v4  }
0x3a: {  	[hbm4b:s29+s23] =	stream.linear.scatter @!p1 [tilespmem:s24], [sflag:$0x3], $0x3000, $0x38;
	[tilespmem:$0x6400] =	vst v63  }
0x3b: {  	_ =	swait.ge @!p1 [sflag:s22], $0x3000;
	v4 =	vadd.s32 @!p2 v6, v4  }
0x3c: {  	[sflag:s22] =	ssyncset.done @!p1 $0x0  }
0x3d: {  	[sflag:s22] =	ssyncadd.s32 @!p1 $0xFFFFD000  }
0x3e: {  	[tilespmem:$0x80] =	vst @!p2 v3;
	v3 =	vor.u32 @!p2 $0x8, v5  }
0x3f: {  	vm1 =	vmmov @!p2 $0xffff;
	s23 =	simm.s32 @!p2 $0x100;
	s22 =	simm.s32 @!p2 $0x0;
	v2 =	vperm.xlane @!p2 v2, v3  }
0x40: {  	[tilespmem:s23], [sflag:$0x1] =	stream.indirect_vreg.gather @!p2 [hbm4b:s0+s22], $0x80, v4, vm1, $0xb8;
	[tilespmem:$0x6400] =	vst v63  }
0x41: {  	p0 =	sge.s32 s5, s21;
	s24 =	simm.s32 @!p2 $0x900;
	v2 =	vadd.s32 @!p2 v6, v2  }
0x42: {  	[tilespmem:s24], [sflag:$0x1] =	stream.indirect_vreg.gather @!p2 [hbm4b:s7+s22], $0x80, v4, vm1, $0xb8;
	[tilespmem:$0x6400] =	vst v63  }
0x43: {  	p1 =	sge.s32 @!p0 s21, s12;
	s24 =	simm.s32 @!p2 $0x1100  }
0x44: {  	[tilespmem:s24], [sflag:$0x1] =	stream.indirect_vreg.gather @!p2 [hbm4b:s8+s22], $0x80, v4, vm1, $0xb8;
	[tilespmem:$0x6400] =	vst v63  }
0x45: {  	s21 =	simm.s32 @!p2 $0x1900;
	p1 =	por p1, p0  }
0x46: {  	v3 =	vbroadcast @!p1 v1, $0x2;
	[tilespmem:s21], [sflag:$0x1] =	stream.indirect_vreg.gather @!p2 [hbm4b:s0+s22], $0x80, v2, vm1, $0xb8;
	[tilespmem:$0x6400] =	vst v63  }
0x47: {  	s21 =	simm.s32 @!p2 $0x2100  }
0x48: {  	vm2 =	vgt.s32 @!p1 v0, v3;
	[tilespmem:s21], [sflag:$0x1] =	stream.indirect_vreg.gather @!p2 [hbm4b:s7+s22], $0x80, v2, vm1, $0xb8;
	[tilespmem:$0x6400] =	vst v63  }
0x49: {  	v3 =	vsel @!p1 vm2, $0x0, v0;
	s21 =	simm.s32 @!p2 $0x2900  }
0x4a: {  	[tilespmem:s21], [sflag:$0x1] =	stream.indirect_vreg.gather @!p2 [hbm4b:s8+s22], $0x80, v2, vm1, $0xb8;
	v2 =	vshrl.u32 @!p1 v3, $0x3;
	[tilespmem:$0x6400] =	vst v63  }
0x4b: {  	s21 =	simm.s32 @!p2 $0x1;
	v2 =	vmul.u32 @!p1 $0x30, v2  }
0x4c: {  	v5 =	vlaneseq.u32 @!p1;
	v4 =	vand.u32 @!p1 $0x7, v3;
	_ =	swait.ge @!p2 [sflag:s21], $0x3000  }
0x4d: {  	v6 =	vshrl.u32 @!p1 v5, $0x3;
	[sflag:s21] =	ssyncset.done @!p2 $0x0;
	v2 =	vor.u32 @!p1 v4, v2;
	v4 =	vand.u32 @!p1 $0x7, v5  }
0x4e: {  	v6 =	vmul.u32 @!p1 $0x8, v6;
	s24 =	rddreg [dreg:$0x16];
	[sflag:s21] =	ssyncadd.s32 @!p2 $0xFFFFD000;
	s21 =	simm.s32 @!p2 $0x3;
	v4 =	vperm.xlane @!p1 v2, v4  }
0x4f: {  	[hbm4b:s24+s22] =	stream.linear.scatter @!p2 [tilespmem:s23], [sflag:$0x3], $0x3000, $0x38;
	[tilespmem:$0x6400] =	vst v63  }
0x50: {  	_ =	swait.ge @!p2 [sflag:s21], $0x3000;
	v4 =	vadd.s32 @!p1 v6, v4  }
0x51: {  	[sflag:s21] =	ssyncset.done @!p2 $0x0  }
0x52: {  	[sflag:s21] =	ssyncadd.s32 @!p2 $0xFFFFD000  }
0x53: {  	[tilespmem:$0x80] =	vst @!p1 v3;
	v3 =	vor.u32 @!p1 $0x8, v5  }
0x54: {  	vm1 =	vmmov @!p1 $0xffff;
	s22 =	simm.s32 @!p1 $0x100;
	s21 =	simm.s32 @!p1 $0x0;
	v2 =	vperm.xlane @!p1 v2, v3  }
0x55: {  	[tilespmem:s22], [sflag:$0x1] =	stream.indirect_vreg.gather @!p1 [hbm4b:s0+s21], $0x80, v4, vm1, $0xb8;
	[tilespmem:$0x6400] =	vst v63  }
0x56: {  	p0 =	sge.s32 s5, s20;
	s23 =	simm.s32 @!p1 $0x900;
	v2 =	vadd.s32 @!p1 v6, v2  }
0x57: {  	[tilespmem:s23], [sflag:$0x1] =	stream.indirect_vreg.gather @!p1 [hbm4b:s7+s21], $0x80, v4, vm1, $0xb8;
	[tilespmem:$0x6400] =	vst v63  }
0x58: {  	p2 =	sge.s32 @!p0 s20, s12;
	s23 =	simm.s32 @!p1 $0x1100  }
0x59: {  	[tilespmem:s23], [sflag:$0x1] =	stream.indirect_vreg.gather @!p1 [hbm4b:s8+s21], $0x80, v4, vm1, $0xb8;
	[tilespmem:$0x6400] =	vst v63  }
0x5a: {  	s20 =	simm.s32 @!p1 $0x1900;
	p2 =	por p2, p0  }
0x5b: {  	v3 =	vbroadcast @!p2 v1, $0x3;
	[tilespmem:s20], [sflag:$0x1] =	stream.indirect_vreg.gather @!p1 [hbm4b:s0+s21], $0x80, v2, vm1, $0xb8;
	[tilespmem:$0x6400] =	vst v63  }
0x5c: {  	s20 =	simm.s32 @!p1 $0x2100  }
0x5d: {  	vm2 =	vgt.s32 @!p2 v0, v3;
	[tilespmem:s20], [sflag:$0x1] =	stream.indirect_vreg.gather @!p1 [hbm4b:s7+s21], $0x80, v2, vm1, $0xb8;
	[tilespmem:$0x6400] =	vst v63  }
0x5e: {  	v3 =	vsel @!p2 vm2, $0x0, v0;
	s20 =	simm.s32 @!p1 $0x2900  }
0x5f: {  	[tilespmem:s20], [sflag:$0x1] =	stream.indirect_vreg.gather @!p1 [hbm4b:s8+s21], $0x80, v2, vm1, $0xb8;
	v2 =	vshrl.u32 @!p2 v3, $0x3;
	[tilespmem:$0x6400] =	vst v63  }
0x60: {  	s20 =	simm.s32 @!p1 $0x1;
	v2 =	vmul.u32 @!p2 $0x30, v2  }
0x61: {  	v5 =	vlaneseq.u32 @!p2;
	v4 =	vand.u32 @!p2 $0x7, v3;
	_ =	swait.ge @!p1 [sflag:s20], $0x3000  }
0x62: {  	v6 =	vshrl.u32 @!p2 v5, $0x3;
	[sflag:s20] =	ssyncset.done @!p1 $0x0;
	v2 =	vor.u32 @!p2 v4, v2;
	v4 =	vand.u32 @!p2 $0x7, v5  }
0x63: {  	v6 =	vmul.u32 @!p2 $0x8, v6;
	s26 =	rddreg [dreg:$0x14];
	[sflag:s20] =	ssyncadd.s32 @!p1 $0xFFFFD000;
	s20 =	simm.s32 @!p1 $0x3;
	v4 =	vperm.xlane @!p2 v2, v4  }
0x64: {  	[hbm4b:s26+s21] =	stream.linear.scatter @!p1 [tilespmem:s22], [sflag:$0x3], $0x3000, $0x38;
	[tilespmem:$0x6400] =	vst v63  }
0x65: {  	_ =	swait.ge @!p1 [sflag:s20], $0x3000;
	v4 =	vadd.s32 @!p2 v6, v4  }
0x66: {  	[sflag:s20] =	ssyncset.done @!p1 $0x0  }
0x67: {  	[sflag:s20] =	ssyncadd.s32 @!p1 $0xFFFFD000  }
0x68: {  	[tilespmem:$0x80] =	vst @!p2 v3;
	v3 =	vor.u32 @!p2 $0x8, v5  }
0x69: {  	vm1 =	vmmov @!p2 $0xffff;
	s21 =	simm.s32 @!p2 $0x100;
	s20 =	simm.s32 @!p2 $0x0;
	v2 =	vperm.xlane @!p2 v2, v3  }
0x6a: {  	[tilespmem:s21], [sflag:$0x1] =	stream.indirect_vreg.gather @!p2 [hbm4b:s0+s20], $0x80, v4, vm1, $0xb8;
	[tilespmem:$0x6400] =	vst v63  }
0x6b: {  	p0 =	sge.s32 s5, s19;
	s22 =	simm.s32 @!p2 $0x900;
	v2 =	vadd.s32 @!p2 v6, v2  }
0x6c: {  	[tilespmem:s22], [sflag:$0x1] =	stream.indirect_vreg.gather @!p2 [hbm4b:s7+s20], $0x80, v4, vm1, $0xb8;
	[tilespmem:$0x6400] =	vst v63  }
0x6d: {  	p1 =	sge.s32 @!p0 s19, s12;
	s22 =	simm.s32 @!p2 $0x1100  }
0x6e: {  	[tilespmem:s22], [sflag:$0x1] =	stream.indirect_vreg.gather @!p2 [hbm4b:s8+s20], $0x80, v4, vm1, $0xb8;
	[tilespmem:$0x6400] =	vst v63  }
0x6f: {  	s19 =	simm.s32 @!p2 $0x1900;
	p1 =	por p1, p0  }
0x70: {  	v3 =	vbroadcast @!p1 v1, $0x4;
	[tilespmem:s19], [sflag:$0x1] =	stream.indirect_vreg.gather @!p2 [hbm4b:s0+s20], $0x80, v2, vm1, $0xb8;
	[tilespmem:$0x6400] =	vst v63  }
0x71: {  	s19 =	simm.s32 @!p2 $0x2100  }
0x72: {  	vm2 =	vgt.s32 @!p1 v0, v3;
	[tilespmem:s19], [sflag:$0x1] =	stream.indirect_vreg.gather @!p2 [hbm4b:s7+s20], $0x80, v2, vm1, $0xb8;
	[tilespmem:$0x6400] =	vst v63  }
0x73: {  	v3 =	vsel @!p1 vm2, $0x0, v0;
	s19 =	simm.s32 @!p2 $0x2900  }
0x74: {  	[tilespmem:s19], [sflag:$0x1] =	stream.indirect_vreg.gather @!p2 [hbm4b:s8+s20], $0x80, v2, vm1, $0xb8;
	v2 =	vshrl.u32 @!p1 v3, $0x3;
	[tilespmem:$0x6400] =	vst v63  }
0x75: {  	s19 =	simm.s32 @!p2 $0x1;
	v2 =	vmul.u32 @!p1 $0x30, v2  }
0x76: {  	v5 =	vlaneseq.u32 @!p1;
	v4 =	vand.u32 @!p1 $0x7, v3;
	_ =	swait.ge @!p2 [sflag:s19], $0x3000  }
0x77: {  	v6 =	vshrl.u32 @!p1 v5, $0x3;
	[sflag:s19] =	ssyncset.done @!p2 $0x0;
	v2 =	vor.u32 @!p1 v4, v2;
	v4 =	vand.u32 @!p1 $0x7, v5  }
0x78: {  	v6 =	vmul.u32 @!p1 $0x8, v6;
	s30 =	rddreg [dreg:$0x8];
	[sflag:s19] =	ssyncadd.s32 @!p2 $0xFFFFD000;
	s19 =	simm.s32 @!p2 $0x3;
	v4 =	vperm.xlane @!p1 v2, v4  }
0x79: {  	[hbm4b:s30+s20] =	stream.linear.scatter @!p2 [tilespmem:s21], [sflag:$0x3], $0x3000, $0x38;
	[tilespmem:$0x6400] =	vst v63  }
0x7a: {  	_ =	swait.ge @!p2 [sflag:s19], $0x3000;
	v4 =	vadd.s32 @!p1 v6, v4  }
0x7b: {  	[sflag:s19] =	ssyncset.done @!p2 $0x0  }
0x7c: {  	[sflag:s19] =	ssyncadd.s32 @!p2 $0xFFFFD000  }
0x7d: {  	[tilespmem:$0x80] =	vst @!p1 v3;
	v3 =	vor.u32 @!p1 $0x8, v5  }
0x7e: {  	vm1 =	vmmov @!p1 $0xffff;
	s20 =	simm.s32 @!p1 $0x100;
	s19 =	simm.s32 @!p1 $0x0;
	v2 =	vperm.xlane @!p1 v2, v3  }
0x7f: {  	[tilespmem:s20], [sflag:$0x1] =	stream.indirect_vreg.gather @!p1 [hbm4b:s0+s19], $0x80, v4, vm1, $0xb8;
	[tilespmem:$0x6400] =	vst v63  }
0x80: {  	p0 =	sge.s32 s5, s18;
	s21 =	simm.s32 @!p1 $0x900;
	v2 =	vadd.s32 @!p1 v6, v2  }
0x81: {  	[tilespmem:s21], [sflag:$0x1] =	stream.indirect_vreg.gather @!p1 [hbm4b:s7+s19], $0x80, v4, vm1, $0xb8;
	[tilespmem:$0x6400] =	vst v63  }
0x82: {  	p2 =	sge.s32 @!p0 s18, s12;
	s21 =	simm.s32 @!p1 $0x1100  }
0x83: {  	[tilespmem:s21], [sflag:$0x1] =	stream.indirect_vreg.gather @!p1 [hbm4b:s8+s19], $0x80, v4, vm1, $0xb8;
	[tilespmem:$0x6400] =	vst v63  }
0x84: {  	s18 =	simm.s32 @!p1 $0x1900;
	p2 =	por p2, p0  }
0x85: {  	v3 =	vbroadcast @!p2 v1, $0x5;
	[tilespmem:s18], [sflag:$0x1] =	stream.indirect_vreg.gather @!p1 [hbm4b:s0+s19], $0x80, v2, vm1, $0xb8;
	[tilespmem:$0x6400] =	vst v63  }
0x86: {  	s18 =	simm.s32 @!p1 $0x2100  }
0x87: {  	vm2 =	vgt.s32 @!p2 v0, v3;
	[tilespmem:s18], [sflag:$0x1] =	stream.indirect_vreg.gather @!p1 [hbm4b:s7+s19], $0x80, v2, vm1, $0xb8;
	[tilespmem:$0x6400] =	vst v63  }
0x88: {  	v3 =	vsel @!p2 vm2, $0x0, v0;
	s18 =	simm.s32 @!p1 $0x2900  }
0x89: {  	[tilespmem:s18], [sflag:$0x1] =	stream.indirect_vreg.gather @!p1 [hbm4b:s8+s19], $0x80, v2, vm1, $0xb8;
	v2 =	vshrl.u32 @!p2 v3, $0x3;
	[tilespmem:$0x6400] =	vst v63  }
0x8a: {  	s18 =	simm.s32 @!p1 $0x1;
	v2 =	vmul.u32 @!p2 $0x30, v2  }
0x8b: {  	v5 =	vlaneseq.u32 @!p2;
	v4 =	vand.u32 @!p2 $0x7, v3;
	_ =	swait.ge @!p1 [sflag:s18], $0x3000  }
0x8c: {  	v6 =	vshrl.u32 @!p2 v5, $0x3;
	[sflag:s18] =	ssyncset.done @!p1 $0x0;
	v2 =	vor.u32 @!p2 v4, v2;
	v4 =	vand.u32 @!p2 $0x7, v5  }
0x8d: {  	v6 =	vmul.u32 @!p2 $0x8, v6;
	s21 =	rddreg [dreg:$0x9];
	[sflag:s18] =	ssyncadd.s32 @!p1 $0xFFFFD000;
	s18 =	simm.s32 @!p1 $0x3;
	v4 =	vperm.xlane @!p2 v2, v4  }
0x8e: {  	[hbm4b:s21+s19] =	stream.linear.scatter @!p1 [tilespmem:s20], [sflag:$0x3], $0x3000, $0x38;
	[tilespmem:$0x6400] =	vst v63  }
0x8f: {  	_ =	swait.ge @!p1 [sflag:s18], $0x3000;
	v4 =	vadd.s32 @!p2 v6, v4  }
0x90: {  	[sflag:s18] =	ssyncset.done @!p1 $0x0  }
0x91: {  	[sflag:s18] =	ssyncadd.s32 @!p1 $0xFFFFD000  }
0x92: {  	[tilespmem:$0x80] =	vst @!p2 v3;
	v3 =	vor.u32 @!p2 $0x8, v5  }
0x93: {  	vm1 =	vmmov @!p2 $0xffff;
	s19 =	simm.s32 @!p2 $0x100;
	s18 =	simm.s32 @!p2 $0x0;
	v2 =	vperm.xlane @!p2 v2, v3  }
0x94: {  	[tilespmem:s19], [sflag:$0x1] =	stream.indirect_vreg.gather @!p2 [hbm4b:s0+s18], $0x80, v4, vm1, $0xb8;
	[tilespmem:$0x6400] =	vst v63  }
0x95: {  	p0 =	sge.s32 s5, s17;
	s20 =	simm.s32 @!p2 $0x900;
	v2 =	vadd.s32 @!p2 v6, v2  }
0x96: {  	[tilespmem:s20], [sflag:$0x1] =	stream.indirect_vreg.gather @!p2 [hbm4b:s7+s18], $0x80, v4, vm1, $0xb8;
	[tilespmem:$0x6400] =	vst v63  }
0x97: {  	p1 =	sge.s32 @!p0 s17, s12;
	s20 =	simm.s32 @!p2 $0x1100  }
0x98: {  	[tilespmem:s20], [sflag:$0x1] =	stream.indirect_vreg.gather @!p2 [hbm4b:s8+s18], $0x80, v4, vm1, $0xb8;
	[tilespmem:$0x6400] =	vst v63  }
0x99: {  	s17 =	simm.s32 @!p2 $0x1900;
	p1 =	por p1, p0  }
0x9a: {  	v3 =	vbroadcast @!p1 v1, $0x6;
	[tilespmem:s17], [sflag:$0x1] =	stream.indirect_vreg.gather @!p2 [hbm4b:s0+s18], $0x80, v2, vm1, $0xb8;
	[tilespmem:$0x6400] =	vst v63  }
0x9b: {  	s17 =	simm.s32 @!p2 $0x2100  }
0x9c: {  	vm2 =	vgt.s32 @!p1 v0, v3;
	[tilespmem:s17], [sflag:$0x1] =	stream.indirect_vreg.gather @!p2 [hbm4b:s7+s18], $0x80, v2, vm1, $0xb8;
	[tilespmem:$0x6400] =	vst v63  }
0x9d: {  	v3 =	vsel @!p1 vm2, $0x0, v0;
	s17 =	simm.s32 @!p2 $0x2900  }
0x9e: {  	[tilespmem:s17], [sflag:$0x1] =	stream.indirect_vreg.gather @!p2 [hbm4b:s8+s18], $0x80, v2, vm1, $0xb8;
	v2 =	vshrl.u32 @!p1 v3, $0x3;
	[tilespmem:$0x6400] =	vst v63  }
0x9f: {  	s17 =	simm.s32 @!p2 $0x1;
	v2 =	vmul.u32 @!p1 $0x30, v2  }
0xa0: {  	v5 =	vlaneseq.u32 @!p1;
	v4 =	vand.u32 @!p1 $0x7, v3;
	_ =	swait.ge @!p2 [sflag:s17], $0x3000  }
0xa1: {  	v6 =	vshrl.u32 @!p1 v5, $0x3;
	[sflag:s17] =	ssyncset.done @!p2 $0x0;
	v2 =	vor.u32 @!p1 v4, v2;
	v4 =	vand.u32 @!p1 $0x7, v5  }
0xa2: {  	v6 =	vmul.u32 @!p1 $0x8, v6;
	s20 =	rddreg [dreg:$0xa];
	[sflag:s17] =	ssyncadd.s32 @!p2 $0xFFFFD000;
	s17 =	simm.s32 @!p2 $0x3;
	v4 =	vperm.xlane @!p1 v2, v4  }
0xa3: {  	[hbm4b:s20+s18] =	stream.linear.scatter @!p2 [tilespmem:s19], [sflag:$0x3], $0x3000, $0x38;
	[tilespmem:$0x6400] =	vst v63  }
0xa4: {  	_ =	swait.ge @!p2 [sflag:s17], $0x3000;
	v4 =	vadd.s32 @!p1 v6, v4  }
0xa5: {  	[sflag:s17] =	ssyncset.done @!p2 $0x0  }
0xa6: {  	[sflag:s17] =	ssyncadd.s32 @!p2 $0xFFFFD000  }
0xa7: {  	[tilespmem:$0x80] =	vst @!p1 v3;
	v3 =	vor.u32 @!p1 $0x8, v5  }
0xa8: {  	vm1 =	vmmov @!p1 $0xffff;
	s18 =	simm.s32 @!p1 $0x100;
	s17 =	simm.s32 @!p1 $0x0;
	v2 =	vperm.xlane @!p1 v2, v3  }
0xa9: {  	[tilespmem:s18], [sflag:$0x1] =	stream.indirect_vreg.gather @!p1 [hbm4b:s0+s17], $0x80, v4, vm1, $0xb8;
	[tilespmem:$0x6400] =	vst v63  }
0xaa: {  	p0 =	sge.s32 s5, s16;
	s19 =	simm.s32 @!p1 $0x900;
	v2 =	vadd.s32 @!p1 v6, v2  }
0xab: {  	[tilespmem:s19], [sflag:$0x1] =	stream.indirect_vreg.gather @!p1 [hbm4b:s7+s17], $0x80, v4, vm1, $0xb8;
	[tilespmem:$0x6400] =	vst v63  }
0xac: {  	p2 =	sge.s32 @!p0 s16, s12;
	s19 =	simm.s32 @!p1 $0x1100  }
0xad: {  	[tilespmem:s19], [sflag:$0x1] =	stream.indirect_vreg.gather @!p1 [hbm4b:s8+s17], $0x80, v4, vm1, $0xb8;
	[tilespmem:$0x6400] =	vst v63  }
0xae: {  	s16 =	simm.s32 @!p1 $0x1900;
	p2 =	por p2, p0  }
0xaf: {  	v3 =	vbroadcast @!p2 v1, $0x7;
	[tilespmem:s16], [sflag:$0x1] =	stream.indirect_vreg.gather @!p1 [hbm4b:s0+s17], $0x80, v2, vm1, $0xb8;
	[tilespmem:$0x6400] =	vst v63  }
0xb0: {  	s16 =	simm.s32 @!p1 $0x2100  }
0xb1: {  	vm2 =	vgt.s32 @!p2 v0, v3;
	[tilespmem:s16], [sflag:$0x1] =	stream.indirect_vreg.gather @!p1 [hbm4b:s7+s17], $0x80, v2, vm1, $0xb8;
	[tilespmem:$0x6400] =	vst v63  }
0xb2: {  	v3 =	vsel @!p2 vm2, $0x0, v0;
	s16 =	simm.s32 @!p1 $0x2900  }
0xb3: {  	[tilespmem:s16], [sflag:$0x1] =	stream.indirect_vreg.gather @!p1 [hbm4b:s8+s17], $0x80, v2, vm1, $0xb8;
	v2 =	vshrl.u32 @!p2 v3, $0x3;
	[tilespmem:$0x6400] =	vst v63  }
0xb4: {  	s16 =	simm.s32 @!p1 $0x1;
	v2 =	vmul.u32 @!p2 $0x30, v2  }
0xb5: {  	v5 =	vlaneseq.u32 @!p2;
	v4 =	vand.u32 @!p2 $0x7, v3;
	_ =	swait.ge @!p1 [sflag:s16], $0x3000  }
0xb6: {  	v6 =	vshrl.u32 @!p2 v5, $0x3;
	[sflag:s16] =	ssyncset.done @!p1 $0x0;
	v2 =	vor.u32 @!p2 v4, v2;
	v4 =	vand.u32 @!p2 $0x7, v5  }
0xb7: {  	v6 =	vmul.u32 @!p2 $0x8, v6;
	s19 =	rddreg [dreg:$0xb];
	[sflag:s16] =	ssyncadd.s32 @!p1 $0xFFFFD000;
	s16 =	simm.s32 @!p1 $0x3;
	v4 =	vperm.xlane @!p2 v2, v4  }
0xb8: {  	[hbm4b:s19+s17] =	stream.linear.scatter @!p1 [tilespmem:s18], [sflag:$0x3], $0x3000, $0x38;
	[tilespmem:$0x6400] =	vst v63  }
0xb9: {  	_ =	swait.ge @!p1 [sflag:s16], $0x3000;
	v4 =	vadd.s32 @!p2 v6, v4  }
0xba: {  	[sflag:s16] =	ssyncset.done @!p1 $0x0  }
0xbb: {  	[sflag:s16] =	ssyncadd.s32 @!p1 $0xFFFFD000  }
0xbc: {  	[tilespmem:$0x80] =	vst @!p2 v3;
	v3 =	vor.u32 @!p2 $0x8, v5  }
0xbd: {  	vm1 =	vmmov @!p2 $0xffff;
	s17 =	simm.s32 @!p2 $0x100;
	s16 =	simm.s32 @!p2 $0x0;
	v2 =	vperm.xlane @!p2 v2, v3  }
0xbe: {  	[tilespmem:s17], [sflag:$0x1] =	stream.indirect_vreg.gather @!p2 [hbm4b:s0+s16], $0x80, v4, vm1, $0xb8;
	[tilespmem:$0x6400] =	vst v63  }
0xbf: {  	p0 =	sge.s32 s5, s15;
	s18 =	simm.s32 @!p2 $0x900;
	v2 =	vadd.s32 @!p2 v6, v2  }
0xc0: {  	[tilespmem:s18], [sflag:$0x1] =	stream.indirect_vreg.gather @!p2 [hbm4b:s7+s16], $0x80, v4, vm1, $0xb8;
	[tilespmem:$0x6400] =	vst v63  }
0xc1: {  	p1 =	sge.s32 @!p0 s15, s12;
	s18 =	simm.s32 @!p2 $0x1100  }
0xc2: {  	[tilespmem:s18], [sflag:$0x1] =	stream.indirect_vreg.gather @!p2 [hbm4b:s8+s16], $0x80, v4, vm1, $0xb8;
	[tilespmem:$0x6400] =	vst v63  }
0xc3: {  	s15 =	simm.s32 @!p2 $0x1900;
	p1 =	por p1, p0  }
0xc4: {  	v3 =	vbroadcast @!p1 v1, $0x8;
	[tilespmem:s15], [sflag:$0x1] =	stream.indirect_vreg.gather @!p2 [hbm4b:s0+s16], $0x80, v2, vm1, $0xb8;
	[tilespmem:$0x6400] =	vst v63  }
0xc5: {  	s15 =	simm.s32 @!p2 $0x2100  }
0xc6: {  	vm2 =	vgt.s32 @!p1 v0, v3;
	[tilespmem:s15], [sflag:$0x1] =	stream.indirect_vreg.gather @!p2 [hbm4b:s7+s16], $0x80, v2, vm1, $0xb8;
	[tilespmem:$0x6400] =	vst v63  }
0xc7: {  	v3 =	vsel @!p1 vm2, $0x0, v0;
	s15 =	simm.s32 @!p2 $0x2900  }
0xc8: {  	[tilespmem:s15], [sflag:$0x1] =	stream.indirect_vreg.gather @!p2 [hbm4b:s8+s16], $0x80, v2, vm1, $0xb8;
	v2 =	vshrl.u32 @!p1 v3, $0x3;
	[tilespmem:$0x6400] =	vst v63  }
0xc9: {  	s15 =	simm.s32 @!p2 $0x1;
	v2 =	vmul.u32 @!p1 $0x30, v2  }
0xca: {  	v5 =	vlaneseq.u32 @!p1;
	v4 =	vand.u32 @!p1 $0x7, v3;
	_ =	swait.ge @!p2 [sflag:s15], $0x3000  }
0xcb: {  	v6 =	vshrl.u32 @!p1 v5, $0x3;
	[sflag:s15] =	ssyncset.done @!p2 $0x0;
	v2 =	vor.u32 @!p1 v4, v2;
	v4 =	vand.u32 @!p1 $0x7, v5  }
0xcc: {  	v6 =	vmul.u32 @!p1 $0x8, v6;
	s18 =	rddreg [dreg:$0xc];
	[sflag:s15] =	ssyncadd.s32 @!p2 $0xFFFFD000;
	s15 =	simm.s32 @!p2 $0x3;
	v4 =	vperm.xlane @!p1 v2, v4  }
0xcd: {  	[hbm4b:s18+s16] =	stream.linear.scatter @!p2 [tilespmem:s17], [sflag:$0x3], $0x3000, $0x38;
	[tilespmem:$0x6400] =	vst v63  }
0xce: {  	_ =	swait.ge @!p2 [sflag:s15], $0x3000;
	v4 =	vadd.s32 @!p1 v6, v4  }
0xcf: {  	[sflag:s15] =	ssyncset.done @!p2 $0x0  }
0xd0: {  	[sflag:s15] =	ssyncadd.s32 @!p2 $0xFFFFD000  }
0xd1: {  	[tilespmem:$0x80] =	vst @!p1 v3;
	v3 =	vor.u32 @!p1 $0x8, v5  }
0xd2: {  	vm1 =	vmmov @!p1 $0xffff;
	s16 =	simm.s32 @!p1 $0x100;
	s15 =	simm.s32 @!p1 $0x0;
	v2 =	vperm.xlane @!p1 v2, v3  }
0xd3: {  	[tilespmem:s16], [sflag:$0x1] =	stream.indirect_vreg.gather @!p1 [hbm4b:s0+s15], $0x80, v4, vm1, $0xb8;
	[tilespmem:$0x6400] =	vst v63  }
0xd4: {  	p0 =	sge.s32 s5, s14;
	s17 =	simm.s32 @!p1 $0x900;
	v2 =	vadd.s32 @!p1 v6, v2  }
0xd5: {  	[tilespmem:s17], [sflag:$0x1] =	stream.indirect_vreg.gather @!p1 [hbm4b:s7+s15], $0x80, v4, vm1, $0xb8;
	[tilespmem:$0x6400] =	vst v63  }
0xd6: {  	p2 =	sge.s32 @!p0 s14, s12;
	s17 =	simm.s32 @!p1 $0x1100  }
0xd7: {  	[tilespmem:s17], [sflag:$0x1] =	stream.indirect_vreg.gather @!p1 [hbm4b:s8+s15], $0x80, v4, vm1, $0xb8;
	[tilespmem:$0x6400] =	vst v63  }
0xd8: {  	s14 =	simm.s32 @!p1 $0x1900;
	p2 =	por p2, p0  }
0xd9: {  	v3 =	vbroadcast @!p2 v1, $0x9;
	[tilespmem:s14], [sflag:$0x1] =	stream.indirect_vreg.gather @!p1 [hbm4b:s0+s15], $0x80, v2, vm1, $0xb8;
	[tilespmem:$0x6400] =	vst v63  }
0xda: {  	s14 =	simm.s32 @!p1 $0x2100  }
0xdb: {  	vm2 =	vgt.s32 @!p2 v0, v3;
	[tilespmem:s14], [sflag:$0x1] =	stream.indirect_vreg.gather @!p1 [hbm4b:s7+s15], $0x80, v2, vm1, $0xb8;
	[tilespmem:$0x6400] =	vst v63  }
0xdc: {  	v3 =	vsel @!p2 vm2, $0x0, v0;
	s14 =	simm.s32 @!p1 $0x2900  }
0xdd: {  	[tilespmem:s14], [sflag:$0x1] =	stream.indirect_vreg.gather @!p1 [hbm4b:s8+s15], $0x80, v2, vm1, $0xb8;
	v2 =	vshrl.u32 @!p2 v3, $0x3;
	[tilespmem:$0x6400] =	vst v63  }
0xde: {  	s14 =	simm.s32 @!p1 $0x1;
	v2 =	vmul.u32 @!p2 $0x30, v2  }
0xdf: {  	v5 =	vlaneseq.u32 @!p2;
	v4 =	vand.u32 @!p2 $0x7, v3;
	_ =	swait.ge @!p1 [sflag:s14], $0x3000  }
0xe0: {  	v6 =	vshrl.u32 @!p2 v5, $0x3;
	[sflag:s14] =	ssyncset.done @!p1 $0x0;
	v2 =	vor.u32 @!p2 v4, v2;
	v4 =	vand.u32 @!p2 $0x7, v5  }
0xe1: {  	v6 =	vmul.u32 @!p2 $0x8, v6;
	s17 =	rddreg [dreg:$0xd];
	[sflag:s14] =	ssyncadd.s32 @!p1 $0xFFFFD000;
	s14 =	simm.s32 @!p1 $0x3;
	v4 =	vperm.xlane @!p2 v2, v4  }
0xe2: {  	[hbm4b:s17+s15] =	stream.linear.scatter @!p1 [tilespmem:s16], [sflag:$0x3], $0x3000, $0x38;
	[tilespmem:$0x6400] =	vst v63  }
0xe3: {  	_ =	swait.ge @!p1 [sflag:s14], $0x3000;
	v4 =	vadd.s32 @!p2 v6, v4  }
0xe4: {  	[sflag:s14] =	ssyncset.done @!p1 $0x0  }
0xe5: {  	[sflag:s14] =	ssyncadd.s32 @!p1 $0xFFFFD000  }
0xe6: {  	[tilespmem:$0x80] =	vst @!p2 v3;
	v3 =	vor.u32 @!p2 $0x8, v5  }
0xe7: {  	vm1 =	vmmov @!p2 $0xffff;
	s15 =	simm.s32 @!p2 $0x100;
	s14 =	simm.s32 @!p2 $0x0;
	v2 =	vperm.xlane @!p2 v2, v3  }
0xe8: {  	[tilespmem:s15], [sflag:$0x1] =	stream.indirect_vreg.gather @!p2 [hbm4b:s0+s14], $0x80, v4, vm1, $0xb8;
	[tilespmem:$0x6400] =	vst v63  }
0xe9: {  	p0 =	sge.s32 s5, s13;
	s16 =	simm.s32 @!p2 $0x900;
	v2 =	vadd.s32 @!p2 v6, v2  }
0xea: {  	[tilespmem:s16], [sflag:$0x1] =	stream.indirect_vreg.gather @!p2 [hbm4b:s7+s14], $0x80, v4, vm1, $0xb8;
	[tilespmem:$0x6400] =	vst v63  }
0xeb: {  	p1 =	sge.s32 @!p0 s13, s12;
	s16 =	simm.s32 @!p2 $0x1100  }
0xec: {  	[tilespmem:s16], [sflag:$0x1] =	stream.indirect_vreg.gather @!p2 [hbm4b:s8+s14], $0x80, v4, vm1, $0xb8;
	[tilespmem:$0x6400] =	vst v63  }
0xed: {  	s13 =	simm.s32 @!p2 $0x1900;
	p1 =	por p1, p0  }
0xee: {  	v3 =	vbroadcast @!p1 v1, $0xA;
	[tilespmem:s13], [sflag:$0x1] =	stream.indirect_vreg.gather @!p2 [hbm4b:s0+s14], $0x80, v2, vm1, $0xb8;
	[tilespmem:$0x6400] =	vst v63  }
0xef: {  	s13 =	simm.s32 @!p2 $0x2100  }
0xf0: {  	vm2 =	vgt.s32 @!p1 v0, v3;
	[tilespmem:s13], [sflag:$0x1] =	stream.indirect_vreg.gather @!p2 [hbm4b:s7+s14], $0x80, v2, vm1, $0xb8;
	[tilespmem:$0x6400] =	vst v63  }
0xf1: {  	v3 =	vsel @!p1 vm2, $0x0, v0;
	s13 =	simm.s32 @!p2 $0x2900  }
0xf2: {  	[tilespmem:s13], [sflag:$0x1] =	stream.indirect_vreg.gather @!p2 [hbm4b:s8+s14], $0x80, v2, vm1, $0xb8;
	v2 =	vshrl.u32 @!p1 v3, $0x3;
	[tilespmem:$0x6400] =	vst v63  }
0xf3: {  	s13 =	simm.s32 @!p2 $0x1;
	v2 =	vmul.u32 @!p1 $0x30, v2  }
0xf4: {  	v5 =	vlaneseq.u32 @!p1;
	v4 =	vand.u32 @!p1 $0x7, v3;
	_ =	swait.ge @!p2 [sflag:s13], $0x3000  }
0xf5: {  	v6 =	vshrl.u32 @!p1 v5, $0x3;
	[sflag:s13] =	ssyncset.done @!p2 $0x0;
	v2 =	vor.u32 @!p1 v4, v2;
	v4 =	vand.u32 @!p1 $0x7, v5  }
0xf6: {  	v6 =	vmul.u32 @!p1 $0x8, v6;
	s16 =	rddreg [dreg:$0xe];
	[sflag:s13] =	ssyncadd.s32 @!p2 $0xFFFFD000;
	s13 =	simm.s32 @!p2 $0x3;
	v4 =	vperm.xlane @!p1 v2, v4  }
0xf7: {  	[hbm4b:s16+s14] =	stream.linear.scatter @!p2 [tilespmem:s15], [sflag:$0x3], $0x3000, $0x38;
	[tilespmem:$0x6400] =	vst v63  }
0xf8: {  	_ =	swait.ge @!p2 [sflag:s13], $0x3000;
	v4 =	vadd.s32 @!p1 v6, v4  }
0xf9: {  	[sflag:s13] =	ssyncset.done @!p2 $0x0  }
0xfa: {  	[sflag:s13] =	ssyncadd.s32 @!p2 $0xFFFFD000  }
0xfb: {  	[tilespmem:$0x80] =	vst @!p1 v3;
	v3 =	vor.u32 @!p1 $0x8, v5  }
0xfc: {  	vm1 =	vmmov @!p1 $0xffff;
	s14 =	simm.s32 @!p1 $0x100;
	s13 =	simm.s32 @!p1 $0x0;
	v2 =	vperm.xlane @!p1 v2, v3  }
0xfd: {  	[tilespmem:s14], [sflag:$0x1] =	stream.indirect_vreg.gather @!p1 [hbm4b:s0+s13], $0x80, v4, vm1, $0xb8;
	[tilespmem:$0x6400] =	vst v63  }
0xfe: {  	p0 =	sge.s32 s5, s11;
	s15 =	simm.s32 @!p1 $0x900;
	v2 =	vadd.s32 @!p1 v6, v2  }
0xff: {  	[tilespmem:s15], [sflag:$0x1] =	stream.indirect_vreg.gather @!p1 [hbm4b:s7+s13], $0x80, v4, vm1, $0xb8;
	[tilespmem:$0x6400] =	vst v63  }
0x100: {  	p2 =	sge.s32 @!p0 s11, s12;
	s15 =	simm.s32 @!p1 $0x1100  }
0x101: {  	[tilespmem:s15], [sflag:$0x1] =	stream.indirect_vreg.gather @!p1 [hbm4b:s8+s13], $0x80, v4, vm1, $0xb8;
	[tilespmem:$0x6400] =	vst v63  }
0x102: {  	s11 =	simm.s32 @!p1 $0x1900;
	p2 =	por p2, p0  }
0x103: {  	v3 =	vbroadcast @!p2 v1, $0xB;
	[tilespmem:s11], [sflag:$0x1] =	stream.indirect_vreg.gather @!p1 [hbm4b:s0+s13], $0x80, v2, vm1, $0xb8;
	[tilespmem:$0x6400] =	vst v63  }
0x104: {  	s11 =	simm.s32 @!p1 $0x2100  }
0x105: {  	vm2 =	vgt.s32 @!p2 v0, v3;
	[tilespmem:s11], [sflag:$0x1] =	stream.indirect_vreg.gather @!p1 [hbm4b:s7+s13], $0x80, v2, vm1, $0xb8;
	[tilespmem:$0x6400] =	vst v63  }
0x106: {  	v3 =	vsel @!p2 vm2, $0x0, v0;
	s11 =	simm.s32 @!p1 $0x2900  }
0x107: {  	[tilespmem:s11], [sflag:$0x1] =	stream.indirect_vreg.gather @!p1 [hbm4b:s8+s13], $0x80, v2, vm1, $0xb8;
	v2 =	vshrl.u32 @!p2 v3, $0x3;
	[tilespmem:$0x6400] =	vst v63  }
0x108: {  	s11 =	simm.s32 @!p1 $0x1;
	v2 =	vmul.u32 @!p2 $0x30, v2  }
0x109: {  	v5 =	vlaneseq.u32 @!p2;
	v4 =	vand.u32 @!p2 $0x7, v3;
	_ =	swait.ge @!p1 [sflag:s11], $0x3000  }
0x10a: {  	v6 =	vshrl.u32 @!p2 v5, $0x3;
	s15 =	smov.u32 s19;
	[sflag:s11] =	ssyncset.done @!p1 $0x0;
	v2 =	vor.u32 @!p2 v4, v2;
	v4 =	vand.u32 @!p2 $0x7, v5  }
0x10b: {  	v6 =	vmul.u32 @!p2 $0x8, v6;
	s19 =	rddreg [dreg:$0xf];
	[sflag:s11] =	ssyncadd.s32 @!p1 $0xFFFFD000;
	s11 =	simm.s32 @!p1 $0x3;
	v4 =	vperm.xlane @!p2 v2, v4  }
0x10c: {  	[hbm4b:s19+s13] =	stream.linear.scatter @!p1 [tilespmem:s14], [sflag:$0x3], $0x3000, $0x38;
	[tilespmem:$0x6400] =	vst v63  }
0x10d: {  	_ =	swait.ge @!p1 [sflag:s11], $0x3000;
	v4 =	vadd.s32 @!p2 v6, v4  }
0x10e: {  	[sflag:s11] =	ssyncset.done @!p1 $0x0  }
0x10f: {  	[sflag:s11] =	ssyncadd.s32 @!p1 $0xFFFFD000  }
0x110: {  	[tilespmem:$0x80] =	vst @!p2 v3;
	v3 =	vor.u32 @!p2 $0x8, v5  }
0x111: {  	vm1 =	vmmov @!p2 $0xffff;
	s13 =	simm.s32 @!p2 $0x100;
	s11 =	simm.s32 @!p2 $0x0;
	v2 =	vperm.xlane @!p2 v2, v3  }
0x112: {  	[tilespmem:s13], [sflag:$0x1] =	stream.indirect_vreg.gather @!p2 [hbm4b:s0+s11], $0x80, v4, vm1, $0xb8;
	[tilespmem:$0x6400] =	vst v63  }
0x113: {  	p0 =	sge.s32 s5, s31;
	s14 =	simm.s32 @!p2 $0x900;
	v2 =	vadd.s32 @!p2 v6, v2  }
0x114: {  	[tilespmem:s14], [sflag:$0x1] =	stream.indirect_vreg.gather @!p2 [hbm4b:s7+s11], $0x80, v4, vm1, $0xb8;
	[tilespmem:$0x6400] =	vst v63  }
0x115: {  	p1 =	sge.s32 @!p0 s31, s12;
	s14 =	simm.s32 @!p2 $0x1100  }
0x116: {  	[tilespmem:s14], [sflag:$0x1] =	stream.indirect_vreg.gather @!p2 [hbm4b:s8+s11], $0x80, v4, vm1, $0xb8;
	[tilespmem:$0x6400] =	vst v63  }
0x117: {  	p1 =	por p1, p0;
	s14 =	simm.s32 @!p2 $0x1900  }
0x118: {  	[tilespmem:s14], [sflag:$0x1] =	stream.indirect_vreg.gather @!p2 [hbm4b:s0+s11], $0x80, v2, vm1, $0xb8;
	[tilespmem:$0x6400] =	vst v63  }
0x119: {  	v3 =	vbroadcast @!p1 v1, $0xC;
	s14 =	simm.s32 @!p2 $0x2100  }
0x11a: {  	[tilespmem:s14], [sflag:$0x1] =	stream.indirect_vreg.gather @!p2 [hbm4b:s7+s11], $0x80, v2, vm1, $0xb8;
	[tilespmem:$0x6400] =	vst v63  }
0x11b: {  	vm2 =	vgt.s32 @!p1 v0, v3;
	s14 =	simm.s32 @!p2 $0x2900  }
0x11c: {  	v3 =	vsel @!p1 vm2, $0x0, v0;
	[tilespmem:s14], [sflag:$0x1] =	stream.indirect_vreg.gather @!p2 [hbm4b:s8+s11], $0x80, v2, vm1, $0xb8;
	[tilespmem:$0x6400] =	vst v63  }
0x11d: {  	v2 =	vshrl.u32 @!p1 v3, $0x3;
	s14 =	simm.s32 @!p2 $0x1  }
0x11e: {  	v2 =	vmul.u32 @!p1 $0x30, v2;
	_ =	swait.ge @!p2 [sflag:s14], $0x3000  }
0x11f: {  	v5 =	vlaneseq.u32 @!p1;
	v4 =	vand.u32 @!p1 $0x7, v3;
	[sflag:s14] =	ssyncset.done @!p2 $0x0  }
0x120: {  	v6 =	vshrl.u32 @!p1 v5, $0x3;
	s31 =	rddreg [dreg:$0x11];
	v2 =	vor.u32 @!p1 v4, v2;
	v4 =	vand.u32 @!p1 $0x7, v5;
	[sflag:s14] =	ssyncadd.s32 @!p2 $0xFFFFD000  }
0x121: {  	v6 =	vmul.u32 @!p1 $0x8, v6;
	v4 =	vperm.xlane @!p1 v2, v4;
	[hbm4b:s31+s11] =	stream.linear.scatter @!p2 [tilespmem:s13], [sflag:$0x3], $0x3000, $0x38;
	[tilespmem:$0x6400] =	vst v63  }
0x122: {  	s11 =	simm.s32 @!p2 $0x3  }
0x123: {  	_ =	swait.ge @!p2 [sflag:s11], $0x3000;
	v4 =	vadd.s32 @!p1 v6, v4  }
0x124: {  	[sflag:s11] =	ssyncset.done @!p2 $0x0  }
0x125: {  	[sflag:s11] =	ssyncadd.s32 @!p2 $0xFFFFD000  }
0x126: {  	[tilespmem:$0x80] =	vst @!p1 v3;
	v3 =	vor.u32 @!p1 $0x8, v5  }
0x127: {  	vm1 =	vmmov @!p1 $0xffff;
	s13 =	simm.s32 @!p1 $0x100;
	s11 =	simm.s32 @!p1 $0x0;
	v2 =	vperm.xlane @!p1 v2, v3  }
0x128: {  	[tilespmem:s13], [sflag:$0x1] =	stream.indirect_vreg.gather @!p1 [hbm4b:s0+s11], $0x80, v4, vm1, $0xb8;
	[tilespmem:$0x6400] =	vst v63  }
0x129: {  	p0 =	sge.s32 s5, s6;
	s14 =	simm.s32 @!p1 $0x900;
	v2 =	vadd.s32 @!p1 v6, v2  }
0x12a: {  	[tilespmem:s14], [sflag:$0x1] =	stream.indirect_vreg.gather @!p1 [hbm4b:s7+s11], $0x80, v4, vm1, $0xb8;
	[tilespmem:$0x6400] =	vst v63  }
0x12b: {  	p2 =	sge.s32 @!p0 s6, s12;
	s14 =	simm.s32 @!p1 $0x1100  }
0x12c: {  	[tilespmem:s14], [sflag:$0x1] =	stream.indirect_vreg.gather @!p1 [hbm4b:s8+s11], $0x80, v4, vm1, $0xb8;
	[tilespmem:$0x6400] =	vst v63  }
0x12d: {  	s6 =	simm.s32 @!p1 $0x1900;
	p2 =	por p2, p0  }
0x12e: {  	v3 =	vbroadcast @!p2 v1, $0xD;
	[tilespmem:s6], [sflag:$0x1] =	stream.indirect_vreg.gather @!p1 [hbm4b:s0+s11], $0x80, v2, vm1, $0xb8;
	[tilespmem:$0x6400] =	vst v63  }
0x12f: {  	s6 =	simm.s32 @!p1 $0x2100  }
0x130: {  	vm2 =	vgt.s32 @!p2 v0, v3;
	[tilespmem:s6], [sflag:$0x1] =	stream.indirect_vreg.gather @!p1 [hbm4b:s7+s11], $0x80, v2, vm1, $0xb8;
	[tilespmem:$0x6400] =	vst v63  }
0x131: {  	v3 =	vsel @!p2 vm2, $0x0, v0;
	s6 =	simm.s32 @!p1 $0x2900  }
0x132: {  	[tilespmem:s6], [sflag:$0x1] =	stream.indirect_vreg.gather @!p1 [hbm4b:s8+s11], $0x80, v2, vm1, $0xb8;
	v2 =	vshrl.u32 @!p2 v3, $0x3;
	[tilespmem:$0x6400] =	vst v63  }
0x133: {  	s6 =	simm.s32 @!p1 $0x1;
	v2 =	vmul.u32 @!p2 $0x30, v2  }
0x134: {  	v5 =	vlaneseq.u32 @!p2;
	v4 =	vand.u32 @!p2 $0x7, v3;
	_ =	swait.ge @!p1 [sflag:s6], $0x3000  }
0x135: {  	v6 =	vshrl.u32 @!p2 v5, $0x3;
	s14 =	smov.u32 s20;
	[sflag:s6] =	ssyncset.done @!p1 $0x0;
	v2 =	vor.u32 @!p2 v4, v2;
	v4 =	vand.u32 @!p2 $0x7, v5  }
0x136: {  	v6 =	vmul.u32 @!p2 $0x8, v6;
	s20 =	rddreg [dreg:$0x10];
	[sflag:s6] =	ssyncadd.s32 @!p1 $0xFFFFD000;
	s6 =	simm.s32 @!p1 $0x3;
	v4 =	vperm.xlane @!p2 v2, v4  }
0x137: {  	[hbm4b:s20+s11] =	stream.linear.scatter @!p1 [tilespmem:s13], [sflag:$0x3], $0x3000, $0x38;
	[tilespmem:$0x6400] =	vst v63  }
0x138: {  	_ =	swait.ge @!p1 [sflag:s6], $0x3000;
	v4 =	vadd.s32 @!p2 v6, v4  }
0x139: {  	[sflag:s6] =	ssyncset.done @!p1 $0x0  }
0x13a: {  	[sflag:s6] =	ssyncadd.s32 @!p1 $0xFFFFD000  }
0x13b: {  	[tilespmem:$0x80] =	vst @!p2 v3;
	v3 =	vor.u32 @!p2 $0x8, v5  }
0x13c: {  	vm1 =	vmmov @!p2 $0xffff;
	s11 =	simm.s32 @!p2 $0x100;
	s6 =	simm.s32 @!p2 $0x0;
	v2 =	vperm.xlane @!p2 v2, v3  }
0x13d: {  	[tilespmem:s11], [sflag:$0x1] =	stream.indirect_vreg.gather @!p2 [hbm4b:s0+s6], $0x80, v4, vm1, $0xb8;
	[tilespmem:$0x6400] =	vst v63  }
0x13e: {  	p0 =	sge.s32 s5, s2;
	s13 =	simm.s32 @!p2 $0x900;
	v2 =	vadd.s32 @!p2 v6, v2  }
0x13f: {  	[tilespmem:s13], [sflag:$0x1] =	stream.indirect_vreg.gather @!p2 [hbm4b:s7+s6], $0x80, v4, vm1, $0xb8;
	[tilespmem:$0x6400] =	vst v63  }
0x140: {  	p1 =	sge.s32 @!p0 s2, s12;
	s13 =	simm.s32 @!p2 $0x1100  }
0x141: {  	[tilespmem:s13], [sflag:$0x1] =	stream.indirect_vreg.gather @!p2 [hbm4b:s8+s6], $0x80, v4, vm1, $0xb8;
	[tilespmem:$0x6400] =	vst v63  }
0x142: {  	s2 =	simm.s32 @!p2 $0x1900;
	p1 =	por p1, p0  }
0x143: {  	v3 =	vbroadcast @!p1 v1, $0xE;
	[tilespmem:s2], [sflag:$0x1] =	stream.indirect_vreg.gather @!p2 [hbm4b:s0+s6], $0x80, v2, vm1, $0xb8;
	[tilespmem:$0x6400] =	vst v63  }
0x144: {  	s2 =	simm.s32 @!p2 $0x2100  }
0x145: {  	vm2 =	vgt.s32 @!p1 v0, v3;
	[tilespmem:s2], [sflag:$0x1] =	stream.indirect_vreg.gather @!p2 [hbm4b:s7+s6], $0x80, v2, vm1, $0xb8;
	[tilespmem:$0x6400] =	vst v63  }
0x146: {  	v3 =	vsel @!p1 vm2, $0x0, v0;
	s2 =	simm.s32 @!p2 $0x2900  }
0x147: {  	[tilespmem:s2], [sflag:$0x1] =	stream.indirect_vreg.gather @!p2 [hbm4b:s8+s6], $0x80, v2, vm1, $0xb8;
	v2 =	vshrl.u32 @!p1 v3, $0x3;
	[tilespmem:$0x6400] =	vst v63  }
0x148: {  	s2 =	simm.s32 @!p2 $0x1;
	v2 =	vmul.u32 @!p1 $0x30, v2  }
0x149: {  	v5 =	vlaneseq.u32 @!p1;
	v4 =	vand.u32 @!p1 $0x7, v3;
	_ =	swait.ge @!p2 [sflag:s2], $0x3000  }
0x14a: {  	v6 =	vshrl.u32 @!p1 v5, $0x3;
	[sflag:s2] =	ssyncset.done @!p2 $0x0;
	v2 =	vor.u32 @!p1 v4, v2;
	v4 =	vand.u32 @!p1 $0x7, v5  }
0x14b: {  	v6 =	vmul.u32 @!p1 $0x8, v6;
	s13 =	rddreg [dreg:$0x12];
	[sflag:s2] =	ssyncadd.s32 @!p2 $0xFFFFD000;
	s2 =	simm.s32 @!p2 $0x3;
	v4 =	vperm.xlane @!p1 v2, v4  }
0x14c: {  	[hbm4b:s13+s6] =	stream.linear.scatter @!p2 [tilespmem:s11], [sflag:$0x3], $0x3000, $0x38;
	[tilespmem:$0x6400] =	vst v63  }
0x14d: {  	_ =	swait.ge @!p2 [sflag:s2], $0x3000;
	v4 =	vadd.s32 @!p1 v6, v4  }
0x14e: {  	[sflag:s2] =	ssyncset.done @!p2 $0x0  }
0x14f: {  	[sflag:s2] =	ssyncadd.s32 @!p2 $0xFFFFD000  }
0x150: {  	[tilespmem:$0x80] =	vst @!p1 v3;
	v3 =	vor.u32 @!p1 $0x8, v5  }
0x151: {  	vm1 =	vmmov @!p1 $0xffff;
	s6 =	simm.s32 @!p1 $0x100;
	s2 =	simm.s32 @!p1 $0x0;
	v2 =	vperm.xlane @!p1 v2, v3  }
0x152: {  	[tilespmem:s6], [sflag:$0x1] =	stream.indirect_vreg.gather @!p1 [hbm4b:s0+s2], $0x80, v4, vm1, $0xb8;
	[tilespmem:$0x6400] =	vst v63  }
0x153: {  	p0 =	sge.s32 s5, s3;
	s11 =	simm.s32 @!p1 $0x900;
	v2 =	vadd.s32 @!p1 v6, v2  }
0x154: {  	[tilespmem:s11], [sflag:$0x1] =	stream.indirect_vreg.gather @!p1 [hbm4b:s7+s2], $0x80, v4, vm1, $0xb8;
	[tilespmem:$0x6400] =	vst v63  }
0x155: {  	p2 =	sge.s32 @!p0 s3, s12;
	s11 =	simm.s32 @!p1 $0x1100  }
0x156: {  	[tilespmem:s11], [sflag:$0x1] =	stream.indirect_vreg.gather @!p1 [hbm4b:s8+s2], $0x80, v4, vm1, $0xb8;
	[tilespmem:$0x6400] =	vst v63  }
0x157: {  	s3 =	simm.s32 @!p1 $0x1900;
	p2 =	por p2, p0  }
0x158: {  	v1 =	vbroadcast @!p2 v1, $0xF;
	[tilespmem:s3], [sflag:$0x1] =	stream.indirect_vreg.gather @!p1 [hbm4b:s0+s2], $0x80, v2, vm1, $0xb8;
	[tilespmem:$0x6400] =	vst v63  }
0x159: {  	s3 =	simm.s32 @!p1 $0x2100  }
0x15a: {  	vm2 =	vgt.s32 @!p2 v0, v1;
	[tilespmem:s3], [sflag:$0x1] =	stream.indirect_vreg.gather @!p1 [hbm4b:s7+s2], $0x80, v2, vm1, $0xb8;
	[tilespmem:$0x6400] =	vst v63  }
0x15b: {  	v1 =	vsel @!p2 vm2, $0x0, v0;
	s3 =	simm.s32 @!p1 $0x2900  }
0x15c: {  	[tilespmem:s3], [sflag:$0x1] =	stream.indirect_vreg.gather @!p1 [hbm4b:s8+s2], $0x80, v2, vm1, $0xb8;
	v2 =	vshrl.u32 @!p2 v1, $0x3;
	[tilespmem:$0x6400] =	vst v63  }
0x15d: {  	s3 =	simm.s32 @!p1 $0x1;
	v2 =	vmul.u32 @!p2 $0x30, v2  }
0x15e: {  	v3 =	vand.u32 @!p2 $0x7, v1;
	v4 =	vlaneseq.u32 @!p2;
	_ =	swait.ge @!p1 [sflag:s3], $0x3000  }
0x15f: {  	v5 =	vshrl.u32 @!p2 v4, $0x3;
	[sflag:s3] =	ssyncset.done @!p1 $0x0;
	v2 =	vor.u32 @!p2 v3, v2;
	v3 =	vand.u32 @!p2 $0x7, v4  }
0x160: {  	s11 =	smov.u32 s21;
	v5 =	vmul.u32 @!p2 $0x8, v5;
	s21 =	rddreg [dreg:$0x13];
	[sflag:s3] =	ssyncadd.s32 @!p1 $0xFFFFD000;
	v3 =	vperm.xlane @!p2 v2, v3  }
0x161: {  	[hbm4b:s21+s2] =	stream.linear.scatter @!p1 [tilespmem:s6], [sflag:$0x3], $0x3000, $0x38;
	[tilespmem:$0x6400] =	vst v63  }
0x162: {  	s2 =	simm.s32 @!p1 $0x3;
	v3 =	vadd.s32 @!p2 v5, v3  }
0x163: {  	_ =	swait.ge @!p1 [sflag:s2], $0x3000  }
0x164: {  	[sflag:s2] =	ssyncset.done @!p1 $0x0  }
0x165: {  	v4 =	vor.u32 @!p2 $0x8, v4;
	[sflag:s2] =	ssyncadd.s32 @!p1 $0xFFFFD000  }
0x166: {  	vm1 =	vmmov @!p2 $0xffff;
	s3 =	simm.s32 @!p2 $0x100;
	s2 =	simm.s32 @!p2 $0x0;
	[tilespmem:$0x80] =	vst @!p2 v1;
	v1 =	vperm.xlane @!p2 v2, v4  }
0x167: {  	[tilespmem:s3], [sflag:$0x1] =	stream.indirect_vreg.gather @!p2 [hbm4b:s0+s2], $0x80, v3, vm1, $0xb8;
	[tilespmem:$0x6400] =	vst v63  }
0x168: {  	s6 =	simm.s32 @!p2 $0x900;
	v1 =	vadd.s32 @!p2 v5, v1  }
0x169: {  	[tilespmem:s6], [sflag:$0x1] =	stream.indirect_vreg.gather @!p2 [hbm4b:s7+s2], $0x80, v3, vm1, $0xb8;
	[tilespmem:$0x6400] =	vst v63  }
0x16a: {  	s6 =	simm.s32 @!p2 $0x1100  }
0x16b: {  	[tilespmem:s6], [sflag:$0x1] =	stream.indirect_vreg.gather @!p2 [hbm4b:s8+s2], $0x80, v3, vm1, $0xb8;
	[tilespmem:$0x6400] =	vst v63  }
0x16c: {  	s6 =	simm.s32 @!p2 $0x1900  }
0x16d: {  	[tilespmem:s6], [sflag:$0x1] =	stream.indirect_vreg.gather @!p2 [hbm4b:s0+s2], $0x80, v1, vm1, $0xb8;
	[tilespmem:$0x6400] =	vst v63  }
0x16e: {  	s6 =	simm.s32 @!p2 $0x2100  }
0x16f: {  	[tilespmem:s6], [sflag:$0x1] =	stream.indirect_vreg.gather @!p2 [hbm4b:s7+s2], $0x80, v1, vm1, $0xb8;
	[tilespmem:$0x6400] =	vst v63  }
0x170: {  	s6 =	simm.s32 @!p2 $0x2900  }
0x171: {  	[tilespmem:s6], [sflag:$0x1] =	stream.indirect_vreg.gather @!p2 [hbm4b:s8+s2], $0x80, v1, vm1, $0xb8;
	[tilespmem:$0x6400] =	vst v63  }
0x172: {  	s6 =	simm.s32 @!p2 $0x1  }
0x173: {  	_ =	swait.ge @!p2 [sflag:s6], $0x3000  }
0x174: {  	s25 =	sadd.s32 $0xFFFFFFFF, s25;
	[sflag:s6] =	ssyncset.done @!p2 $0x0  }
0x175: {  	p0 =	sne.s32 s25, $0x0;
	s28 =	rddreg [dreg:$0x15];
	[sflag:s6] =	ssyncadd.s32 @!p2 $0xFFFFD000  }
0x176: {  	[hbm4b:s28+s2] =	stream.linear.scatter @!p2 [tilespmem:s3], [sflag:$0x3], $0x3000, $0x38;
	[tilespmem:$0x6400] =	vst v63  }
.Ltmp1:
0x177: {  	_ = 	snop;
	(pc) =	sbr.rel @!p0 .LBB2_4-.Ltmp1, $4  }
0x178: {  	s2 =	simm.s32 @!p2 $0x3  }
0x179: {  	_ =	swait.ge @!p2 [sflag:s2], $0x3000  }
0x17a: {  	[sflag:s2] =	ssyncset.done @!p2 $0x0  }
0x17b: {  	s10 =	smov.u32 s29;
	[sflag:s2] =	ssyncadd.s32 @!p2 $0xFFFFD000  }
.LBB2_1:
0x17c: {  	v1 =	vlaneseq.u32 @!p4  }
0x17d: {  	v2 =	vimm.s32 @!p4 $0x0;
	v3 =	vand.u32 @!p4 $0x7, v1;
	v4 =	vshrl.u32 @!p4 v1, $0x3  }
0x17e: {  	v3 =	vperm.xlane @!p4 v2, v3;
	v4 =	vmul.u32 @!p4 $0x8, v4  }
0x17f: {  	s2 =	rddreg [dreg:$0x2];
	s3 =	simm.s32 $0x0;
	s22 =	simm.s32 $0x3  }
0x180: {  	[tilespmem:s3], [sflag:$0x3] =	stream.linear.gather [hbm4b:s2+s3], $0x80, $0x38;
	v3 =	vadd.s32 @!p4 v4, v3;
	[tilespmem:$0x6400] =	vst v63  }
0x181: {  	_ =	swait.ge [sflag:s22], $0x80  }
0x182: {  	[sflag:s22] =	ssyncset.done $0x0  }
0x183: {  	v5 =	vor.u32 @!p4 $0x8, v1;
	[sflag:s22] =	ssyncadd.s32 $0xFFFFFF80  }
0x184: {  	s2 =	simm.s32 @!p4 $0x0;
	s3 =	simm.s32 @!p4 $0x100;
	[tilespmem:$0x80] =	vst @!p4 v2;
	v2 =	vperm.xlane @!p4 v2, v5  }
0x185: {  	v1 =	vld [tilespmem:$0x0];
	[tilespmem:s3], [sflag:$0x1] =	stream.indirect_vreg.gather @!p4 [hbm4b:s0+s2], $0x80, v3, vm0, $0xb8  }
0x186: {  	s6 =	simm.s32 @!p4 $0x900;
	v2 =	vadd.s32 @!p4 v4, v2  }
0x187: {  	[tilespmem:s6], [sflag:$0x1] =	stream.indirect_vreg.gather @!p4 [hbm4b:s7+s2], $0x80, v3, vm0, $0xb8;
	[tilespmem:$0x6400] =	vst v63  }
0x188: {  	s6 =	simm.s32 @!p4 $0x1100  }
0x189: {  	[tilespmem:s6], [sflag:$0x1] =	stream.indirect_vreg.gather @!p4 [hbm4b:s8+s2], $0x80, v3, vm0, $0xb8;
	[tilespmem:$0x6400] =	vst v63  }
0x18a: {  	s6 =	simm.s32 @!p4 $0x1900  }
0x18b: {  	[tilespmem:s6], [sflag:$0x1] =	stream.indirect_vreg.gather @!p4 [hbm4b:s0+s2], $0x80, v2, vm0, $0xb8;
	[tilespmem:$0x6400] =	vst v63  }
0x18c: {  	s6 =	simm.s32 @!p4 $0x2100  }
0x18d: {  	[tilespmem:s6], [sflag:$0x1] =	stream.indirect_vreg.gather @!p4 [hbm4b:s7+s2], $0x80, v2, vm0, $0xb8;
	[tilespmem:$0x6400] =	vst v63  }
0x18e: {  	s6 =	simm.s32 @!p4 $0x2900  }
0x18f: {  	[tilespmem:s6], [sflag:$0x1] =	stream.indirect_vreg.gather @!p4 [hbm4b:s8+s2], $0x80, v2, vm0, $0xb8;
	[tilespmem:$0x6400] =	vst v63  }
0x190: {  	s2 =	simm.s32 @!p4 $0x1  }
0x191: {  	_ =	swait.ge @!p4 [sflag:s2], $0x3000  }
0x192: {  	[sflag:s2] =	ssyncset.done @!p4 $0x0  }
0x193: {  	[sflag:s2] =	ssyncadd.s32 @!p4 $0xFFFFD000;
	s2 =	simm.s32 @!p4 $0x3  }
0x194: {  	[spmem:s4] =	stream.linear.scatter @!p4 [tilespmem:s3], [sflag:$0x3], $0x3000, $0x38;
	[tilespmem:$0x6400] =	vst v63  }
0x195: {  	_ =	swait.ge @!p4 [sflag:s2], $0x3000  }
0x196: {  	s23 =	sshll.u32 s1, $0x6;
	s6 =	sshrl.u32 s9, $0x3;
	[sflag:s2] =	ssyncset.done @!p4 $0x0  }
0x197: {  	s3 =	sor.u32 $0x1C03, s23;
	s23 =	rddreg [dreg:$0x7];
	[sflag:s2] =	ssyncadd.s32 @!p4 $0xFFFFD000  }
0x198: {  	[spmem:s6], [sflag:s3] =	dma.local [hbm:s23], $0x600  }
0x199: {  	_ =	swait.ge [sflag:s22], $0x600  }
0x19a: {  	[sflag:s22] =	ssyncset.done $0x0  }
0x19b: {  	[sflag:s22] =	ssyncadd.s32 $0xFFFFFA00  }
0x19c: {  	[bflag:$0x0] =	sbarrier.arrive $0xFFFF  }
0x19d: {  	(v2sf) =	vpush v1, $0x0;
	_ =	sdelay $0xe  }
0x19e: {  	s23 =	spop (v2sf)  }
0x19f: {  	p1 =	sgt.s32 s12, s23  }
0x1a0: {  	s2 =	sshll.u32 @!p1 s1, $0x6  }
0x1a1: {  	s3 =	sshrl.u32 @!p1 s9, $0x3;
	s2 =	sor.u32 @!p1 $0x1C02, s2  }
0x1a2: {  	[hbm:s10], [sflag:s2] =	dma.local @!p1 [spmem:s3], $0x600  }
0x1a3: {  	p1 =	sgt.s32 s23, s5  }
0x1a4: {  	s2 =	sshll.u32 @!p1 s1, $0x6  }
0x1a5: {  	s3 =	sshrl.u32 @!p1 s4, $0x3;
	s2 =	sor.u32 @!p1 $0x1C02, s2  }
0x1a6: {  	[hbm:s10], [sflag:s2] =	dma.local @!p1 [spmem:s3], $0x600  }
0x1a7: {  	(v2sf) =	vpush v1, $0x1;
	_ =	sdelay $0xe  }
0x1a8: {  	s22 =	spop (v2sf)  }
0x1a9: {  	p1 =	sgt.s32 s12, s22  }
0x1aa: {  	s2 =	sshll.u32 @!p1 s1, $0x6  }
0x1ab: {  	s3 =	sshrl.u32 @!p1 s9, $0x3;
	s2 =	sor.u32 @!p1 $0x1C02, s2  }
0x1ac: {  	[hbm:s24], [sflag:s2] =	dma.local @!p1 [spmem:s3], $0x600  }
0x1ad: {  	p1 =	sgt.s32 s22, s5  }
0x1ae: {  	s2 =	sshll.u32 @!p1 s1, $0x6  }
0x1af: {  	s3 =	sshrl.u32 @!p1 s4, $0x3;
	s2 =	sor.u32 @!p1 $0x1C02, s2  }
0x1b0: {  	[hbm:s24], [sflag:s2] =	dma.local @!p1 [spmem:s3], $0x600  }
0x1b1: {  	(v2sf) =	vpush v1, $0x2;
	_ =	sdelay $0xe  }
0x1b2: {  	s29 =	smov.u32 s10;
	s10 =	smov.u32 s21;
	s21 =	spop (v2sf)  }
0x1b3: {  	p1 =	sgt.s32 s12, s21  }
0x1b4: {  	s2 =	sshll.u32 @!p1 s1, $0x6  }
0x1b5: {  	s3 =	sshrl.u32 @!p1 s9, $0x3;
	s2 =	sor.u32 @!p1 $0x1C02, s2  }
0x1b6: {  	[hbm:s26], [sflag:s2] =	dma.local @!p1 [spmem:s3], $0x600  }
0x1b7: {  	p1 =	sgt.s32 s21, s5  }
0x1b8: {  	s2 =	sshll.u32 @!p1 s1, $0x6  }
0x1b9: {  	s3 =	sshrl.u32 @!p1 s4, $0x3;
	s2 =	sor.u32 @!p1 $0x1C02, s2  }
0x1ba: {  	[hbm:s26], [sflag:s2] =	dma.local @!p1 [spmem:s3], $0x600  }
0x1bb: {  	(v2sf) =	vpush v1, $0x3;
	_ =	sdelay $0xe  }
0x1bc: {  	s26 =	smov.u32 s20;
	s20 =	spop (v2sf)  }
0x1bd: {  	p1 =	sgt.s32 s12, s20  }
0x1be: {  	s2 =	sshll.u32 @!p1 s1, $0x6  }
0x1bf: {  	s3 =	sshrl.u32 @!p1 s9, $0x3;
	s2 =	sor.u32 @!p1 $0x1C02, s2  }
0x1c0: {  	[hbm:s30], [sflag:s2] =	dma.local @!p1 [spmem:s3], $0x600  }
0x1c1: {  	p1 =	sgt.s32 s20, s5  }
0x1c2: {  	s2 =	sshll.u32 @!p1 s1, $0x6  }
0x1c3: {  	s3 =	sshrl.u32 @!p1 s4, $0x3;
	s2 =	sor.u32 @!p1 $0x1C02, s2  }
0x1c4: {  	[hbm:s30], [sflag:s2] =	dma.local @!p1 [spmem:s3], $0x600  }
0x1c5: {  	(v2sf) =	vpush v1, $0x4;
	_ =	sdelay $0xe  }
0x1c6: {  	s24 =	smov.u32 s19;
	s19 =	spop (v2sf)  }
0x1c7: {  	p1 =	sgt.s32 s12, s19  }
0x1c8: {  	s2 =	sshll.u32 @!p1 s1, $0x6  }
0x1c9: {  	s3 =	sshrl.u32 @!p1 s9, $0x3;
	s2 =	sor.u32 @!p1 $0x1C02, s2  }
0x1ca: {  	[hbm:s11], [sflag:s2] =	dma.local @!p1 [spmem:s3], $0x600  }
0x1cb: {  	p1 =	sgt.s32 s19, s5  }
0x1cc: {  	s2 =	sshll.u32 @!p1 s1, $0x6  }
0x1cd: {  	s3 =	sshrl.u32 @!p1 s4, $0x3;
	s2 =	sor.u32 @!p1 $0x1C02, s2  }
0x1ce: {  	[hbm:s11], [sflag:s2] =	dma.local @!p1 [spmem:s3], $0x600  }
0x1cf: {  	(v2sf) =	vpush v1, $0x5;
	_ =	sdelay $0xe  }
0x1d0: {  	s6 =	smov.u32 s18;
	s18 =	spop (v2sf)  }
0x1d1: {  	p1 =	sgt.s32 s12, s18  }
0x1d2: {  	s2 =	sshll.u32 @!p1 s1, $0x6  }
0x1d3: {  	s3 =	sshrl.u32 @!p1 s9, $0x3;
	s2 =	sor.u32 @!p1 $0x1C02, s2  }
0x1d4: {  	[hbm:s14], [sflag:s2] =	dma.local @!p1 [spmem:s3], $0x600  }
0x1d5: {  	p1 =	sgt.s32 s18, s5  }
0x1d6: {  	s2 =	sshll.u32 @!p1 s1, $0x6  }
0x1d7: {  	s3 =	sshrl.u32 @!p1 s4, $0x3;
	s2 =	sor.u32 @!p1 $0x1C02, s2  }
0x1d8: {  	[hbm:s14], [sflag:s2] =	dma.local @!p1 [spmem:s3], $0x600  }
0x1d9: {  	(v2sf) =	vpush v1, $0x6;
	_ =	sdelay $0xe  }
0x1da: {  	s11 =	smov.u32 s17;
	s17 =	spop (v2sf)  }
0x1db: {  	p1 =	sgt.s32 s12, s17  }
0x1dc: {  	s2 =	sshll.u32 @!p1 s1, $0x6  }
0x1dd: {  	s3 =	sshrl.u32 @!p1 s9, $0x3;
	s2 =	sor.u32 @!p1 $0x1C02, s2  }
0x1de: {  	[hbm:s15], [sflag:s2] =	dma.local @!p1 [spmem:s3], $0x600  }
0x1df: {  	p1 =	sgt.s32 s17, s5  }
0x1e0: {  	s2 =	sshll.u32 @!p1 s1, $0x6  }
0x1e1: {  	s3 =	sshrl.u32 @!p1 s4, $0x3;
	s2 =	sor.u32 @!p1 $0x1C02, s2  }
0x1e2: {  	[hbm:s15], [sflag:s2] =	dma.local @!p1 [spmem:s3], $0x600  }
0x1e3: {  	(v2sf) =	vpush v1, $0x7;
	_ =	sdelay $0xe  }
0x1e4: {  	s30 =	smov.u32 s13;
	s13 =	smov.u32 s16;
	s16 =	spop (v2sf)  }
0x1e5: {  	p1 =	sgt.s32 s12, s16  }
0x1e6: {  	s2 =	sshll.u32 @!p1 s1, $0x6  }
0x1e7: {  	s3 =	sshrl.u32 @!p1 s9, $0x3;
	s2 =	sor.u32 @!p1 $0x1C02, s2  }
0x1e8: {  	[hbm:s6], [sflag:s2] =	dma.local @!p1 [spmem:s3], $0x600  }
0x1e9: {  	p1 =	sgt.s32 s16, s5  }
0x1ea: {  	s2 =	sshll.u32 @!p1 s1, $0x6  }
0x1eb: {  	s3 =	sshrl.u32 @!p1 s4, $0x3;
	s2 =	sor.u32 @!p1 $0x1C02, s2  }
0x1ec: {  	[hbm:s6], [sflag:s2] =	dma.local @!p1 [spmem:s3], $0x600  }
0x1ed: {  	(v2sf) =	vpush v1, $0x8;
	_ =	sdelay $0xe  }
0x1ee: {  	s15 =	spop (v2sf)  }
0x1ef: {  	p1 =	sgt.s32 s12, s15  }
0x1f0: {  	s2 =	sshll.u32 @!p1 s1, $0x6  }
0x1f1: {  	s3 =	sshrl.u32 @!p1 s9, $0x3;
	s2 =	sor.u32 @!p1 $0x1C02, s2  }
0x1f2: {  	[hbm:s11], [sflag:s2] =	dma.local @!p1 [spmem:s3], $0x600  }
0x1f3: {  	p1 =	sgt.s32 s15, s5  }
0x1f4: {  	s2 =	sshll.u32 @!p1 s1, $0x6  }
0x1f5: {  	s3 =	sshrl.u32 @!p1 s4, $0x3;
	s2 =	sor.u32 @!p1 $0x1C02, s2  }
0x1f6: {  	[hbm:s11], [sflag:s2] =	dma.local @!p1 [spmem:s3], $0x600  }
0x1f7: {  	(v2sf) =	vpush v1, $0x9;
	_ =	sdelay $0xe  }
0x1f8: {  	s14 =	spop (v2sf)  }
0x1f9: {  	p1 =	sgt.s32 s12, s14  }
0x1fa: {  	s2 =	sshll.u32 @!p1 s1, $0x6  }
0x1fb: {  	s3 =	sshrl.u32 @!p1 s9, $0x3;
	s2 =	sor.u32 @!p1 $0x1C02, s2  }
0x1fc: {  	[hbm:s13], [sflag:s2] =	dma.local @!p1 [spmem:s3], $0x600  }
0x1fd: {  	p1 =	sgt.s32 s14, s5  }
0x1fe: {  	s2 =	sshll.u32 @!p1 s1, $0x6  }
0x1ff: {  	s3 =	sshrl.u32 @!p1 s4, $0x3;
	s2 =	sor.u32 @!p1 $0x1C02, s2  }
0x200: {  	[hbm:s13], [sflag:s2] =	dma.local @!p1 [spmem:s3], $0x600  }
0x201: {  	(v2sf) =	vpush v1, $0xA;
	_ =	sdelay $0xe  }
0x202: {  	s13 =	spop (v2sf)  }
0x203: {  	p1 =	sgt.s32 s12, s13  }
0x204: {  	s2 =	sshll.u32 @!p1 s1, $0x6  }
0x205: {  	s3 =	sshrl.u32 @!p1 s9, $0x3;
	s2 =	sor.u32 @!p1 $0x1C02, s2  }
0x206: {  	[hbm:s24], [sflag:s2] =	dma.local @!p1 [spmem:s3], $0x600  }
0x207: {  	p1 =	sgt.s32 s13, s5  }
0x208: {  	s2 =	sshll.u32 @!p1 s1, $0x6  }
0x209: {  	s3 =	sshrl.u32 @!p1 s4, $0x3;
	s2 =	sor.u32 @!p1 $0x1C02, s2  }
0x20a: {  	[hbm:s24], [sflag:s2] =	dma.local @!p1 [spmem:s3], $0x600  }
0x20b: {  	(v2sf) =	vpush v1, $0xB;
	_ =	sdelay $0xe  }
0x20c: {  	s11 =	spop (v2sf)  }
0x20d: {  	p1 =	sgt.s32 s12, s11  }
0x20e: {  	s2 =	sshll.u32 @!p1 s1, $0x6  }
0x20f: {  	s3 =	sshrl.u32 @!p1 s9, $0x3;
	s2 =	sor.u32 @!p1 $0x1C02, s2  }
0x210: {  	[hbm:s31], [sflag:s2] =	dma.local @!p1 [spmem:s3], $0x600  }
0x211: {  	p1 =	sgt.s32 s11, s5  }
0x212: {  	s2 =	sshll.u32 @!p1 s1, $0x6  }
0x213: {  	s3 =	sshrl.u32 @!p1 s4, $0x3;
	s2 =	sor.u32 @!p1 $0x1C02, s2  }
0x214: {  	[hbm:s31], [sflag:s2] =	dma.local @!p1 [spmem:s3], $0x600  }
0x215: {  	(v2sf) =	vpush v1, $0xC;
	_ =	sdelay $0xe  }
0x216: {  	s31 =	spop (v2sf)  }
0x217: {  	p1 =	sgt.s32 s12, s31  }
0x218: {  	s2 =	sshll.u32 @!p1 s1, $0x6  }
0x219: {  	s3 =	sshrl.u32 @!p1 s9, $0x3;
	s2 =	sor.u32 @!p1 $0x1C02, s2  }
0x21a: {  	[hbm:s26], [sflag:s2] =	dma.local @!p1 [spmem:s3], $0x600  }
0x21b: {  	p1 =	sgt.s32 s31, s5  }
0x21c: {  	s2 =	sshll.u32 @!p1 s1, $0x6  }
0x21d: {  	s3 =	sshrl.u32 @!p1 s4, $0x3;
	s2 =	sor.u32 @!p1 $0x1C02, s2  }
0x21e: {  	[hbm:s26], [sflag:s2] =	dma.local @!p1 [spmem:s3], $0x600  }
0x21f: {  	(v2sf) =	vpush v1, $0xD;
	_ =	sdelay $0xe  }
0x220: {  	s6 =	spop (v2sf)  }
0x221: {  	p1 =	sgt.s32 s12, s6  }
0x222: {  	s2 =	sshll.u32 @!p1 s1, $0x6  }
0x223: {  	s3 =	sshrl.u32 @!p1 s9, $0x3;
	s2 =	sor.u32 @!p1 $0x1C02, s2  }
0x224: {  	[hbm:s30], [sflag:s2] =	dma.local @!p1 [spmem:s3], $0x600  }
0x225: {  	p1 =	sgt.s32 s6, s5  }
0x226: {  	s2 =	sshll.u32 @!p1 s1, $0x6  }
0x227: {  	s3 =	sshrl.u32 @!p1 s4, $0x3;
	s2 =	sor.u32 @!p1 $0x1C02, s2  }
0x228: {  	[hbm:s30], [sflag:s2] =	dma.local @!p1 [spmem:s3], $0x600  }
0x229: {  	(v2sf) =	vpush v1, $0xE;
	_ =	sdelay $0xe  }
0x22a: {  	s2 =	spop (v2sf)  }
0x22b: {  	p1 =	sgt.s32 s12, s2  }
0x22c: {  	s3 =	sshll.u32 @!p1 s1, $0x6  }
0x22d: {  	s24 =	sshrl.u32 @!p1 s9, $0x3;
	s3 =	sor.u32 @!p1 $0x1C02, s3  }
0x22e: {  	[hbm:s10], [sflag:s3] =	dma.local @!p1 [spmem:s24], $0x600  }
0x22f: {  	p1 =	sgt.s32 s2, s5  }
0x230: {  	s3 =	sshll.u32 @!p1 s1, $0x6  }
0x231: {  	s24 =	sshrl.u32 @!p1 s4, $0x3;
	s3 =	sor.u32 @!p1 $0x1C02, s3  }
0x232: {  	[hbm:s10], [sflag:s3] =	dma.local @!p1 [spmem:s24], $0x600  }
0x233: {  	(v2sf) =	vpush v1, $0xF;
	_ =	sdelay $0xd  }
0x234: {  	p5 =	sle.s32 s23, s5;
	p2 =	sle.s32 s12, s23  }
0x235: {  	p6 =	sle.s32 s22, s5;
	p0 =	sle.s32 s12, s22;
	s3 =	spop (v2sf)  }
0x236: {  	s30 =	simm.s32 $0x1;
	p1 =	por p2, p5;
	p3 =	sgt.s32 s12, s3  }
0x237: {  	p2 =	por p0, p6;
	s30 =	simm.s32 @!p1 $0x0;
	s24 =	sshll.u32 @!p3 s1, $0x6  }
0x238: {  	p1 =	sgt.s32 s3, s5;
	s26 =	sshrl.u32 @!p3 s9, $0x3;
	s24 =	sor.u32 @!p3 $0x1C02, s24  }
0x239: {  	[hbm:s28], [sflag:s24] =	dma.local @!p3 [spmem:s26], $0x600  }
0x23a: {  	p5 =	sle.s32 s12, s21;
	p6 =	sle.s32 s20, s5;
	s24 =	sshll.u32 @!p1 s1, $0x6  }
0x23b: {  	s26 =	sshrl.u32 @!p1 s4, $0x3;
	p3 =	sle.s32 s21, s5;
	s24 =	sor.u32 @!p1 $0x1C02, s24  }
0x23c: {  	[hbm:s28], [sflag:s24] =	dma.local @!p1 [spmem:s26], $0x600  }
0x23d: {  	s24 =	simm.s32 $0x1;
	p1 =	por p5, p3;
	s26 =	simm.s32 $0x1  }
0x23e: {  	p0 =	sle.s32 s12, s20;
	s24 =	simm.s32 @!p2 $0x0;
	s26 =	simm.s32 @!p1 $0x0  }
0x23f: {  	p1 =	por p0, p6;
	s24 =	sadd.s32 s24, s30;
	s30 =	simm.s32 $0x1  }
0x240: {  	p3 =	sle.s32 s19, s5;
	p5 =	sle.s32 s12, s19;
	s30 =	simm.s32 @!p1 $0x0  }
0x241: {  	s24 =	sadd.s32 s26, s24;
	p1 =	por p5, p3;
	s26 =	simm.s32 $0x1  }
0x242: {  	p6 =	sle.s32 s18, s5;
	p0 =	sle.s32 s12, s18;
	s26 =	simm.s32 @!p1 $0x0  }
0x243: {  	s24 =	sadd.s32 s30, s24;
	p1 =	por p0, p6;
	s30 =	simm.s32 $0x1  }
0x244: {  	p3 =	sle.s32 s17, s5;
	p5 =	sle.s32 s12, s17;
	s30 =	simm.s32 @!p1 $0x0  }
0x245: {  	s24 =	sadd.s32 s26, s24;
	p1 =	por p5, p3;
	s26 =	simm.s32 $0x1  }
0x246: {  	p6 =	sle.s32 s16, s5;
	p0 =	sle.s32 s12, s16;
	s26 =	simm.s32 @!p1 $0x0  }
0x247: {  	s24 =	sadd.s32 s30, s24;
	p1 =	por p0, p6;
	s30 =	simm.s32 $0x1  }
0x248: {  	p3 =	sle.s32 s15, s5;
	p5 =	sle.s32 s12, s15;
	s30 =	simm.s32 @!p1 $0x0  }
0x249: {  	s24 =	sadd.s32 s26, s24;
	p1 =	por p5, p3;
	s26 =	simm.s32 $0x1  }
0x24a: {  	p6 =	sle.s32 s14, s5;
	p0 =	sle.s32 s12, s14;
	s26 =	simm.s32 @!p1 $0x0  }
0x24b: {  	s24 =	sadd.s32 s30, s24;
	p1 =	por p0, p6;
	s30 =	simm.s32 $0x1  }
0x24c: {  	p3 =	sle.s32 s13, s5;
	p5 =	sle.s32 s12, s13;
	s30 =	simm.s32 @!p1 $0x0  }
0x24d: {  	s24 =	sadd.s32 s26, s24;
	p1 =	por p5, p3;
	s26 =	simm.s32 $0x1  }
0x24e: {  	p6 =	sle.s32 s11, s5;
	p0 =	sle.s32 s12, s11;
	s26 =	simm.s32 @!p1 $0x0  }
0x24f: {  	s24 =	sadd.s32 s30, s24;
	p1 =	por p0, p6;
	s30 =	simm.s32 $0x1  }
0x250: {  	p3 =	sle.s32 s31, s5;
	p5 =	sle.s32 s12, s31;
	s30 =	simm.s32 @!p1 $0x0  }
0x251: {  	s24 =	sadd.s32 s26, s24;
	p1 =	por p5, p3;
	s26 =	simm.s32 $0x1  }
0x252: {  	p6 =	sle.s32 s6, s5;
	p0 =	sle.s32 s12, s6;
	s26 =	simm.s32 @!p1 $0x0  }
0x253: {  	s24 =	sadd.s32 s30, s24;
	p1 =	por p0, p6;
	s30 =	simm.s32 $0x1  }
0x254: {  	p2 =	sle.s32 s2, s5;
	p3 =	sle.s32 s12, s2;
	s30 =	simm.s32 @!p1 $0x0  }
0x255: {  	s24 =	sadd.s32 s26, s24;
	p1 =	por p3, p2;
	s26 =	simm.s32 $0x1  }
0x256: {  	p5 =	sle.s32 s3, s5;
	p6 =	sle.s32 s12, s3;
	s26 =	simm.s32 @!p1 $0x0  }
0x257: {  	s24 =	sadd.s32 s30, s24;
	p1 =	por p6, p5;
	s30 =	simm.s32 $0x1  }
0x258: {  	s24 =	sadd.s32 s26, s24;
	s30 =	simm.s32 @!p1 $0x0  }
0x259: {  	s24 =	sadd.s32 s30, s24  }
0x25a: {  	p1 =	seq.s32 s24, $0x0  }
0x25b: {  	s26 =	simm.s32 @!p1 $0x2  }
0x25c: {  	p2 =	seq.s32 @!p1 s24, $0x1;
	_ =	swait.ge @!p1 [sflag:s26], $0x600  }
0x25d: {  	p2 =	por p1, p2;
	[sflag:s26] =	ssyncset.done @!p1 $0x0  }
0x25e: {  	[sflag:s26] =	ssyncadd.s32 @!p1 $0xFFFFFA00;
	s26 =	simm.s32 @!p2 $0x2  }
0x25f: {  	p1 =	slt.u32 @!p2 s24, $0x3;
	_ =	swait.ge @!p2 [sflag:s26], $0x600  }
0x260: {  	p1 =	por p2, p1;
	[sflag:s26] =	ssyncset.done @!p2 $0x0  }
0x261: {  	[sflag:s26] =	ssyncadd.s32 @!p2 $0xFFFFFA00;
	s26 =	simm.s32 @!p1 $0x2  }
0x262: {  	p2 =	seq.s32 @!p1 s24, $0x3;
	_ =	swait.ge @!p1 [sflag:s26], $0x600  }
0x263: {  	p2 =	por p1, p2;
	[sflag:s26] =	ssyncset.done @!p1 $0x0  }
0x264: {  	[sflag:s26] =	ssyncadd.s32 @!p1 $0xFFFFFA00;
	s26 =	simm.s32 @!p2 $0x2  }
0x265: {  	p1 =	slt.u32 @!p2 s24, $0x5;
	_ =	swait.ge @!p2 [sflag:s26], $0x600  }
0x266: {  	p1 =	por p2, p1;
	[sflag:s26] =	ssyncset.done @!p2 $0x0  }
0x267: {  	[sflag:s26] =	ssyncadd.s32 @!p2 $0xFFFFFA00;
	s26 =	simm.s32 @!p1 $0x2  }
0x268: {  	p2 =	seq.s32 @!p1 s24, $0x5;
	_ =	swait.ge @!p1 [sflag:s26], $0x600  }
0x269: {  	p2 =	por p1, p2;
	[sflag:s26] =	ssyncset.done @!p1 $0x0  }
0x26a: {  	[sflag:s26] =	ssyncadd.s32 @!p1 $0xFFFFFA00;
	s26 =	simm.s32 @!p2 $0x2  }
0x26b: {  	p1 =	slt.u32 @!p2 s24, $0x7;
	_ =	swait.ge @!p2 [sflag:s26], $0x600  }
0x26c: {  	p1 =	por p2, p1;
	[sflag:s26] =	ssyncset.done @!p2 $0x0  }
0x26d: {  	[sflag:s26] =	ssyncadd.s32 @!p2 $0xFFFFFA00;
	s26 =	simm.s32 @!p1 $0x2  }
0x26e: {  	p2 =	seq.s32 @!p1 s24, $0x7;
	_ =	swait.ge @!p1 [sflag:s26], $0x600  }
0x26f: {  	p2 =	por p1, p2;
	[sflag:s26] =	ssyncset.done @!p1 $0x0  }
0x270: {  	[sflag:s26] =	ssyncadd.s32 @!p1 $0xFFFFFA00;
	s26 =	simm.s32 @!p2 $0x2  }
0x271: {  	p1 =	slt.u32 @!p2 s24, $0x9;
	_ =	swait.ge @!p2 [sflag:s26], $0x600  }
0x272: {  	p1 =	por p2, p1;
	[sflag:s26] =	ssyncset.done @!p2 $0x0  }
0x273: {  	[sflag:s26] =	ssyncadd.s32 @!p2 $0xFFFFFA00;
	s26 =	simm.s32 @!p1 $0x2  }
0x274: {  	p2 =	seq.s32 @!p1 s24, $0x9;
	_ =	swait.ge @!p1 [sflag:s26], $0x600  }
0x275: {  	p2 =	por p1, p2;
	[sflag:s26] =	ssyncset.done @!p1 $0x0  }
0x276: {  	[sflag:s26] =	ssyncadd.s32 @!p1 $0xFFFFFA00;
	p1 =	slt.u32 @!p2 s24, $0xB  }
0x277: {  	p1 =	por p2, p1  }
.Ltmp2:
0x278: {  	_ = 	snop;
	(pc) =	sbr.rel @p1 .LBB2_3-.Ltmp2, $4  }
0x279: {  	s26 =	simm.s32 @!p2 $0x2  }
0x27a: {  	_ =	swait.ge @!p2 [sflag:s26], $0x600  }
0x27b: {  	[sflag:s26] =	ssyncset.done @!p2 $0x0  }
0x27c: {  	[sflag:s26] =	ssyncadd.s32 @!p2 $0xFFFFFA00  }
0x27d: {  	p1 =	seq.s32 s24, $0xB  }
0x27e: {  	s10 =	simm.s32 $0x2;
	p2 =	slt.u32 @!p1 s24, $0xD  }
0x27f: {  	_ =	swait.ge [sflag:s10], $0x600;
	p3 =	por p2, p1  }
0x280: {  	[sflag:s10] =	ssyncset.done $0x0;
	p4 =	seq.s32 @!p3 s24, $0xD  }
0x281: {  	[sflag:s10] =	ssyncadd.s32 $0xFFFFFA00;
	s10 =	simm.s32 @!p4 $0x0;
	p5 =	por @!p1 p4, p2  }
0x282: {  	s10 =	simm.s32 @p4 $0x1;
	p5 =	por p5, p1  }
0x283: {  	s26 =	simm.s32 @!p1 $0x2;
	[smem:$0x7FC] =	sst s10;
	p0 =	slt.u32 @!p5 s24, $0xF  }
0x284: {  	_ =	swait.ge @!p1 [sflag:s26], $0x600;
	s10 =	simm.s32 @!p0 $0x0  }
0x285: {  	[sflag:s26] =	ssyncset.done @!p1 $0x0;
	s10 =	simm.s32 @p0 $0x1  }
0x286: {  	[sflag:s26] =	ssyncadd.s32 @!p1 $0xFFFFFA00;
	s26 =	simm.s32 @!p3 $0x2;
	[smem:$0x7FB] =	sst s10  }
0x287: {  	_ =	swait.ge @!p3 [sflag:s26], $0x600  }
0x288: {  	p0 =	por @!p3 p0, p4;
	[sflag:s26] =	ssyncset.done @!p3 $0x0  }
0x289: {  	p0 =	por @!p1 p0, p2;
	[sflag:s26] =	ssyncadd.s32 @!p3 $0xFFFFFA00;
	s26 =	simm.s32 @!p5 $0x2  }
0x28a: {  	p0 =	por p0, p1;
	_ =	swait.ge @!p5 [sflag:s26], $0x600  }
0x28b: {  	p6 =	seq.s32 @!p0 s24, $0xF;
	s24 =	sld [smem:$0x7FB]  }
0x28c: {  	s28 =	sld [smem:$0x7FC];
	_ =	sdelay $0x1  }
0x28d: {  	p4 =	seq.s32 s24, $0x1  }
0x28e: {  	[sflag:s26] =	ssyncset.done @!p5 $0x0;
	p6 =	por @!p5 p6, p4;
	p4 =	seq.s32 s28, $0x1  }
0x28f: {  	[sflag:s26] =	ssyncadd.s32 @!p5 $0xFFFFFA00;
	s24 =	simm.s32 @!p0 $0x2;
	p3 =	por @!p3 p6, p4  }
0x290: {  	s30 =	sld [smem:$0x7FD];
	_ =	swait.ge @!p0 [sflag:s24], $0x600;
	p2 =	por @!p1 p3, p2  }
.Ltmp3:
0x291: {  	[sflag:s24] =	ssyncset.done @!p0 $0x0;
	p1 =	por p2, p1;
	(pc) =	sbr.rel .LBB2_3-.Ltmp3, $4  }
0x292: {  	[sflag:s24] =	ssyncadd.s32 @!p0 $0xFFFFFA00;
	s24 =	simm.s32 @!p1 $0x2  }
0x293: {  	_ =	swait.ge @!p1 [sflag:s24], $0x600  }
0x294: {  	[sflag:s24] =	ssyncset.done @!p1 $0x0  }
0x295: {  	p4 =	seq.s32 s30, $0x1;
	[sflag:s24] =	ssyncadd.s32 @!p1 $0xFFFFFA00  }
.LBB2_4:
0x296: {  	_ =	sfence.sel $0x180000  }
0x297: {  	[bflag:$0x0] =	sbarrier.arrive $0xFFFF  }
0x298: {  	_ =	strace $0x90000047  }
0x299: {  	[bflag:$0x2] =	sbarrier.arrive $0xFFFF  }
0x29a: {  	s0 =	rddreg [dreg:$0x6]  }
0x29b: {  	s0 =	sadd.s32 @!p4 $0x100000, s0  }
0x29c: {  	[sflag:s0] =	ssyncadd.tile.s32 @!p4 $0x1;
	_ =	shalt  }
.Lfunc_end2:
_tile_overlayer_lowered:
.L_overlay_start_2:
0x29d: {  	(tag) =	ssettag $0x2  }
0x29e: {  	s0 =	rddreg [dreg:$0x0];
	s2 =	stileid.u32  }
0x29f: {  	s1 =	rddreg [dreg:$0x1];
	p0 =	sne.s32 s2, $0x0  }
0x2a0: {  	s3 =	rddreg [dreg:$0x2];
	[bflag:$0x3] =	sbarrier.arrive $0xFFFF;
	s2 =	simm.s32 @!p0 $0x1C03  }
0x2a1: {  	[timem:s3], [sflag:s2] =	dma.local @!p0 [hbm:s0], s1  }
0x2a2: {  	s0 =	simm.s32 @!p0 $0x3  }
0x2a3: {  	_ =	swait.ge @!p0 [sflag:s0], s1  }
0x2a4: {  	s1 =	ssub.s32 @!p0 $0x0, s1;
	[sflag:s0] =	ssyncset.done @!p0 $0x0  }
0x2a5: {  	[sflag:s0] =	ssyncadd.s32 @!p0 s1  }
0x2a6: {  	[bflag:$0x3] =	sbarrier.arrive $0xFFFF  }
0x2a7: {  	_ =	shalt  }

</sc_bundles>
